<compile_context>
chip_gen: v7x
topology: tpu7x:2x2x1
jax: 0.10.2.dev20260603
libtpu: 0.0.44.dev20260713+nightly
codegen_flags: <defaults>
</compile_context>

<pallas_src>
import functools

import jax
import jax.numpy as jnp
from jax import lax
from jax.experimental import pallas as pl
from jax.experimental.pallas import tpu as pltpu
from jax.experimental.pallas import tpu_sc as plsc

_EPS = 1e-3
_K = 16
_KH = 8

_SC_CORES = 2
_SC_SUBCORES = 16
_SC_WORKERS = _SC_CORES * _SC_SUBCORES
_SC_CHUNK = 128



def _knn_body(new_ref, srct_ref, out_ref, *, set_id, nbatch, npts):
    b = pl.program_id(0)
    new = new_ref[0]
    srct = srct_ref[0]
    d2 = None
    for d in range(3):
        diff = new[:, d:d + 1] - srct[d:d + 1, :]
        sq = diff * diff
        d2 = sq if d2 is None else d2 + sq
    colsf = lax.broadcasted_iota(jnp.int32, d2.shape, 1).astype(jnp.float32)
    base = (set_id * nbatch + b) * npts
    bigf = jnp.float32(3e38)
    for j in range(_KH):
        m = jnp.min(d2, axis=1, keepdims=True)
        cand = jnp.where(d2 == m, colsf, bigf)
        idxj = jnp.min(cand, axis=1, keepdims=True)
        out_ref[0, :, j:j + 1] = idxj.astype(jnp.int32) + base
        d2 = jnp.where(colsf == idxj, jnp.float32(jnp.inf), d2)


def _knn_topk(new_pts, srct_s, set_id, rows_per_tile=256):
    nbatch, npts, _ = new_pts.shape
    ntiles = npts // rows_per_tile
    return pl.pallas_call(
        functools.partial(_knn_body, set_id=set_id, nbatch=nbatch, npts=npts),
        grid=(nbatch, ntiles),
        in_specs=[
            pl.BlockSpec((1, rows_per_tile, 3), lambda b, t: (b, t, 0)),
            pl.BlockSpec((1, 3, npts), lambda b, t: (b, 0, 0)),
        ],
        out_specs=pl.BlockSpec((1, rows_per_tile, _KH),
                               lambda b, t: (b, t, 0)),
        out_shape=jax.ShapeDtypeStruct((nbatch, npts, _KH), jnp.int32),
    )(new_pts, srct_s)



def _sc_gather(table, idx):
    nidx = idx.shape[0]
    dim = table.shape[1]
    per_w = nidx // _SC_WORKERS
    nchunks = per_w // _SC_CHUNK
    mesh = plsc.VectorSubcoreMesh(core_axis_name="c", subcore_axis_name="s")

    @functools.partial(
        pl.kernel,
        mesh=mesh,
        out_type=jax.ShapeDtypeStruct((nidx, dim), jnp.float32),
        scratch_types=[
            pltpu.VMEM((_SC_CHUNK,), jnp.int32),
            pltpu.VMEM((_SC_CHUNK, dim), jnp.float32),
            pltpu.SemaphoreType.DMA,
        ],
    )
    def gather_k(table_hbm, idx_hbm, out_hbm, idx_v, rows_v, sem):
        wid = lax.axis_index("s") * _SC_CORES + lax.axis_index("c")
        base = wid * per_w

        def body(ci, carry):
            off = base + ci * _SC_CHUNK
            pltpu.sync_copy(idx_hbm.at[pl.ds(off, _SC_CHUNK)], idx_v)
            pltpu.async_copy(table_hbm.at[idx_v], rows_v, sem).wait()
            pltpu.sync_copy(rows_v, out_hbm.at[pl.ds(off, _SC_CHUNK)])
            return carry

        lax.fori_loop(0, nchunks, body, 0)

    return gather_k(table, idx)



def _p1_body(g_ref, new_ref, w1t_ref, b1_ref, y_ref, s_ref):
    t = pl.program_id(0)
    g = g_ref[...]
    rows = g.shape[0]
    nv = new_ref[...]
    nrep = jnp.broadcast_to(nv[:, None, :], (rows // _KH, _KH, 3)).reshape(rows, 3)
    resi = g[:, 0:3] - nrep
    dist = jnp.sqrt(jnp.sum(resi * resi, axis=1, keepdims=True))
    h0 = jnp.concatenate([resi, dist], axis=1)
    y = jnp.dot(h0, w1t_ref[...],
                preferred_element_type=jnp.float32) + b1_ref[...]
    y_ref[...] = y

    @pl.when(t == 0)
    def _():
        s_ref[...] = jnp.zeros_like(s_ref)

    s_ref[0:1, :] += jnp.sum(y, axis=0, keepdims=True)
    s_ref[1:2, :] += jnp.sum(y * y, axis=0, keepdims=True)


def _mid_body(y_ref, st_ref, wt_ref, b_ref, g_ref, be_ref, out_ref, s_ref,
              *, inv_s, write_h):
    t = pl.program_id(0)
    mean = st_ref[0:1, :] * inv_s
    var = st_ref[1:2, :] * inv_s - mean * mean
    scale = g_ref[...] * lax.rsqrt(var + _EPS)
    h = jnp.maximum((y_ref[...] - mean) * scale + be_ref[...], 0.0)
    y_next = jnp.dot(h, wt_ref[...], preferred_element_type=jnp.float32) + b_ref[...]
    out_ref[...] = h if write_h else y_next

    @pl.when(t == 0)
    def _():
        s_ref[...] = jnp.zeros_like(s_ref)

    s_ref[0:1, :] += jnp.sum(y_next, axis=0, keepdims=True)
    s_ref[1:2, :] += jnp.sum(y_next * y_next, axis=0, keepdims=True)


def _p4_body(ha_ref, hb_ref, ga_ref, gb_ref, st_ref, wt_ref, b_ref,
             gam_ref, be_ref, o_ref, *, inv_s, rows):
    mean = st_ref[0:1, :] * inv_s
    var = st_ref[1:2, :] * inv_s - mean * mean
    scale = gam_ref[...] * lax.rsqrt(var + _EPS)
    npoint = rows // _KH

    def half(h_ref, g_ref):
        y3 = jnp.dot(h_ref[...], wt_ref[...],
                     preferred_element_type=jnp.float32) + b_ref[...]
        x3 = jnp.maximum((y3 - mean) * scale + be_ref[...], 0.0)
        e = jnp.exp(jnp.max(x3, axis=1, keepdims=True))
        f = g_ref[:, 0:67]
        num = jnp.sum((e * f).reshape(npoint, _KH, 67), axis=1)
        den = jnp.sum(e.reshape(npoint, _KH, 1), axis=1)
        return num, den

    na, da = half(ha_ref, ga_ref)
    nb, db = half(hb_ref, gb_ref)
    o_ref[...] = (na + nb) / (da + db)


def _mlp_fusion(gath_a, gath_b, new_pts2d, params):
    sh = gath_a.shape[0]
    s_total = 2 * sh
    rows = 4096
    ntiles = sh // rows
    inv_s = 1.0 / s_total
    (w1, b1, g1, be1), (w2, b2, g2, be2), (w3, b3, g3, be3) = params
    c1, c2, c3 = w1.shape[0], w2.shape[0], w3.shape[0]

    def stat_spec(c):
        return pl.BlockSpec((2, c), lambda t: (0, 0))

    def full(shp):
        return pl.BlockSpec(shp, lambda t: (0, 0))

    def vec(a):
        return a.reshape(1, -1)

    def p1(gath_h):
        return pl.pallas_call(
            _p1_body,
            grid=(ntiles,),
            in_specs=[
                pl.BlockSpec((rows, gath_h.shape[1]), lambda t: (t, 0)),
                pl.BlockSpec((rows // _KH, 3), lambda t: (t, 0)),
                full((4, c1)), full((1, c1)),
            ],
            out_specs=[pl.BlockSpec((rows, c1), lambda t: (t, 0)), stat_spec(c1)],
            out_shape=[jax.ShapeDtypeStruct((sh, c1), jnp.float32),
                       jax.ShapeDtypeStruct((2, c1), jnp.float32)],
        )(gath_h, new_pts2d, w1.T, vec(b1))

    def mid(y_h, st, wt, b, g, be, cin, cout, write_h):
        return pl.pallas_call(
            functools.partial(_mid_body, inv_s=inv_s, write_h=write_h),
            grid=(ntiles,),
            in_specs=[
                pl.BlockSpec((rows, cin), lambda t: (t, 0)),
                stat_spec(cin), full((cin, cout)), full((1, cout)),
                full((1, cin)), full((1, cin)),
            ],
            out_specs=[pl.BlockSpec((rows, cin if write_h else cout),
                                    lambda t: (t, 0)), stat_spec(cout)],
            out_shape=[jax.ShapeDtypeStruct((sh, cin if write_h else cout),
                                            jnp.float32),
                       jax.ShapeDtypeStruct((2, cout), jnp.float32)],
        )(y_h, st, wt, b, g, be)

    y1a, s1a = p1(gath_a)
    y1b, s1b = p1(gath_b)
    s1 = s1a + s1b

    y2a, s2a = mid(y1a, s1, w2.T, vec(b2), vec(g1), vec(be1), c1, c2, False)
    y2b, s2b = mid(y1b, s1, w2.T, vec(b2), vec(g1), vec(be1), c1, c2, False)
    s2 = s2a + s2b

    h2a, s3a = mid(y2a, s2, w3.T, vec(b3), vec(g2), vec(be2), c2, c3, True)
    h2b, s3b = mid(y2b, s2, w3.T, vec(b3), vec(g2), vec(be2), c2, c3, True)
    s3 = s3a + s3b

    rows4 = 2048
    nt4 = sh // rows4
    out = pl.pallas_call(
        functools.partial(_p4_body, inv_s=inv_s, rows=rows4),
        grid=(nt4,),
        in_specs=[
            pl.BlockSpec((rows4, c2), lambda t: (t, 0)),
            pl.BlockSpec((rows4, c2), lambda t: (t, 0)),
            pl.BlockSpec((rows4, gath_a.shape[1]), lambda t: (t, 0)),
            pl.BlockSpec((rows4, gath_b.shape[1]), lambda t: (t, 0)),
            stat_spec(c3), full((c2, c3)), full((1, c3)),
            full((1, c3)), full((1, c3)),
        ],
        out_specs=pl.BlockSpec((rows4 // _KH, 67), lambda t: (t, 0)),
        out_shape=jax.ShapeDtypeStruct((sh // _KH, 67), jnp.float32),
    )(h2a, h2b, gath_a, gath_b, s3, w3.T, vec(b3), vec(g3), vec(be3))
    return out



def kernel(points1, points2, features1, features2, k, t, params):
    nbatch, npts, _ = points1.shape
    nfeat = features1.shape[1]
    n2 = npts // 2
    n1 = npts - n2

    perm_key = jax.random.key(42)
    new_rows = []
    for i in range(nbatch):
        ka = jax.random.fold_in(perm_key, 2 * i)
        kb = jax.random.fold_in(perm_key, 2 * i + 1)
        idx1 = jax.random.permutation(ka, npts)[:n1]
        idx2 = jax.random.permutation(kb, npts)[:n2]
        new_rows.append(jnp.concatenate([points1[i][idx1], points2[i][idx2]], axis=0))
    new_pts = jnp.stack(new_rows, axis=0)

    src = jnp.stack([points1, points2], axis=0)
    srct = jnp.transpose(src, (0, 1, 3, 2))

    feats = jnp.stack([features1, features2], axis=0)
    featst = jnp.transpose(feats, (0, 1, 3, 2))
    dim = 3 + nfeat
    pad = (-dim) % 128
    table = jnp.concatenate(
        [src, featst, jnp.zeros((2, nbatch, npts, pad), jnp.float32)], axis=-1)
    table = table.reshape(2 * nbatch * npts, dim + pad)

    idxa = _knn_topk(new_pts, srct[0], 0).reshape(-1)
    gath_a = _sc_gather(table, idxa)
    idxb = _knn_topk(new_pts, srct[1], 1).reshape(-1)
    gath_b = _sc_gather(table, idxb)

    out = _mlp_fusion(gath_a, gath_b,
                      new_pts.reshape(nbatch * npts, 3), params)
    return jnp.transpose(out.reshape(nbatch, npts, dim), (0, 2, 1))

# --- scband reference (transcript-rebuilt; emitter-appended) ---
"""Pipeline reference for scband-points-fusion-5738076308170 (READ-ONLY COPY).

The authoritative reference and input builder live on the scoring server;
editing this copy changes nothing except your own understanding.
"""

import jax, jax.numpy as jnp
import numpy as np

IN_CHANNELS = 4
OUT_CHANNELS = [64, 128, 256]
EPS = 1e-3


def setup_inputs(seed: int = 0):
    key = jax.random.key(seed)
    ks = jax.random.split(key, 4)
    B, N, C = 4, 4096, 64
    inp = {
        "points1": jax.random.normal(ks[0], (B, N, 3), dtype=jnp.float32),
        "points2": jax.random.normal(ks[1], (B, N, 3), dtype=jnp.float32),
        "features1": jax.random.normal(ks[2], (B, C, N), dtype=jnp.float32),
        "features2": jax.random.normal(ks[3], (B, C, N), dtype=jnp.float32),
        "k": 16,
        "t": jnp.array([0.5], dtype=jnp.float32),
    }
    params = []
    c_prev = IN_CHANNELS
    for i, c_out in enumerate(OUT_CHANNELS):
        kw = jax.random.fold_in(key, 100 + i)
        W = jax.random.normal(kw, (c_out, c_prev), dtype=jnp.float32) * (1.0 / np.sqrt(c_prev))
        b = jnp.zeros((c_out,), dtype=jnp.float32)
        gamma = jnp.ones((c_out,), dtype=jnp.float32)
        beta = jnp.zeros((c_out,), dtype=jnp.float32)
        params.append((W, b, gamma, beta))
        c_prev = c_out
    inp["params"] = params
    return inp


def _knn_group(new_points, src_points, src_features, k):
    # new_points [N,3], src_points [Ns,3], src_features [C,Ns]
    d2 = jnp.sum((new_points[:, None, :] - src_points[None, :, :]) ** 2, axis=-1)  # [N,Ns]
    _, idx = jax.lax.top_k(-d2, k)  # [N,k], ascending distance like knn_points
    nn = src_points[idx]  # [N,k,3]
    resi = nn - new_points[:, None, :]  # [N,k,3]
    dist = jnp.linalg.norm(resi, axis=-1, keepdims=True)  # [N,k,1]
    grouped_features = src_features.T[idx]  # [N,k,C]
    new_features = jnp.concatenate([resi, dist], axis=-1)  # [N,k,4]
    return (
        jnp.transpose(new_features, (2, 0, 1)),  # [4,N,k]
        jnp.transpose(nn, (2, 0, 1)),  # [3,N,k]
        jnp.transpose(grouped_features, (2, 0, 1)),  # [C,N,k]
    )


def _fusion_forward(points1, points2, features1, features2, params, k, t):
    B, N, _ = points1.shape
    tv = 0.5
    k_static = 16
    N2 = int(N * tv)
    N1 = N - N2
    k2 = int(k_static * tv)
    k1 = k_static - k2
    perm_key = jax.random.key(42)
    outs_f, outs_p, outs_g = [], [], []
    for i in range(B):
        ka = jax.random.fold_in(perm_key, 2 * i)
        kb = jax.random.fold_in(perm_key, 2 * i + 1)
        idx1 = jax.random.permutation(ka, N)[:N1]
        idx2 = jax.random.permutation(kb, N)[:N2]
        new_points = jnp.concatenate([points1[i][idx1], points2[i][idx2]], axis=0)  # [N,3]
        f1, p1, g1 = _knn_group(new_points, points1[i], features1[i], k1)
        f2, p2, g2 = _knn_group(new_points, points2[i], features2[i], k2)
        outs_f.append(jnp.concatenate([f1, f2], axis=-1))
        outs_p.append(jnp.concatenate([p1, p2], axis=-1))
        outs_g.append(jnp.concatenate([g1, g2], axis=-1))
    new_features = jnp.stack(outs_f, axis=0)  # [B,4,N,k]
    grouped_points = jnp.stack(outs_p, axis=0)  # [B,3,N,k]
    grouped_features = jnp.stack(outs_g, axis=0)  # [B,C,N,k]
    x = new_features
    for (W, b, gamma, beta) in params:
        x = jnp.einsum('oc,bcnk->bonk', W, x) + b[None, :, None, None]
        mean = jnp.mean(x, axis=(0, 2, 3), keepdims=True)
        var = jnp.var(x, axis=(0, 2, 3), keepdims=True)
        x = gamma[None, :, None, None] * (x - mean) / jnp.sqrt(var + EPS) + beta[None, :, None, None]
        x = jax.nn.relu(x)
    scores = jnp.max(x, axis=1)  # [B,N,k]
    weights = jax.nn.softmax(scores, axis=-1)[:, None, :, :]  # [B,1,N,k]
    fused = jnp.concatenate([grouped_points, grouped_features], axis=1)  # [B,3+C,N,k]
    out = jnp.sum(weights * fused, axis=-1)  # [B,3+C,N]
    zero = 0.0 * (jnp.asarray(t, dtype=out.dtype)[0] + jnp.asarray(k, dtype=out.dtype))
    return out + zero


def reference(points1, points2, features1, features2, k, t, params):
    return _fusion_forward(points1, points2, features1, features2, params, k, t)

if __name__ == "__main__":
    import jax
    _d = setup_inputs()
    print(jax.jit(kernel)(*tuple(_d.values())))

</pallas_src>

<mosaic_0001>
#map = affine_map<(d0, d1) -> (0, 0)>
#map1 = affine_map<(d0, d1) -> (0)>
module attributes {stable_mosaic.version = 14 : i64} {
  func.func @gather_k(%arg0: i32, %arg1: i32, %arg2: memref<32768x128xf32, #tpu.memory_space<hbm>>, %arg3: memref<131072xi32, #tpu.memory_space<hbm>>, %arg4: memref<131072x128xf32, #tpu.memory_space<hbm>>, %arg5: memref<128xi32, #tpu.memory_space<vmem>>, %arg6: memref<128x128xf32, #tpu.memory_space<vmem>>, %arg7: memref<!tpu.dma_semaphore, #tpu.memory_space<semaphore_mem>>) attributes {dimension_semantics = [#tpu.dimension_semantics<core_parallel>, #tpu.dimension_semantics<subcore_parallel>], iteration_bounds = array<i64: 2, 16>, scalar_prefetch = 0 : i64, scratch_operands = 3 : i64, tpu.core_type = #tpu.core_type<sc_vector_subcore>, window_params = [{transform_indices = #map}, {transform_indices = #map1}, {transform_indices = #map}]} {
    %mul3A = arith.constant 2 : i32
    %mul3A_0 = arith.muli %arg1, %mul3A : i32
    %add3A = arith.addi %mul3A_0, %arg0 : i32
    %mul3A_1 = arith.constant 4096 : i32
    %mul3A_2 = arith.muli %add3A, %mul3A_1 : i32
    %scan3A = arith.constant 0 : i32
    %scan3A_3 = arith.constant 0 : i32
    %scan3A_4 = arith.constant 32 : i32
    %scan3A_5 = arith.addi %scan3A_3, %scan3A_4 : i32
    %scan3A_6 = arith.constant 1 : i32
    scf.for %scan3A_8 = %scan3A_3 to %scan3A_5 step %scan3A_6  : i32 {
      %mul3A_9 = arith.constant 128 : i32
      %mul3A_10 = arith.muli %scan3A_8, %mul3A_9 : i32
      %add3A_11 = arith.addi %mul3A_2, %mul3A_10 : i32
      "tpu.region"() ({
        %run_scoped3A = tpu.sem_alloc : memref<!tpu.dma_semaphore, #tpu.memory_space<semaphore_mem>>
        %dma_start3A_16 = tpu.memref_slice %arg3[%add3A_11] : memref<131072xi32, #tpu.memory_space<hbm>> -> memref<128xi32, #tpu.memory_space<hbm>>
        %dma_start3A_17 = tpu.memref_slice %arg3[%add3A_11] : memref<131072xi32, #tpu.memory_space<hbm>> -> memref<128xi32, #tpu.memory_space<hbm>>
        tpu.enqueue_dma source(%dma_start3A_17 : memref<128xi32, #tpu.memory_space<hbm>>) target(%arg5 : memref<128xi32, #tpu.memory_space<vmem>>) target_semaphore(%run_scoped3A : memref<!tpu.dma_semaphore, #tpu.memory_space<semaphore_mem>>)
        %dma_wait3A_18 = tpu.memref_slice %arg3[%add3A_11] : memref<131072xi32, #tpu.memory_space<hbm>> -> memref<128xi32, #tpu.memory_space<hbm>>
        %dma_wait3A_19 = tpu.memref_slice %arg3[%add3A_11] : memref<131072xi32, #tpu.memory_space<hbm>> -> memref<128xi32, #tpu.memory_space<hbm>>
        tpu.wait_dma2 semaphore(%run_scoped3A : memref<!tpu.dma_semaphore, #tpu.memory_space<semaphore_mem>>) src(%dma_wait3A_19 : memref<128xi32, #tpu.memory_space<hbm>>) dst(%arg5 : memref<128xi32, #tpu.memory_space<vmem>>)
        tpu.yield
      }) : () -> ()
      %dma_start3A = arith.constant 0 : i32
      %dma_start3A_12 = arith.constant 0 : i32
      %dma_start3A_13 = tpu.memref_slice %arg2[%dma_start3A, %dma_start3A_12] : memref<32768x128xf32, #tpu.memory_space<hbm>> -> memref<32768x128xf32, #tpu.memory_space<hbm>>
      tpu.enqueue_indirect_dma source(%dma_start3A_13 : memref<32768x128xf32, #tpu.memory_space<hbm>>) target(%arg6 : memref<128x128xf32, #tpu.memory_space<vmem>>) offsets(%arg5 : memref<128xi32, #tpu.memory_space<vmem>>) semaphore(%arg7 : memref<!tpu.dma_semaphore, #tpu.memory_space<semaphore_mem>>)
      %dma_wait3A = arith.constant 0 : i32
      %dma_wait3A_14 = arith.constant 0 : i32
      %dma_wait3A_15 = tpu.memref_slice %arg2[%dma_wait3A, %dma_wait3A_14] : memref<32768x128xf32, #tpu.memory_space<hbm>> -> memref<32768x128xf32, #tpu.memory_space<hbm>>
      tpu.wait_indirect_dma semaphore(%arg7 : memref<!tpu.dma_semaphore, #tpu.memory_space<semaphore_mem>>) src(%dma_wait3A_15 : memref<32768x128xf32, #tpu.memory_space<hbm>>) dst(%arg6 : memref<128x128xf32, #tpu.memory_space<vmem>>)
      "tpu.region"() ({
        %run_scoped3A = tpu.sem_alloc : memref<!tpu.dma_semaphore, #tpu.memory_space<semaphore_mem>>
        %dma_start3A_16 = arith.constant 0 : i32
        %dma_start3A_17 = tpu.memref_slice %arg4[%add3A_11, %dma_start3A_16] : memref<131072x128xf32, #tpu.memory_space<hbm>> -> memref<128x128xf32, #tpu.memory_space<hbm>>
        %dma_start3A_18 = arith.constant 0 : i32
        %dma_start3A_19 = tpu.memref_slice %arg4[%add3A_11, %dma_start3A_18] : memref<131072x128xf32, #tpu.memory_space<hbm>> -> memref<128x128xf32, #tpu.memory_space<hbm>>
        tpu.enqueue_dma source(%arg6 : memref<128x128xf32, #tpu.memory_space<vmem>>) target(%dma_start3A_19 : memref<128x128xf32, #tpu.memory_space<hbm>>) target_semaphore(%run_scoped3A : memref<!tpu.dma_semaphore, #tpu.memory_space<semaphore_mem>>)
        %dma_wait3A_20 = arith.constant 0 : i32
        %dma_wait3A_21 = tpu.memref_slice %arg4[%add3A_11, %dma_wait3A_20] : memref<131072x128xf32, #tpu.memory_space<hbm>> -> memref<128x128xf32, #tpu.memory_space<hbm>>
        %dma_wait3A_22 = arith.constant 0 : i32
        %dma_wait3A_23 = tpu.memref_slice %arg4[%add3A_11, %dma_wait3A_22] : memref<131072x128xf32, #tpu.memory_space<hbm>> -> memref<128x128xf32, #tpu.memory_space<hbm>>
        tpu.wait_dma2 semaphore(%run_scoped3A : memref<!tpu.dma_semaphore, #tpu.memory_space<semaphore_mem>>) src(%arg6 : memref<128x128xf32, #tpu.memory_space<vmem>>) dst(%dma_wait3A_23 : memref<128x128xf32, #tpu.memory_space<hbm>>)
        tpu.yield
      }) : () -> ()
    }
    %scan3A_7 = arith.constant 32 : i32
    return
  }
}

#map = affine_map<(d0, d1) -> (0, 0)>
#map1 = affine_map<(d0, d1) -> (0)>
module attributes {stable_mosaic.version = 14 : i64} {
  func.func @gather_k(%arg0: i32, %arg1: i32, %arg2: memref<32768x128xf32, #tpu.memory_space<hbm>>, %arg3: memref<131072xi32, #tpu.memory_space<hbm>>, %arg4: memref<131072x128xf32, #tpu.memory_space<hbm>>, %arg5: memref<128xi32, #tpu.memory_space<vmem>>, %arg6: memref<128x128xf32, #tpu.memory_space<vmem>>, %arg7: memref<!tpu.dma_semaphore, #tpu.memory_space<semaphore_mem>>) attributes {dimension_semantics = [#tpu.dimension_semantics<core_parallel>, #tpu.dimension_semantics<subcore_parallel>], iteration_bounds = array<i64: 2, 16>, scalar_prefetch = 0 : i64, scratch_operands = 3 : i64, tpu.core_type = #tpu.core_type<sc_vector_subcore>, window_params = [{transform_indices = #map}, {transform_indices = #map1}, {transform_indices = #map}]} {
    %mul3A = arith.constant 2 : i32
    %mul3A_0 = arith.muli %arg1, %mul3A : i32
    %add3A = arith.addi %mul3A_0, %arg0 : i32
    %mul3A_1 = arith.constant 4096 : i32
    %mul3A_2 = arith.muli %add3A, %mul3A_1 : i32
    %scan3A = arith.constant 0 : i32
    %scan3A_3 = arith.constant 0 : i32
    %scan3A_4 = arith.constant 32 : i32
    %scan3A_5 = arith.addi %scan3A_3, %scan3A_4 : i32
    %scan3A_6 = arith.constant 1 : i32
    scf.for %scan3A_8 = %scan3A_3 to %scan3A_5 step %scan3A_6  : i32 {
      %mul3A_9 = arith.constant 128 : i32
      %mul3A_10 = arith.muli %scan3A_8, %mul3A_9 : i32
      %add3A_11 = arith.addi %mul3A_2, %mul3A_10 : i32
      "tpu.region"() ({
        %run_scoped3A = tpu.sem_alloc : memref<!tpu.dma_semaphore, #tpu.memory_space<semaphore_mem>>
        %dma_start3A_16 = tpu.memref_slice %arg3[%add3A_11] : memref<131072xi32, #tpu.memory_space<hbm>> -> memref<128xi32, #tpu.memory_space<hbm>>
        %dma_start3A_17 = tpu.memref_slice %arg3[%add3A_11] : memref<131072xi32, #tpu.memory_space<hbm>> -> memref<128xi32, #tpu.memory_space<hbm>>
        tpu.enqueue_dma source(%dma_start3A_17 : memref<128xi32, #tpu.memory_space<hbm>>) target(%arg5 : memref<128xi32, #tpu.memory_space<vmem>>) target_semaphore(%run_scoped3A : memref<!tpu.dma_semaphore, #tpu.memory_space<semaphore_mem>>)
        %dma_wait3A_18 = tpu.memref_slice %arg3[%add3A_11] : memref<131072xi32, #tpu.memory_space<hbm>> -> memref<128xi32, #tpu.memory_space<hbm>>
        %dma_wait3A_19 = tpu.memref_slice %arg3[%add3A_11] : memref<131072xi32, #tpu.memory_space<hbm>> -> memref<128xi32, #tpu.memory_space<hbm>>
        tpu.wait_dma2 semaphore(%run_scoped3A : memref<!tpu.dma_semaphore, #tpu.memory_space<semaphore_mem>>) src(%dma_wait3A_19 : memref<128xi32, #tpu.memory_space<hbm>>) dst(%arg5 : memref<128xi32, #tpu.memory_space<vmem>>)
        tpu.yield
      }) : () -> ()
      %dma_start3A = arith.constant 0 : i32
      %dma_start3A_12 = arith.constant 0 : i32
      %dma_start3A_13 = tpu.memref_slice %arg2[%dma_start3A, %dma_start3A_12] : memref<32768x128xf32, #tpu.memory_space<hbm>> -> memref<32768x128xf32, #tpu.memory_space<hbm>>
      tpu.enqueue_indirect_dma source(%dma_start3A_13 : memref<32768x128xf32, #tpu.memory_space<hbm>>) target(%arg6 : memref<128x128xf32, #tpu.memory_space<vmem>>) offsets(%arg5 : memref<128xi32, #tpu.memory_space<vmem>>) semaphore(%arg7 : memref<!tpu.dma_semaphore, #tpu.memory_space<semaphore_mem>>)
      %dma_wait3A = arith.constant 0 : i32
      %dma_wait3A_14 = arith.constant 0 : i32
      %dma_wait3A_15 = tpu.memref_slice %arg2[%dma_wait3A, %dma_wait3A_14] : memref<32768x128xf32, #tpu.memory_space<hbm>> -> memref<32768x128xf32, #tpu.memory_space<hbm>>
      tpu.wait_indirect_dma semaphore(%arg7 : memref<!tpu.dma_semaphore, #tpu.memory_space<semaphore_mem>>) src(%dma_wait3A_15 : memref<32768x128xf32, #tpu.memory_space<hbm>>) dst(%arg6 : memref<128x128xf32, #tpu.memory_space<vmem>>)
      "tpu.region"() ({
        %run_scoped3A = tpu.sem_alloc : memref<!tpu.dma_semaphore, #tpu.memory_space<semaphore_mem>>
        %dma_start3A_16 = arith.constant 0 : i32
        %dma_start3A_17 = tpu.memref_slice %arg4[%add3A_11, %dma_start3A_16] : memref<131072x128xf32, #tpu.memory_space<hbm>> -> memref<128x128xf32, #tpu.memory_space<hbm>>
        %dma_start3A_18 = arith.constant 0 : i32
        %dma_start3A_19 = tpu.memref_slice %arg4[%add3A_11, %dma_start3A_18] : memref<131072x128xf32, #tpu.memory_space<hbm>> -> memref<128x128xf32, #tpu.memory_space<hbm>>
        tpu.enqueue_dma source(%arg6 : memref<128x128xf32, #tpu.memory_space<vmem>>) target(%dma_start3A_19 : memref<128x128xf32, #tpu.memory_space<hbm>>) target_semaphore(%run_scoped3A : memref<!tpu.dma_semaphore, #tpu.memory_space<semaphore_mem>>)
        %dma_wait3A_20 = arith.constant 0 : i32
        %dma_wait3A_21 = tpu.memref_slice %arg4[%add3A_11, %dma_wait3A_20] : memref<131072x128xf32, #tpu.memory_space<hbm>> -> memref<128x128xf32, #tpu.memory_space<hbm>>
        %dma_wait3A_22 = arith.constant 0 : i32
        %dma_wait3A_23 = tpu.memref_slice %arg4[%add3A_11, %dma_wait3A_22] : memref<131072x128xf32, #tpu.memory_space<hbm>> -> memref<128x128xf32, #tpu.memory_space<hbm>>
        tpu.wait_dma2 semaphore(%run_scoped3A : memref<!tpu.dma_semaphore, #tpu.memory_space<semaphore_mem>>) src(%arg6 : memref<128x128xf32, #tpu.memory_space<vmem>>) dst(%dma_wait3A_23 : memref<128x128xf32, #tpu.memory_space<hbm>>)
        tpu.yield
      }) : () -> ()
    }
    %scan3A_7 = arith.constant 32 : i32
    return
  }
}

module attributes {stable_mosaic.version = 14 : i64} {
  func.func @_knn_body(%arg0: i32, %arg1: i32, %arg2: memref<1x256x3xf32, #tpu.memory_space<vmem>>, %arg3: memref<1x3x4096xf32, #tpu.memory_space<vmem>>, %arg4: memref<1x256x8xi32, #tpu.memory_space<vmem>>) attributes {dimension_semantics = [#tpu.dimension_semantics<arbitrary>, #tpu.dimension_semantics<arbitrary>], iteration_bounds = array<i64: 4, 16>, scalar_prefetch = 0 : i64, scratch_operands = 0 : i64, tpu.core_type = #tpu.core_type<tc>, window_params = [{transform_indices = @transform_0, window_bounds = array<i64: 1, 256, 3>}, {transform_indices = @transform_1, window_bounds = array<i64: 1, 3, 4096>}, {transform_indices = @transform_2, window_bounds = array<i64: 1, 256, 8>}]} {
    %get3A = arith.constant 0 : index
    %get3A_0 = arith.constant 0 : index
    %get3A_1 = arith.constant 0 : index
    %get3A_2 = vector.load %arg2[%get3A, %get3A_0, %get3A_1] : memref<1x256x3xf32, #tpu.memory_space<vmem>>, vector<1x256x3xf32>
    %get3A_3 = vector.shape_cast %get3A_2 : vector<1x256x3xf32> to vector<256x3xf32>
    %get3A_4 = arith.constant 0 : index
    %get3A_5 = arith.constant 0 : index
    %get3A_6 = arith.constant 0 : index
    %get3A_7 = vector.load %arg3[%get3A_4, %get3A_5, %get3A_6] : memref<1x3x4096xf32, #tpu.memory_space<vmem>>, vector<1x3x4096xf32>
    %get3A_8 = vector.shape_cast %get3A_7 : vector<1x3x4096xf32> to vector<3x4096xf32>
    %slice3A = vector.extract_strided_slice %get3A_3 {offsets = [0, 0], sizes = [256, 1], strides = [1, 1]} : vector<256x3xf32> to vector<256x1xf32>
    %slice3A_9 = vector.extract_strided_slice %get3A_8 {offsets = [0, 0], sizes = [1, 4096], strides = [1, 1]} : vector<3x4096xf32> to vector<1x4096xf32>
    %sub3A = vector.broadcast %slice3A : vector<256x1xf32> to vector<256x4096xf32>
    %sub3A_10 = vector.broadcast %slice3A_9 : vector<1x4096xf32> to vector<256x4096xf32>
    %sub3A_11 = arith.subf %sub3A, %sub3A_10 : vector<256x4096xf32>
    %mul3A = arith.mulf %sub3A_11, %sub3A_11 : vector<256x4096xf32>
    %slice3A_12 = vector.extract_strided_slice %get3A_3 {offsets = [0, 1], sizes = [256, 1], strides = [1, 1]} : vector<256x3xf32> to vector<256x1xf32>
    %slice3A_13 = vector.extract_strided_slice %get3A_8 {offsets = [1, 0], sizes = [1, 4096], strides = [1, 1]} : vector<3x4096xf32> to vector<1x4096xf32>
    %sub3A_14 = vector.broadcast %slice3A_12 : vector<256x1xf32> to vector<256x4096xf32>
    %sub3A_15 = vector.broadcast %slice3A_13 : vector<1x4096xf32> to vector<256x4096xf32>
    %sub3A_16 = arith.subf %sub3A_14, %sub3A_15 : vector<256x4096xf32>
    %mul3A_17 = arith.mulf %sub3A_16, %sub3A_16 : vector<256x4096xf32>
    %add3A = arith.addf %mul3A, %mul3A_17 : vector<256x4096xf32>
    %slice3A_18 = vector.extract_strided_slice %get3A_3 {offsets = [0, 2], sizes = [256, 1], strides = [1, 1]} : vector<256x3xf32> to vector<256x1xf32>
    %slice3A_19 = vector.extract_strided_slice %get3A_8 {offsets = [2, 0], sizes = [1, 4096], strides = [1, 1]} : vector<3x4096xf32> to vector<1x4096xf32>
    %sub3A_20 = vector.broadcast %slice3A_18 : vector<256x1xf32> to vector<256x4096xf32>
    %sub3A_21 = vector.broadcast %slice3A_19 : vector<1x4096xf32> to vector<256x4096xf32>
    %sub3A_22 = arith.subf %sub3A_20, %sub3A_21 : vector<256x4096xf32>
    %mul3A_23 = arith.mulf %sub3A_22, %sub3A_22 : vector<256x4096xf32>
    %add3A_24 = arith.addf %add3A, %mul3A_23 : vector<256x4096xf32>
    %iota3A = tpu.iota {dimensions = array<i32: 1>} : vector<256x4096xi32>
    %convert_element_type3A = arith.sitofp %iota3A : vector<256x4096xi32> to vector<256x4096xf32>
    %add3A_25 = arith.constant 4 : i32
    %add3A_26 = arith.addi %add3A_25, %arg0 : i32
    %mul3A_27 = arith.constant 4096 : i32
    %mul3A_28 = arith.muli %add3A_26, %mul3A_27 : i32
    %reduce_min3A = arith.constant dense<0x7F800000> : vector<256xf32>
    %reduce_min3A_29 = vector.multi_reduction <minimumf>, %add3A_24, %reduce_min3A [1] : vector<256x4096xf32> to vector<256xf32>
    %broadcast_in_dim3A = vector.shape_cast %reduce_min3A_29 : vector<256xf32> to vector<256x1xf32>
    %eq3A = vector.broadcast %broadcast_in_dim3A : vector<256x1xf32> to vector<256x4096xf32>
    %eq3A_30 = arith.cmpf oeq, %add3A_24, %eq3A : vector<256x4096xf32>
    %jit3A = arith.constant 3.000000e+38 : f32
    %broadcast_in_dim3A_31 = vector.broadcast %jit3A : f32 to vector<256x4096xf32>
    %select_n3A = arith.select %eq3A_30, %convert_element_type3A, %broadcast_in_dim3A_31 : vector<256x4096xi1>, vector<256x4096xf32>
    %reduce_min3A_32 = arith.constant dense<0x7F800000> : vector<256xf32>
    %reduce_min3A_33 = vector.multi_reduction <minimumf>, %select_n3A, %reduce_min3A_32 [1] : vector<256x4096xf32> to vector<256xf32>
    %broadcast_in_dim3A_34 = vector.shape_cast %reduce_min3A_33 : vector<256xf32> to vector<256x1xf32>
    %convert_element_type3A_35 = arith.fptosi %broadcast_in_dim3A_34 : vector<256x1xf32> to vector<256x1xi32>
    %add3A_36 = vector.broadcast %mul3A_28 : i32 to vector<256x1xi32>
    %add3A_37 = arith.addi %convert_element_type3A_35, %add3A_36 : vector<256x1xi32>
    %swap3A = arith.constant 0 : index
    %swap3A_38 = arith.constant 0 : index
    %swap3A_39 = arith.constant 0 : index
    %swap3A_40 = vector.load %arg4[%swap3A, %swap3A_38, %swap3A_39] : memref<1x256x8xi32, #tpu.memory_space<vmem>>, vector<1x256x1xi32>
    %swap3A_41 = vector.shape_cast %swap3A_40 : vector<1x256x1xi32> to vector<256x1xi32>
    %swap3A_42 = vector.shape_cast %add3A_37 : vector<256x1xi32> to vector<1x256x1xi32>
    tpu.vector_store %arg4[%swap3A, %swap3A_38, %swap3A_39], %swap3A_42 {strides = array<i32>} : memref<1x256x8xi32, #tpu.memory_space<vmem>>, vector<1x256x1xi32>,
    %eq3A_43 = vector.broadcast %broadcast_in_dim3A_34 : vector<256x1xf32> to vector<256x4096xf32>
    %eq3A_44 = arith.cmpf oeq, %convert_element_type3A, %eq3A_43 : vector<256x4096xf32>
    %jit3A_45 = arith.constant 0x7F800000 : f32
    %broadcast_in_dim3A_46 = vector.broadcast %jit3A_45 : f32 to vector<256x4096xf32>
    %select_n3A_47 = arith.select %eq3A_44, %broadcast_in_dim3A_46, %add3A_24 : vector<256x4096xi1>, vector<256x4096xf32>
    %reduce_min3A_48 = arith.constant dense<0x7F800000> : vector<256xf32>
    %reduce_min3A_49 = vector.multi_reduction <minimumf>, %select_n3A_47, %reduce_min3A_48 [1] : vector<256x4096xf32> to vector<256xf32>
    %broadcast_in_dim3A_50 = vector.shape_cast %reduce_min3A_49 : vector<256xf32> to vector<256x1xf32>
    %eq3A_51 = vector.broadcast %broadcast_in_dim3A_50 : vector<256x1xf32> to vector<256x4096xf32>
    %eq3A_52 = arith.cmpf oeq, %select_n3A_47, %eq3A_51 : vector<256x4096xf32>
    %jit3A_53 = arith.constant 3.000000e+38 : f32
    %broadcast_in_dim3A_54 = vector.broadcast %jit3A_53 : f32 to vector<256x4096xf32>
    %select_n3A_55 = arith.select %eq3A_52, %convert_element_type3A, %broadcast_in_dim3A_54 : vector<256x4096xi1>, vector<256x4096xf32>
    %reduce_min3A_56 = arith.constant dense<0x7F800000> : vector<256xf32>
    %reduce_min3A_57 = vector.multi_reduction <minimumf>, %select_n3A_55, %reduce_min3A_56 [1] : vector<256x4096xf32> to vector<256xf32>
    %broadcast_in_dim3A_58 = vector.shape_cast %reduce_min3A_57 : vector<256xf32> to vector<256x1xf32>
    %convert_element_type3A_59 = arith.fptosi %broadcast_in_dim3A_58 : vector<256x1xf32> to vector<256x1xi32>
    %add3A_60 = vector.broadcast %mul3A_28 : i32 to vector<256x1xi32>
    %add3A_61 = arith.addi %convert_element_type3A_59, %add3A_60 : vector<256x1xi32>
    %swap3A_62 = arith.constant 0 : index
    %swap3A_63 = arith.constant 0 : index
    %swap3A_64 = arith.constant 1 : index
    %swap3A_65 = vector.load %arg4[%swap3A_62, %swap3A_63, %swap3A_64] : memref<1x256x8xi32, #tpu.memory_space<vmem>>, vector<1x256x1xi32>
    %swap3A_66 = vector.shape_cast %swap3A_65 : vector<1x256x1xi32> to vector<256x1xi32>
    %swap3A_67 = vector.shape_cast %add3A_61 : vector<256x1xi32> to vector<1x256x1xi32>
    tpu.vector_store %arg4[%swap3A_62, %swap3A_63, %swap3A_64], %swap3A_67 {strides = array<i32>} : memref<1x256x8xi32, #tpu.memory_space<vmem>>, vector<1x256x1xi32>,
    %eq3A_68 = vector.broadcast %broadcast_in_dim3A_58 : vector<256x1xf32> to vector<256x4096xf32>
    %eq3A_69 = arith.cmpf oeq, %convert_element_type3A, %eq3A_68 : vector<256x4096xf32>
    %jit3A_70 = arith.constant 0x7F800000 : f32
    %broadcast_in_dim3A_71 = vector.broadcast %jit3A_70 : f32 to vector<256x4096xf32>
    %select_n3A_72 = arith.select %eq3A_69, %broadcast_in_dim3A_71, %select_n3A_47 : vector<256x4096xi1>, vector<256x4096xf32>
    %reduce_min3A_73 = arith.constant dense<0x7F800000> : vector<256xf32>
    %reduce_min3A_74 = vector.multi_reduction <minimumf>, %select_n3A_72, %reduce_min3A_73 [1] : vector<256x4096xf32> to vector<256xf32>
    %broadcast_in_dim3A_75 = vector.shape_cast %reduce_min3A_74 : vector<256xf32> to vector<256x1xf32>
    %eq3A_76 = vector.broadcast %broadcast_in_dim3A_75 : vector<256x1xf32> to vector<256x4096xf32>
    %eq3A_77 = arith.cmpf oeq, %select_n3A_72, %eq3A_76 : vector<256x4096xf32>
    %jit3A_78 = arith.constant 3.000000e+38 : f32
    %broadcast_in_dim3A_79 = vector.broadcast %jit3A_78 : f32 to vector<256x4096xf32>
    %select_n3A_80 = arith.select %eq3A_77, %convert_element_type3A, %broadcast_in_dim3A_79 : vector<256x4096xi1>, vector<256x4096xf32>
    %reduce_min3A_81 = arith.constant dense<0x7F800000> : vector<256xf32>
    %reduce_min3A_82 = vector.multi_reduction <minimumf>, %select_n3A_80, %reduce_min3A_81 [1] : vector<256x4096xf32> to vector<256xf32>
    %broadcast_in_dim3A_83 = vector.shape_cast %reduce_min3A_82 : vector<256xf32> to vector<256x1xf32>
    %convert_element_type3A_84 = arith.fptosi %broadcast_in_dim3A_83 : vector<256x1xf32> to vector<256x1xi32>
    %add3A_85 = vector.broadcast %mul3A_28 : i32 to vector<256x1xi32>
    %add3A_86 = arith.addi %convert_element_type3A_84, %add3A_85 : vector<256x1xi32>
    %swap3A_87 = arith.constant 0 : index
    %swap3A_88 = arith.constant 0 : index
    %swap3A_89 = arith.constant 2 : index
    %swap3A_90 = vector.load %arg4[%swap3A_87, %swap3A_88, %swap3A_89] : memref<1x256x8xi32, #tpu.memory_space<vmem>>, vector<1x256x1xi32>
    %swap3A_91 = vector.shape_cast %swap3A_90 : vector<1x256x1xi32> to vector<256x1xi32>
    %swap3A_92 = vector.shape_cast %add3A_86 : vector<256x1xi32> to vector<1x256x1xi32>
    tpu.vector_store %arg4[%swap3A_87, %swap3A_88, %swap3A_89], %swap3A_92 {strides = array<i32>} : memref<1x256x8xi32, #tpu.memory_space<vmem>>, vector<1x256x1xi32>,
    %eq3A_93 = vector.broadcast %broadcast_in_dim3A_83 : vector<256x1xf32> to vector<256x4096xf32>
    %eq3A_94 = arith.cmpf oeq, %convert_element_type3A, %eq3A_93 : vector<256x4096xf32>
    %jit3A_95 = arith.constant 0x7F800000 : f32
    %broadcast_in_dim3A_96 = vector.broadcast %jit3A_95 : f32 to vector<256x4096xf32>
    %select_n3A_97 = arith.select %eq3A_94, %broadcast_in_dim3A_96, %select_n3A_72 : vector<256x4096xi1>, vector<256x4096xf32>
    %reduce_min3A_98 = arith.constant dense<0x7F800000> : vector<256xf32>
    %reduce_min3A_99 = vector.multi_reduction <minimumf>, %select_n3A_97, %reduce_min3A_98 [1] : vector<256x4096xf32> to vector<256xf32>
    %broadcast_in_dim3A_100 = vector.shape_cast %reduce_min3A_99 : vector<256xf32> to vector<256x1xf32>
    %eq3A_101 = vector.broadcast %broadcast_in_dim3A_100 : vector<256x1xf32> to vector<256x4096xf32>
    %eq3A_102 = arith.cmpf oeq, %select_n3A_97, %eq3A_101 : vector<256x4096xf32>
    %jit3A_103 = arith.constant 3.000000e+38 : f32
    %broadcast_in_dim3A_104 = vector.broadcast %jit3A_103 : f32 to vector<256x4096xf32>
    %select_n3A_105 = arith.select %eq3A_102, %convert_element_type3A, %broadcast_in_dim3A_104 : vector<256x4096xi1>, vector<256x4096xf32>
    %reduce_min3A_106 = arith.constant dense<0x7F800000> : vector<256xf32>
    %reduce_min3A_107 = vector.multi_reduction <minimumf>, %select_n3A_105, %reduce_min3A_106 [1] : vector<256x4096xf32> to vector<256xf32>
    %broadcast_in_dim3A_108 = vector.shape_cast %reduce_min3A_107 : vector<256xf32> to vector<256x1xf32>
    %convert_element_type3A_109 = arith.fptosi %broadcast_in_dim3A_108 : vector<256x1xf32> to vector<256x1xi32>
    %add3A_110 = vector.broadcast %mul3A_28 : i32 to vector<256x1xi32>
    %add3A_111 = arith.addi %convert_element_type3A_109, %add3A_110 : vector<256x1xi32>
    %swap3A_112 = arith.constant 0 : index
    %swap3A_113 = arith.constant 0 : index
    %swap3A_114 = arith.constant 3 : index
    %swap3A_115 = vector.load %arg4[%swap3A_112, %swap3A_113, %swap3A_114] : memref<1x256x8xi32, #tpu.memory_space<vmem>>, vector<1x256x1xi32>
    %swap3A_116 = vector.shape_cast %swap3A_115 : vector<1x256x1xi32> to vector<256x1xi32>
    %swap3A_117 = vector.shape_cast %add3A_111 : vector<256x1xi32> to vector<1x256x1xi32>
    tpu.vector_store %arg4[%swap3A_112, %swap3A_113, %swap3A_114], %swap3A_117 {strides = array<i32>} : memref<1x256x8xi32, #tpu.memory_space<vmem>>, vector<1x256x1xi32>,
    %eq3A_118 = vector.broadcast %broadcast_in_dim3A_108 : vector<256x1xf32> to vector<256x4096xf32>
    %eq3A_119 = arith.cmpf oeq, %convert_element_type3A, %eq3A_118 : vector<256x4096xf32>
    %jit3A_120 = arith.constant 0x7F800000 : f32
    %broadcast_in_dim3A_121 = vector.broadcast %jit3A_120 : f32 to vector<256x4096xf32>
    %select_n3A_122 = arith.select %eq3A_119, %broadcast_in_dim3A_121, %select_n3A_97 : vector<256x4096xi1>, vector<256x4096xf32>
    %reduce_min3A_123 = arith.constant dense<0x7F800000> : vector<256xf32>
    %reduce_min3A_124 = vector.multi_reduction <minimumf>, %select_n3A_122, %reduce_min3A_123 [1] : vector<256x4096xf32> to vector<256xf32>
    %broadcast_in_dim3A_125 = vector.shape_cast %reduce_min3A_124 : vector<256xf32> to vector<256x1xf32>
    %eq3A_126 = vector.broadcast %broadcast_in_dim3A_125 : vector<256x1xf32> to vector<256x4096xf32>
    %eq3A_127 = arith.cmpf oeq, %select_n3A_122, %eq3A_126 : vector<256x4096xf32>
    %jit3A_128 = arith.constant 3.000000e+38 : f32
    %broadcast_in_dim3A_129 = vector.broadcast %jit3A_128 : f32 to vector<256x4096xf32>
    %select_n3A_130 = arith.select %eq3A_127, %convert_element_type3A, %broadcast_in_dim3A_129 : vector<256x4096xi1>, vector<256x4096xf32>
    %reduce_min3A_131 = arith.constant dense<0x7F800000> : vector<256xf32>
    %reduce_min3A_132 = vector.multi_reduction <minimumf>, %select_n3A_130, %reduce_min3A_131 [1] : vector<256x4096xf32> to vector<256xf32>
    %broadcast_in_dim3A_133 = vector.shape_cast %reduce_min3A_132 : vector<256xf32> to vector<256x1xf32>
    %convert_element_type3A_134 = arith.fptosi %broadcast_in_dim3A_133 : vector<256x1xf32> to vector<256x1xi32>
    %add3A_135 = vector.broadcast %mul3A_28 : i32 to vector<256x1xi32>
    %add3A_136 = arith.addi %convert_element_type3A_134, %add3A_135 : vector<256x1xi32>
    %swap3A_137 = arith.constant 0 : index
    %swap3A_138 = arith.constant 0 : index
    %swap3A_139 = arith.constant 4 : index
    %swap3A_140 = vector.load %arg4[%swap3A_137, %swap3A_138, %swap3A_139] : memref<1x256x8xi32, #tpu.memory_space<vmem>>, vector<1x256x1xi32>
    %swap3A_141 = vector.shape_cast %swap3A_140 : vector<1x256x1xi32> to vector<256x1xi32>
    %swap3A_142 = vector.shape_cast %add3A_136 : vector<256x1xi32> to vector<1x256x1xi32>
    tpu.vector_store %arg4[%swap3A_137, %swap3A_138, %swap3A_139], %swap3A_142 {strides = array<i32>} : memref<1x256x8xi32, #tpu.memory_space<vmem>>, vector<1x256x1xi32>,
    %eq3A_143 = vector.broadcast %broadcast_in_dim3A_133 : vector<256x1xf32> to vector<256x4096xf32>
    %eq3A_144 = arith.cmpf oeq, %convert_element_type3A, %eq3A_143 : vector<256x4096xf32>
    %jit3A_145 = arith.constant 0x7F800000 : f32
    %broadcast_in_dim3A_146 = vector.broadcast %jit3A_145 : f32 to vector<256x4096xf32>
    %select_n3A_147 = arith.select %eq3A_144, %broadcast_in_dim3A_146, %select_n3A_122 : vector<256x4096xi1>, vector<256x4096xf32>
    %reduce_min3A_148 = arith.constant dense<0x7F800000> : vector<256xf32>
    %reduce_min3A_149 = vector.multi_reduction <minimumf>, %select_n3A_147, %reduce_min3A_148 [1] : vector<256x4096xf32> to vector<256xf32>
    %broadcast_in_dim3A_150 = vector.shape_cast %reduce_min3A_149 : vector<256xf32> to vector<256x1xf32>
    %eq3A_151 = vector.broadcast %broadcast_in_dim3A_150 : vector<256x1xf32> to vector<256x4096xf32>
    %eq3A_152 = arith.cmpf oeq, %select_n3A_147, %eq3A_151 : vector<256x4096xf32>
    %jit3A_153 = arith.constant 3.000000e+38 : f32
    %broadcast_in_dim3A_154 = vector.broadcast %jit3A_153 : f32 to vector<256x4096xf32>
    %select_n3A_155 = arith.select %eq3A_152, %convert_element_type3A, %broadcast_in_dim3A_154 : vector<256x4096xi1>, vector<256x4096xf32>
    %reduce_min3A_156 = arith.constant dense<0x7F800000> : vector<256xf32>
    %reduce_min3A_157 = vector.multi_reduction <minimumf>, %select_n3A_155, %reduce_min3A_156 [1] : vector<256x4096xf32> to vector<256xf32>
    %broadcast_in_dim3A_158 = vector.shape_cast %reduce_min3A_157 : vector<256xf32> to vector<256x1xf32>
    %convert_element_type3A_159 = arith.fptosi %broadcast_in_dim3A_158 : vector<256x1xf32> to vector<256x1xi32>
    %add3A_160 = vector.broadcast %mul3A_28 : i32 to vector<256x1xi32>
    %add3A_161 = arith.addi %convert_element_type3A_159, %add3A_160 : vector<256x1xi32>
    %swap3A_162 = arith.constant 0 : index
    %swap3A_163 = arith.constant 0 : index
    %swap3A_164 = arith.constant 5 : index
    %swap3A_165 = vector.load %arg4[%swap3A_162, %swap3A_163, %swap3A_164] : memref<1x256x8xi32, #tpu.memory_space<vmem>>, vector<1x256x1xi32>
    %swap3A_166 = vector.shape_cast %swap3A_165 : vector<1x256x1xi32> to vector<256x1xi32>
    %swap3A_167 = vector.shape_cast %add3A_161 : vector<256x1xi32> to vector<1x256x1xi32>
    tpu.vector_store %arg4[%swap3A_162, %swap3A_163, %swap3A_164], %swap3A_167 {strides = array<i32>} : memref<1x256x8xi32, #tpu.memory_space<vmem>>, vector<1x256x1xi32>,
    %eq3A_168 = vector.broadcast %broadcast_in_dim3A_158 : vector<256x1xf32> to vector<256x4096xf32>
    %eq3A_169 = arith.cmpf oeq, %convert_element_type3A, %eq3A_168 : vector<256x4096xf32>
    %jit3A_170 = arith.constant 0x7F800000 : f32
    %broadcast_in_dim3A_171 = vector.broadcast %jit3A_170 : f32 to vector<256x4096xf32>
    %select_n3A_172 = arith.select %eq3A_169, %broadcast_in_dim3A_171, %select_n3A_147 : vector<256x4096xi1>, vector<256x4096xf32>
    %reduce_min3A_173 = arith.constant dense<0x7F800000> : vector<256xf32>
    %reduce_min3A_174 = vector.multi_reduction <minimumf>, %select_n3A_172, %reduce_min3A_173 [1] : vector<256x4096xf32> to vector<256xf32>
    %broadcast_in_dim3A_175 = vector.shape_cast %reduce_min3A_174 : vector<256xf32> to vector<256x1xf32>
    %eq3A_176 = vector.broadcast %broadcast_in_dim3A_175 : vector<256x1xf32> to vector<256x4096xf32>
    %eq3A_177 = arith.cmpf oeq, %select_n3A_172, %eq3A_176 : vector<256x4096xf32>
    %jit3A_178 = arith.constant 3.000000e+38 : f32
    %broadcast_in_dim3A_179 = vector.broadcast %jit3A_178 : f32 to vector<256x4096xf32>
    %select_n3A_180 = arith.select %eq3A_177, %convert_element_type3A, %broadcast_in_dim3A_179 : vector<256x4096xi1>, vector<256x4096xf32>
    %reduce_min3A_181 = arith.constant dense<0x7F800000> : vector<256xf32>
    %reduce_min3A_182 = vector.multi_reduction <minimumf>, %select_n3A_180, %reduce_min3A_181 [1] : vector<256x4096xf32> to vector<256xf32>
    %broadcast_in_dim3A_183 = vector.shape_cast %reduce_min3A_182 : vector<256xf32> to vector<256x1xf32>
    %convert_element_type3A_184 = arith.fptosi %broadcast_in_dim3A_183 : vector<256x1xf32> to vector<256x1xi32>
    %add3A_185 = vector.broadcast %mul3A_28 : i32 to vector<256x1xi32>
    %add3A_186 = arith.addi %convert_element_type3A_184, %add3A_185 : vector<256x1xi32>
    %swap3A_187 = arith.constant 0 : index
    %swap3A_188 = arith.constant 0 : index
    %swap3A_189 = arith.constant 6 : index
    %swap3A_190 = vector.load %arg4[%swap3A_187, %swap3A_188, %swap3A_189] : memref<1x256x8xi32, #tpu.memory_space<vmem>>, vector<1x256x1xi32>
    %swap3A_191 = vector.shape_cast %swap3A_190 : vector<1x256x1xi32> to vector<256x1xi32>
    %swap3A_192 = vector.shape_cast %add3A_186 : vector<256x1xi32> to vector<1x256x1xi32>
    tpu.vector_store %arg4[%swap3A_187, %swap3A_188, %swap3A_189], %swap3A_192 {strides = array<i32>} : memref<1x256x8xi32, #tpu.memory_space<vmem>>, vector<1x256x1xi32>,
    %eq3A_193 = vector.broadcast %broadcast_in_dim3A_183 : vector<256x1xf32> to vector<256x4096xf32>
    %eq3A_194 = arith.cmpf oeq, %convert_element_type3A, %eq3A_193 : vector<256x4096xf32>
    %jit3A_195 = arith.constant 0x7F800000 : f32
    %broadcast_in_dim3A_196 = vector.broadcast %jit3A_195 : f32 to vector<256x4096xf32>
    %select_n3A_197 = arith.select %eq3A_194, %broadcast_in_dim3A_196, %select_n3A_172 : vector<256x4096xi1>, vector<256x4096xf32>
    %reduce_min3A_198 = arith.constant dense<0x7F800000> : vector<256xf32>
    %reduce_min3A_199 = vector.multi_reduction <minimumf>, %select_n3A_197, %reduce_min3A_198 [1] : vector<256x4096xf32> to vector<256xf32>
    %broadcast_in_dim3A_200 = vector.shape_cast %reduce_min3A_199 : vector<256xf32> to vector<256x1xf32>
    %eq3A_201 = vector.broadcast %broadcast_in_dim3A_200 : vector<256x1xf32> to vector<256x4096xf32>
    %eq3A_202 = arith.cmpf oeq, %select_n3A_197, %eq3A_201 : vector<256x4096xf32>
    %jit3A_203 = arith.constant 3.000000e+38 : f32
    %broadcast_in_dim3A_204 = vector.broadcast %jit3A_203 : f32 to vector<256x4096xf32>
    %select_n3A_205 = arith.select %eq3A_202, %convert_element_type3A, %broadcast_in_dim3A_204 : vector<256x4096xi1>, vector<256x4096xf32>
    %reduce_min3A_206 = arith.constant dense<0x7F800000> : vector<256xf32>
    %reduce_min3A_207 = vector.multi_reduction <minimumf>, %select_n3A_205, %reduce_min3A_206 [1] : vector<256x4096xf32> to vector<256xf32>
    %broadcast_in_dim3A_208 = vector.shape_cast %reduce_min3A_207 : vector<256xf32> to vector<256x1xf32>
    %convert_element_type3A_209 = arith.fptosi %broadcast_in_dim3A_208 : vector<256x1xf32> to vector<256x1xi32>
    %add3A_210 = vector.broadcast %mul3A_28 : i32 to vector<256x1xi32>
    %add3A_211 = arith.addi %convert_element_type3A_209, %add3A_210 : vector<256x1xi32>
    %swap3A_212 = arith.constant 0 : index
    %swap3A_213 = arith.constant 0 : index
    %swap3A_214 = arith.constant 7 : index
    %swap3A_215 = vector.load %arg4[%swap3A_212, %swap3A_213, %swap3A_214] : memref<1x256x8xi32, #tpu.memory_space<vmem>>, vector<1x256x1xi32>
    %swap3A_216 = vector.shape_cast %swap3A_215 : vector<1x256x1xi32> to vector<256x1xi32>
    %swap3A_217 = vector.shape_cast %add3A_211 : vector<256x1xi32> to vector<1x256x1xi32>
    tpu.vector_store %arg4[%swap3A_212, %swap3A_213, %swap3A_214], %swap3A_217 {strides = array<i32>} : memref<1x256x8xi32, #tpu.memory_space<vmem>>, vector<1x256x1xi32>,
    return
  }
  func.func @transform_0(%arg0: i32, %arg1: i32) -> (i32, i32, i32) {
    %c0_i32 = arith.constant 0 : i32
    %c0_i32_0 = arith.constant 0 : i32
    return %arg0, %arg1, %c0_i32 : i32, i32, i32
  }
  func.func @transform_1(%arg0: i32, %arg1: i32) -> (i32, i32, i32) {
    %c0_i32 = arith.constant 0 : i32
    %c0_i32_0 = arith.constant 0 : i32
    %c0_i32_1 = arith.constant 0 : i32
    return %arg0, %c0_i32, %c0_i32_0 : i32, i32, i32
  }
  func.func @transform_2(%arg0: i32, %arg1: i32) -> (i32, i32, i32) {
    %c0_i32 = arith.constant 0 : i32
    %c0_i32_0 = arith.constant 0 : i32
    return %arg0, %arg1, %c0_i32 : i32, i32, i32
  }
}

module attributes {stable_mosaic.version = 14 : i64} {
  func.func @_knn_body(%arg0: i32, %arg1: i32, %arg2: memref<1x256x3xf32, #tpu.memory_space<vmem>>, %arg3: memref<1x3x4096xf32, #tpu.memory_space<vmem>>, %arg4: memref<1x256x8xi32, #tpu.memory_space<vmem>>) attributes {dimension_semantics = [#tpu.dimension_semantics<arbitrary>, #tpu.dimension_semantics<arbitrary>], iteration_bounds = array<i64: 4, 16>, scalar_prefetch = 0 : i64, scratch_operands = 0 : i64, tpu.core_type = #tpu.core_type<tc>, window_params = [{transform_indices = @transform_0, window_bounds = array<i64: 1, 256, 3>}, {transform_indices = @transform_1, window_bounds = array<i64: 1, 3, 4096>}, {transform_indices = @transform_2, window_bounds = array<i64: 1, 256, 8>}]} {
    %get3A = arith.constant 0 : index
    %get3A_0 = arith.constant 0 : index
    %get3A_1 = arith.constant 0 : index
    %get3A_2 = vector.load %arg2[%get3A, %get3A_0, %get3A_1] : memref<1x256x3xf32, #tpu.memory_space<vmem>>, vector<1x256x3xf32>
    %get3A_3 = vector.shape_cast %get3A_2 : vector<1x256x3xf32> to vector<256x3xf32>
    %get3A_4 = arith.constant 0 : index
    %get3A_5 = arith.constant 0 : index
    %get3A_6 = arith.constant 0 : index
    %get3A_7 = vector.load %arg3[%get3A_4, %get3A_5, %get3A_6] : memref<1x3x4096xf32, #tpu.memory_space<vmem>>, vector<1x3x4096xf32>
    %get3A_8 = vector.shape_cast %get3A_7 : vector<1x3x4096xf32> to vector<3x4096xf32>
    %slice3A = vector.extract_strided_slice %get3A_3 {offsets = [0, 0], sizes = [256, 1], strides = [1, 1]} : vector<256x3xf32> to vector<256x1xf32>
    %slice3A_9 = vector.extract_strided_slice %get3A_8 {offsets = [0, 0], sizes = [1, 4096], strides = [1, 1]} : vector<3x4096xf32> to vector<1x4096xf32>
    %sub3A = vector.broadcast %slice3A : vector<256x1xf32> to vector<256x4096xf32>
    %sub3A_10 = vector.broadcast %slice3A_9 : vector<1x4096xf32> to vector<256x4096xf32>
    %sub3A_11 = arith.subf %sub3A, %sub3A_10 : vector<256x4096xf32>
    %mul3A = arith.mulf %sub3A_11, %sub3A_11 : vector<256x4096xf32>
    %slice3A_12 = vector.extract_strided_slice %get3A_3 {offsets = [0, 1], sizes = [256, 1], strides = [1, 1]} : vector<256x3xf32> to vector<256x1xf32>
    %slice3A_13 = vector.extract_strided_slice %get3A_8 {offsets = [1, 0], sizes = [1, 4096], strides = [1, 1]} : vector<3x4096xf32> to vector<1x4096xf32>
    %sub3A_14 = vector.broadcast %slice3A_12 : vector<256x1xf32> to vector<256x4096xf32>
    %sub3A_15 = vector.broadcast %slice3A_13 : vector<1x4096xf32> to vector<256x4096xf32>
    %sub3A_16 = arith.subf %sub3A_14, %sub3A_15 : vector<256x4096xf32>
    %mul3A_17 = arith.mulf %sub3A_16, %sub3A_16 : vector<256x4096xf32>
    %add3A = arith.addf %mul3A, %mul3A_17 : vector<256x4096xf32>
    %slice3A_18 = vector.extract_strided_slice %get3A_3 {offsets = [0, 2], sizes = [256, 1], strides = [1, 1]} : vector<256x3xf32> to vector<256x1xf32>
    %slice3A_19 = vector.extract_strided_slice %get3A_8 {offsets = [2, 0], sizes = [1, 4096], strides = [1, 1]} : vector<3x4096xf32> to vector<1x4096xf32>
    %sub3A_20 = vector.broadcast %slice3A_18 : vector<256x1xf32> to vector<256x4096xf32>
    %sub3A_21 = vector.broadcast %slice3A_19 : vector<1x4096xf32> to vector<256x4096xf32>
    %sub3A_22 = arith.subf %sub3A_20, %sub3A_21 : vector<256x4096xf32>
    %mul3A_23 = arith.mulf %sub3A_22, %sub3A_22 : vector<256x4096xf32>
    %add3A_24 = arith.addf %add3A, %mul3A_23 : vector<256x4096xf32>
    %iota3A = tpu.iota {dimensions = array<i32: 1>} : vector<256x4096xi32>
    %convert_element_type3A = arith.sitofp %iota3A : vector<256x4096xi32> to vector<256x4096xf32>
    %add3A_25 = arith.constant 0 : i32
    %add3A_26 = arith.addi %add3A_25, %arg0 : i32
    %mul3A_27 = arith.constant 4096 : i32
    %mul3A_28 = arith.muli %add3A_26, %mul3A_27 : i32
    %reduce_min3A = arith.constant dense<0x7F800000> : vector<256xf32>
    %reduce_min3A_29 = vector.multi_reduction <minimumf>, %add3A_24, %reduce_min3A [1] : vector<256x4096xf32> to vector<256xf32>
    %broadcast_in_dim3A = vector.shape_cast %reduce_min3A_29 : vector<256xf32> to vector<256x1xf32>
    %eq3A = vector.broadcast %broadcast_in_dim3A : vector<256x1xf32> to vector<256x4096xf32>
    %eq3A_30 = arith.cmpf oeq, %add3A_24, %eq3A : vector<256x4096xf32>
    %jit3A = arith.constant 3.000000e+38 : f32
    %broadcast_in_dim3A_31 = vector.broadcast %jit3A : f32 to vector<256x4096xf32>
    %select_n3A = arith.select %eq3A_30, %convert_element_type3A, %broadcast_in_dim3A_31 : vector<256x4096xi1>, vector<256x4096xf32>
    %reduce_min3A_32 = arith.constant dense<0x7F800000> : vector<256xf32>
    %reduce_min3A_33 = vector.multi_reduction <minimumf>, %select_n3A, %reduce_min3A_32 [1] : vector<256x4096xf32> to vector<256xf32>
    %broadcast_in_dim3A_34 = vector.shape_cast %reduce_min3A_33 : vector<256xf32> to vector<256x1xf32>
    %convert_element_type3A_35 = arith.fptosi %broadcast_in_dim3A_34 : vector<256x1xf32> to vector<256x1xi32>
    %add3A_36 = vector.broadcast %mul3A_28 : i32 to vector<256x1xi32>
    %add3A_37 = arith.addi %convert_element_type3A_35, %add3A_36 : vector<256x1xi32>
    %swap3A = arith.constant 0 : index
    %swap3A_38 = arith.constant 0 : index
    %swap3A_39 = arith.constant 0 : index
    %swap3A_40 = vector.load %arg4[%swap3A, %swap3A_38, %swap3A_39] : memref<1x256x8xi32, #tpu.memory_space<vmem>>, vector<1x256x1xi32>
    %swap3A_41 = vector.shape_cast %swap3A_40 : vector<1x256x1xi32> to vector<256x1xi32>
    %swap3A_42 = vector.shape_cast %add3A_37 : vector<256x1xi32> to vector<1x256x1xi32>
    tpu.vector_store %arg4[%swap3A, %swap3A_38, %swap3A_39], %swap3A_42 {strides = array<i32>} : memref<1x256x8xi32, #tpu.memory_space<vmem>>, vector<1x256x1xi32>,
    %eq3A_43 = vector.broadcast %broadcast_in_dim3A_34 : vector<256x1xf32> to vector<256x4096xf32>
    %eq3A_44 = arith.cmpf oeq, %convert_element_type3A, %eq3A_43 : vector<256x4096xf32>
    %jit3A_45 = arith.constant 0x7F800000 : f32
    %broadcast_in_dim3A_46 = vector.broadcast %jit3A_45 : f32 to vector<256x4096xf32>
    %select_n3A_47 = arith.select %eq3A_44, %broadcast_in_dim3A_46, %add3A_24 : vector<256x4096xi1>, vector<256x4096xf32>
    %reduce_min3A_48 = arith.constant dense<0x7F800000> : vector<256xf32>
    %reduce_min3A_49 = vector.multi_reduction <minimumf>, %select_n3A_47, %reduce_min3A_48 [1] : vector<256x4096xf32> to vector<256xf32>
    %broadcast_in_dim3A_50 = vector.shape_cast %reduce_min3A_49 : vector<256xf32> to vector<256x1xf32>
    %eq3A_51 = vector.broadcast %broadcast_in_dim3A_50 : vector<256x1xf32> to vector<256x4096xf32>
    %eq3A_52 = arith.cmpf oeq, %select_n3A_47, %eq3A_51 : vector<256x4096xf32>
    %jit3A_53 = arith.constant 3.000000e+38 : f32
    %broadcast_in_dim3A_54 = vector.broadcast %jit3A_53 : f32 to vector<256x4096xf32>
    %select_n3A_55 = arith.select %eq3A_52, %convert_element_type3A, %broadcast_in_dim3A_54 : vector<256x4096xi1>, vector<256x4096xf32>
    %reduce_min3A_56 = arith.constant dense<0x7F800000> : vector<256xf32>
    %reduce_min3A_57 = vector.multi_reduction <minimumf>, %select_n3A_55, %reduce_min3A_56 [1] : vector<256x4096xf32> to vector<256xf32>
    %broadcast_in_dim3A_58 = vector.shape_cast %reduce_min3A_57 : vector<256xf32> to vector<256x1xf32>
    %convert_element_type3A_59 = arith.fptosi %broadcast_in_dim3A_58 : vector<256x1xf32> to vector<256x1xi32>
    %add3A_60 = vector.broadcast %mul3A_28 : i32 to vector<256x1xi32>
    %add3A_61 = arith.addi %convert_element_type3A_59, %add3A_60 : vector<256x1xi32>
    %swap3A_62 = arith.constant 0 : index
    %swap3A_63 = arith.constant 0 : index
    %swap3A_64 = arith.constant 1 : index
    %swap3A_65 = vector.load %arg4[%swap3A_62, %swap3A_63, %swap3A_64] : memref<1x256x8xi32, #tpu.memory_space<vmem>>, vector<1x256x1xi32>
    %swap3A_66 = vector.shape_cast %swap3A_65 : vector<1x256x1xi32> to vector<256x1xi32>
    %swap3A_67 = vector.shape_cast %add3A_61 : vector<256x1xi32> to vector<1x256x1xi32>
    tpu.vector_store %arg4[%swap3A_62, %swap3A_63, %swap3A_64], %swap3A_67 {strides = array<i32>} : memref<1x256x8xi32, #tpu.memory_space<vmem>>, vector<1x256x1xi32>,
    %eq3A_68 = vector.broadcast %broadcast_in_dim3A_58 : vector<256x1xf32> to vector<256x4096xf32>
    %eq3A_69 = arith.cmpf oeq, %convert_element_type3A, %eq3A_68 : vector<256x4096xf32>
    %jit3A_70 = arith.constant 0x7F800000 : f32
    %broadcast_in_dim3A_71 = vector.broadcast %jit3A_70 : f32 to vector<256x4096xf32>
    %select_n3A_72 = arith.select %eq3A_69, %broadcast_in_dim3A_71, %select_n3A_47 : vector<256x4096xi1>, vector<256x4096xf32>
    %reduce_min3A_73 = arith.constant dense<0x7F800000> : vector<256xf32>
    %reduce_min3A_74 = vector.multi_reduction <minimumf>, %select_n3A_72, %reduce_min3A_73 [1] : vector<256x4096xf32> to vector<256xf32>
    %broadcast_in_dim3A_75 = vector.shape_cast %reduce_min3A_74 : vector<256xf32> to vector<256x1xf32>
    %eq3A_76 = vector.broadcast %broadcast_in_dim3A_75 : vector<256x1xf32> to vector<256x4096xf32>
    %eq3A_77 = arith.cmpf oeq, %select_n3A_72, %eq3A_76 : vector<256x4096xf32>
    %jit3A_78 = arith.constant 3.000000e+38 : f32
    %broadcast_in_dim3A_79 = vector.broadcast %jit3A_78 : f32 to vector<256x4096xf32>
    %select_n3A_80 = arith.select %eq3A_77, %convert_element_type3A, %broadcast_in_dim3A_79 : vector<256x4096xi1>, vector<256x4096xf32>
    %reduce_min3A_81 = arith.constant dense<0x7F800000> : vector<256xf32>
    %reduce_min3A_82 = vector.multi_reduction <minimumf>, %select_n3A_80, %reduce_min3A_81 [1] : vector<256x4096xf32> to vector<256xf32>
    %broadcast_in_dim3A_83 = vector.shape_cast %reduce_min3A_82 : vector<256xf32> to vector<256x1xf32>
    %convert_element_type3A_84 = arith.fptosi %broadcast_in_dim3A_83 : vector<256x1xf32> to vector<256x1xi32>
    %add3A_85 = vector.broadcast %mul3A_28 : i32 to vector<256x1xi32>
    %add3A_86 = arith.addi %convert_element_type3A_84, %add3A_85 : vector<256x1xi32>
    %swap3A_87 = arith.constant 0 : index
    %swap3A_88 = arith.constant 0 : index
    %swap3A_89 = arith.constant 2 : index
    %swap3A_90 = vector.load %arg4[%swap3A_87, %swap3A_88, %swap3A_89] : memref<1x256x8xi32, #tpu.memory_space<vmem>>, vector<1x256x1xi32>
    %swap3A_91 = vector.shape_cast %swap3A_90 : vector<1x256x1xi32> to vector<256x1xi32>
    %swap3A_92 = vector.shape_cast %add3A_86 : vector<256x1xi32> to vector<1x256x1xi32>
    tpu.vector_store %arg4[%swap3A_87, %swap3A_88, %swap3A_89], %swap3A_92 {strides = array<i32>} : memref<1x256x8xi32, #tpu.memory_space<vmem>>, vector<1x256x1xi32>,
    %eq3A_93 = vector.broadcast %broadcast_in_dim3A_83 : vector<256x1xf32> to vector<256x4096xf32>
    %eq3A_94 = arith.cmpf oeq, %convert_element_type3A, %eq3A_93 : vector<256x4096xf32>
    %jit3A_95 = arith.constant 0x7F800000 : f32
    %broadcast_in_dim3A_96 = vector.broadcast %jit3A_95 : f32 to vector<256x4096xf32>
    %select_n3A_97 = arith.select %eq3A_94, %broadcast_in_dim3A_96, %select_n3A_72 : vector<256x4096xi1>, vector<256x4096xf32>
    %reduce_min3A_98 = arith.constant dense<0x7F800000> : vector<256xf32>
    %reduce_min3A_99 = vector.multi_reduction <minimumf>, %select_n3A_97, %reduce_min3A_98 [1] : vector<256x4096xf32> to vector<256xf32>
    %broadcast_in_dim3A_100 = vector.shape_cast %reduce_min3A_99 : vector<256xf32> to vector<256x1xf32>
    %eq3A_101 = vector.broadcast %broadcast_in_dim3A_100 : vector<256x1xf32> to vector<256x4096xf32>
    %eq3A_102 = arith.cmpf oeq, %select_n3A_97, %eq3A_101 : vector<256x4096xf32>
    %jit3A_103 = arith.constant 3.000000e+38 : f32
    %broadcast_in_dim3A_104 = vector.broadcast %jit3A_103 : f32 to vector<256x4096xf32>
    %select_n3A_105 = arith.select %eq3A_102, %convert_element_type3A, %broadcast_in_dim3A_104 : vector<256x4096xi1>, vector<256x4096xf32>
    %reduce_min3A_106 = arith.constant dense<0x7F800000> : vector<256xf32>
    %reduce_min3A_107 = vector.multi_reduction <minimumf>, %select_n3A_105, %reduce_min3A_106 [1] : vector<256x4096xf32> to vector<256xf32>
    %broadcast_in_dim3A_108 = vector.shape_cast %reduce_min3A_107 : vector<256xf32> to vector<256x1xf32>
    %convert_element_type3A_109 = arith.fptosi %broadcast_in_dim3A_108 : vector<256x1xf32> to vector<256x1xi32>
    %add3A_110 = vector.broadcast %mul3A_28 : i32 to vector<256x1xi32>
    %add3A_111 = arith.addi %convert_element_type3A_109, %add3A_110 : vector<256x1xi32>
    %swap3A_112 = arith.constant 0 : index
    %swap3A_113 = arith.constant 0 : index
    %swap3A_114 = arith.constant 3 : index
    %swap3A_115 = vector.load %arg4[%swap3A_112, %swap3A_113, %swap3A_114] : memref<1x256x8xi32, #tpu.memory_space<vmem>>, vector<1x256x1xi32>
    %swap3A_116 = vector.shape_cast %swap3A_115 : vector<1x256x1xi32> to vector<256x1xi32>
    %swap3A_117 = vector.shape_cast %add3A_111 : vector<256x1xi32> to vector<1x256x1xi32>
    tpu.vector_store %arg4[%swap3A_112, %swap3A_113, %swap3A_114], %swap3A_117 {strides = array<i32>} : memref<1x256x8xi32, #tpu.memory_space<vmem>>, vector<1x256x1xi32>,
    %eq3A_118 = vector.broadcast %broadcast_in_dim3A_108 : vector<256x1xf32> to vector<256x4096xf32>
    %eq3A_119 = arith.cmpf oeq, %convert_element_type3A, %eq3A_118 : vector<256x4096xf32>
    %jit3A_120 = arith.constant 0x7F800000 : f32
    %broadcast_in_dim3A_121 = vector.broadcast %jit3A_120 : f32 to vector<256x4096xf32>
    %select_n3A_122 = arith.select %eq3A_119, %broadcast_in_dim3A_121, %select_n3A_97 : vector<256x4096xi1>, vector<256x4096xf32>
    %reduce_min3A_123 = arith.constant dense<0x7F800000> : vector<256xf32>
    %reduce_min3A_124 = vector.multi_reduction <minimumf>, %select_n3A_122, %reduce_min3A_123 [1] : vector<256x4096xf32> to vector<256xf32>
    %broadcast_in_dim3A_125 = vector.shape_cast %reduce_min3A_124 : vector<256xf32> to vector<256x1xf32>
    %eq3A_126 = vector.broadcast %broadcast_in_dim3A_125 : vector<256x1xf32> to vector<256x4096xf32>
    %eq3A_127 = arith.cmpf oeq, %select_n3A_122, %eq3A_126 : vector<256x4096xf32>
    %jit3A_128 = arith.constant 3.000000e+38 : f32
    %broadcast_in_dim3A_129 = vector.broadcast %jit3A_128 : f32 to vector<256x4096xf32>
    %select_n3A_130 = arith.select %eq3A_127, %convert_element_type3A, %broadcast_in_dim3A_129 : vector<256x4096xi1>, vector<256x4096xf32>
    %reduce_min3A_131 = arith.constant dense<0x7F800000> : vector<256xf32>
    %reduce_min3A_132 = vector.multi_reduction <minimumf>, %select_n3A_130, %reduce_min3A_131 [1] : vector<256x4096xf32> to vector<256xf32>
    %broadcast_in_dim3A_133 = vector.shape_cast %reduce_min3A_132 : vector<256xf32> to vector<256x1xf32>
    %convert_element_type3A_134 = arith.fptosi %broadcast_in_dim3A_133 : vector<256x1xf32> to vector<256x1xi32>
    %add3A_135 = vector.broadcast %mul3A_28 : i32 to vector<256x1xi32>
    %add3A_136 = arith.addi %convert_element_type3A_134, %add3A_135 : vector<256x1xi32>
    %swap3A_137 = arith.constant 0 : index
    %swap3A_138 = arith.constant 0 : index
    %swap3A_139 = arith.constant 4 : index
    %swap3A_140 = vector.load %arg4[%swap3A_137, %swap3A_138, %swap3A_139] : memref<1x256x8xi32, #tpu.memory_space<vmem>>, vector<1x256x1xi32>
    %swap3A_141 = vector.shape_cast %swap3A_140 : vector<1x256x1xi32> to vector<256x1xi32>
    %swap3A_142 = vector.shape_cast %add3A_136 : vector<256x1xi32> to vector<1x256x1xi32>
    tpu.vector_store %arg4[%swap3A_137, %swap3A_138, %swap3A_139], %swap3A_142 {strides = array<i32>} : memref<1x256x8xi32, #tpu.memory_space<vmem>>, vector<1x256x1xi32>,
    %eq3A_143 = vector.broadcast %broadcast_in_dim3A_133 : vector<256x1xf32> to vector<256x4096xf32>
    %eq3A_144 = arith.cmpf oeq, %convert_element_type3A, %eq3A_143 : vector<256x4096xf32>
    %jit3A_145 = arith.constant 0x7F800000 : f32
    %broadcast_in_dim3A_146 = vector.broadcast %jit3A_145 : f32 to vector<256x4096xf32>
    %select_n3A_147 = arith.select %eq3A_144, %broadcast_in_dim3A_146, %select_n3A_122 : vector<256x4096xi1>, vector<256x4096xf32>
    %reduce_min3A_148 = arith.constant dense<0x7F800000> : vector<256xf32>
    %reduce_min3A_149 = vector.multi_reduction <minimumf>, %select_n3A_147, %reduce_min3A_148 [1] : vector<256x4096xf32> to vector<256xf32>
    %broadcast_in_dim3A_150 = vector.shape_cast %reduce_min3A_149 : vector<256xf32> to vector<256x1xf32>
    %eq3A_151 = vector.broadcast %broadcast_in_dim3A_150 : vector<256x1xf32> to vector<256x4096xf32>
    %eq3A_152 = arith.cmpf oeq, %select_n3A_147, %eq3A_151 : vector<256x4096xf32>
    %jit3A_153 = arith.constant 3.000000e+38 : f32
    %broadcast_in_dim3A_154 = vector.broadcast %jit3A_153 : f32 to vector<256x4096xf32>
    %select_n3A_155 = arith.select %eq3A_152, %convert_element_type3A, %broadcast_in_dim3A_154 : vector<256x4096xi1>, vector<256x4096xf32>
    %reduce_min3A_156 = arith.constant dense<0x7F800000> : vector<256xf32>
    %reduce_min3A_157 = vector.multi_reduction <minimumf>, %select_n3A_155, %reduce_min3A_156 [1] : vector<256x4096xf32> to vector<256xf32>
    %broadcast_in_dim3A_158 = vector.shape_cast %reduce_min3A_157 : vector<256xf32> to vector<256x1xf32>
    %convert_element_type3A_159 = arith.fptosi %broadcast_in_dim3A_158 : vector<256x1xf32> to vector<256x1xi32>
    %add3A_160 = vector.broadcast %mul3A_28 : i32 to vector<256x1xi32>
    %add3A_161 = arith.addi %convert_element_type3A_159, %add3A_160 : vector<256x1xi32>
    %swap3A_162 = arith.constant 0 : index
    %swap3A_163 = arith.constant 0 : index
    %swap3A_164 = arith.constant 5 : index
    %swap3A_165 = vector.load %arg4[%swap3A_162, %swap3A_163, %swap3A_164] : memref<1x256x8xi32, #tpu.memory_space<vmem>>, vector<1x256x1xi32>
    %swap3A_166 = vector.shape_cast %swap3A_165 : vector<1x256x1xi32> to vector<256x1xi32>
    %swap3A_167 = vector.shape_cast %add3A_161 : vector<256x1xi32> to vector<1x256x1xi32>
    tpu.vector_store %arg4[%swap3A_162, %swap3A_163, %swap3A_164], %swap3A_167 {strides = array<i32>} : memref<1x256x8xi32, #tpu.memory_space<vmem>>, vector<1x256x1xi32>,
    %eq3A_168 = vector.broadcast %broadcast_in_dim3A_158 : vector<256x1xf32> to vector<256x4096xf32>
    %eq3A_169 = arith.cmpf oeq, %convert_element_type3A, %eq3A_168 : vector<256x4096xf32>
    %jit3A_170 = arith.constant 0x7F800000 : f32
    %broadcast_in_dim3A_171 = vector.broadcast %jit3A_170 : f32 to vector<256x4096xf32>
    %select_n3A_172 = arith.select %eq3A_169, %broadcast_in_dim3A_171, %select_n3A_147 : vector<256x4096xi1>, vector<256x4096xf32>
    %reduce_min3A_173 = arith.constant dense<0x7F800000> : vector<256xf32>
    %reduce_min3A_174 = vector.multi_reduction <minimumf>, %select_n3A_172, %reduce_min3A_173 [1] : vector<256x4096xf32> to vector<256xf32>
    %broadcast_in_dim3A_175 = vector.shape_cast %reduce_min3A_174 : vector<256xf32> to vector<256x1xf32>
    %eq3A_176 = vector.broadcast %broadcast_in_dim3A_175 : vector<256x1xf32> to vector<256x4096xf32>
    %eq3A_177 = arith.cmpf oeq, %select_n3A_172, %eq3A_176 : vector<256x4096xf32>
    %jit3A_178 = arith.constant 3.000000e+38 : f32
    %broadcast_in_dim3A_179 = vector.broadcast %jit3A_178 : f32 to vector<256x4096xf32>
    %select_n3A_180 = arith.select %eq3A_177, %convert_element_type3A, %broadcast_in_dim3A_179 : vector<256x4096xi1>, vector<256x4096xf32>
    %reduce_min3A_181 = arith.constant dense<0x7F800000> : vector<256xf32>
    %reduce_min3A_182 = vector.multi_reduction <minimumf>, %select_n3A_180, %reduce_min3A_181 [1] : vector<256x4096xf32> to vector<256xf32>
    %broadcast_in_dim3A_183 = vector.shape_cast %reduce_min3A_182 : vector<256xf32> to vector<256x1xf32>
    %convert_element_type3A_184 = arith.fptosi %broadcast_in_dim3A_183 : vector<256x1xf32> to vector<256x1xi32>
    %add3A_185 = vector.broadcast %mul3A_28 : i32 to vector<256x1xi32>
    %add3A_186 = arith.addi %convert_element_type3A_184, %add3A_185 : vector<256x1xi32>
    %swap3A_187 = arith.constant 0 : index
    %swap3A_188 = arith.constant 0 : index
    %swap3A_189 = arith.constant 6 : index
    %swap3A_190 = vector.load %arg4[%swap3A_187, %swap3A_188, %swap3A_189] : memref<1x256x8xi32, #tpu.memory_space<vmem>>, vector<1x256x1xi32>
    %swap3A_191 = vector.shape_cast %swap3A_190 : vector<1x256x1xi32> to vector<256x1xi32>
    %swap3A_192 = vector.shape_cast %add3A_186 : vector<256x1xi32> to vector<1x256x1xi32>
    tpu.vector_store %arg4[%swap3A_187, %swap3A_188, %swap3A_189], %swap3A_192 {strides = array<i32>} : memref<1x256x8xi32, #tpu.memory_space<vmem>>, vector<1x256x1xi32>,
    %eq3A_193 = vector.broadcast %broadcast_in_dim3A_183 : vector<256x1xf32> to vector<256x4096xf32>
    %eq3A_194 = arith.cmpf oeq, %convert_element_type3A, %eq3A_193 : vector<256x4096xf32>
    %jit3A_195 = arith.constant 0x7F800000 : f32
    %broadcast_in_dim3A_196 = vector.broadcast %jit3A_195 : f32 to vector<256x4096xf32>
    %select_n3A_197 = arith.select %eq3A_194, %broadcast_in_dim3A_196, %select_n3A_172 : vector<256x4096xi1>, vector<256x4096xf32>
    %reduce_min3A_198 = arith.constant dense<0x7F800000> : vector<256xf32>
    %reduce_min3A_199 = vector.multi_reduction <minimumf>, %select_n3A_197, %reduce_min3A_198 [1] : vector<256x4096xf32> to vector<256xf32>
    %broadcast_in_dim3A_200 = vector.shape_cast %reduce_min3A_199 : vector<256xf32> to vector<256x1xf32>
    %eq3A_201 = vector.broadcast %broadcast_in_dim3A_200 : vector<256x1xf32> to vector<256x4096xf32>
    %eq3A_202 = arith.cmpf oeq, %select_n3A_197, %eq3A_201 : vector<256x4096xf32>
    %jit3A_203 = arith.constant 3.000000e+38 : f32
    %broadcast_in_dim3A_204 = vector.broadcast %jit3A_203 : f32 to vector<256x4096xf32>
    %select_n3A_205 = arith.select %eq3A_202, %convert_element_type3A, %broadcast_in_dim3A_204 : vector<256x4096xi1>, vector<256x4096xf32>
    %reduce_min3A_206 = arith.constant dense<0x7F800000> : vector<256xf32>
    %reduce_min3A_207 = vector.multi_reduction <minimumf>, %select_n3A_205, %reduce_min3A_206 [1] : vector<256x4096xf32> to vector<256xf32>
    %broadcast_in_dim3A_208 = vector.shape_cast %reduce_min3A_207 : vector<256xf32> to vector<256x1xf32>
    %convert_element_type3A_209 = arith.fptosi %broadcast_in_dim3A_208 : vector<256x1xf32> to vector<256x1xi32>
    %add3A_210 = vector.broadcast %mul3A_28 : i32 to vector<256x1xi32>
    %add3A_211 = arith.addi %convert_element_type3A_209, %add3A_210 : vector<256x1xi32>
    %swap3A_212 = arith.constant 0 : index
    %swap3A_213 = arith.constant 0 : index
    %swap3A_214 = arith.constant 7 : index
    %swap3A_215 = vector.load %arg4[%swap3A_212, %swap3A_213, %swap3A_214] : memref<1x256x8xi32, #tpu.memory_space<vmem>>, vector<1x256x1xi32>
    %swap3A_216 = vector.shape_cast %swap3A_215 : vector<1x256x1xi32> to vector<256x1xi32>
    %swap3A_217 = vector.shape_cast %add3A_211 : vector<256x1xi32> to vector<1x256x1xi32>
    tpu.vector_store %arg4[%swap3A_212, %swap3A_213, %swap3A_214], %swap3A_217 {strides = array<i32>} : memref<1x256x8xi32, #tpu.memory_space<vmem>>, vector<1x256x1xi32>,
    return
  }
  func.func @transform_0(%arg0: i32, %arg1: i32) -> (i32, i32, i32) {
    %c0_i32 = arith.constant 0 : i32
    %c0_i32_0 = arith.constant 0 : i32
    return %arg0, %arg1, %c0_i32 : i32, i32, i32
  }
  func.func @transform_1(%arg0: i32, %arg1: i32) -> (i32, i32, i32) {
    %c0_i32 = arith.constant 0 : i32
    %c0_i32_0 = arith.constant 0 : i32
    %c0_i32_1 = arith.constant 0 : i32
    return %arg0, %c0_i32, %c0_i32_0 : i32, i32, i32
  }
  func.func @transform_2(%arg0: i32, %arg1: i32) -> (i32, i32, i32) {
    %c0_i32 = arith.constant 0 : i32
    %c0_i32_0 = arith.constant 0 : i32
    return %arg0, %arg1, %c0_i32 : i32, i32, i32
  }
}

module attributes {stable_mosaic.version = 14 : i64} {
  func.func @_p1_body(%arg0: i32, %arg1: memref<4096x128xf32, #tpu.memory_space<vmem>>, %arg2: memref<512x3xf32, #tpu.memory_space<vmem>>, %arg3: memref<4x64xf32, #tpu.memory_space<vmem>>, %arg4: memref<1x64xf32, #tpu.memory_space<vmem>>, %arg5: memref<4096x64xf32, #tpu.memory_space<vmem>>, %arg6: memref<2x64xf32, #tpu.memory_space<vmem>>) attributes {dimension_semantics = [#tpu.dimension_semantics<arbitrary>], iteration_bounds = array<i64: 32>, scalar_prefetch = 0 : i64, scratch_operands = 0 : i64, tpu.core_type = #tpu.core_type<tc>, window_params = [{transform_indices = @transform_0, window_bounds = array<i64: 4096, 128>}, {transform_indices = @transform_1, window_bounds = array<i64: 512, 3>}, {pipeline_mode = #tpu.pipeline_mode<synchronous>, transform_indices = @transform_2, window_bounds = array<i64: 4, 64>}, {pipeline_mode = #tpu.pipeline_mode<synchronous>, transform_indices = @transform_3, window_bounds = array<i64: 1, 64>}, {transform_indices = @transform_4, window_bounds = array<i64: 4096, 64>}, {pipeline_mode = #tpu.pipeline_mode<synchronous>, transform_indices = @transform_5, window_bounds = array<i64: 2, 64>}]} {
    %get3A = arith.constant 0 : index
    %get3A_0 = arith.constant 0 : index
    %get3A_1 = vector.load %arg1[%get3A, %get3A_0] : memref<4096x128xf32, #tpu.memory_space<vmem>>, vector<4096x128xf32>
    %get3A_2 = arith.constant 0 : index
    %get3A_3 = arith.constant 0 : index
    %get3A_4 = vector.load %arg2[%get3A_2, %get3A_3] : memref<512x3xf32, #tpu.memory_space<vmem>>, vector<512x3xf32>
    %broadcast_in_dim3A = vector.shape_cast %get3A_4 : vector<512x3xf32> to vector<512x1x3xf32>
    %broadcast_in_dim3A_5 = vector.shape_cast %broadcast_in_dim3A : vector<512x1x3xf32> to vector<512x1x3xf32>
    %broadcast_in_dim3A_6 = vector.broadcast %broadcast_in_dim3A_5 : vector<512x1x3xf32> to vector<512x8x3xf32>
    %reshape3A = vector.shape_cast %broadcast_in_dim3A_6 : vector<512x8x3xf32> to vector<4096x3xf32>
    %slice3A = vector.extract_strided_slice %get3A_1 {offsets = [0, 0], sizes = [4096, 3], strides = [1, 1]} : vector<4096x128xf32> to vector<4096x3xf32>
    %sub3A = arith.subf %slice3A, %reshape3A : vector<4096x3xf32>
    %mul3A = arith.mulf %sub3A, %sub3A : vector<4096x3xf32>
    %reduce_sum3A = arith.constant dense<0.000000e+00> : vector<4096xf32>
    %reduce_sum3A_7 = vector.multi_reduction <add>, %mul3A, %reduce_sum3A [1] : vector<4096x3xf32> to vector<4096xf32>
    %broadcast_in_dim3A_8 = vector.shape_cast %reduce_sum3A_7 : vector<4096xf32> to vector<4096x1xf32>
    %sqrt3A = math.sqrt %broadcast_in_dim3A_8 : vector<4096x1xf32>
    %concatenate3A = tpu.concatenate %sub3A, %sqrt3A in 1 : vector<4096x3xf32>, vector<4096x1xf32> -> vector<4096x4xf32>
    %get3A_9 = arith.constant 0 : index
    %get3A_10 = arith.constant 0 : index
    %get3A_11 = vector.load %arg3[%get3A_9, %get3A_10] : memref<4x64xf32, #tpu.memory_space<vmem>>, vector<4x64xf32>
    %dot_general3A = arith.constant dense<0.000000e+00> : vector<4096x64xf32>
    %dot_general3A_12 = tpu.matmul %concatenate3A, %get3A_11, %dot_general3A {dimension_numbers = #tpu.dot_dimension_numbers<[1], [0], [0], [1], [0, 0, 1, 1], [], []>, transpose_lhs_hint = false} : vector<4096x4xf32>, vector<4x64xf32>, vector<4096x64xf32> -> vector<4096x64xf32>
    %get3A_13 = arith.constant 0 : index
    %get3A_14 = arith.constant 0 : index
    %get3A_15 = vector.load %arg4[%get3A_13, %get3A_14] : memref<1x64xf32, #tpu.memory_space<vmem>>, vector<1x64xf32>
    %add3A = vector.broadcast %get3A_15 : vector<1x64xf32> to vector<4096x64xf32>
    %add3A_16 = arith.addf %dot_general3A_12, %add3A : vector<4096x64xf32>
    %swap3A = arith.constant 0 : index
    %swap3A_17 = arith.constant 0 : index
    %swap3A_18 = vector.load %arg5[%swap3A, %swap3A_17] : memref<4096x64xf32, #tpu.memory_space<vmem>>, vector<4096x64xf32>
    tpu.vector_store %arg5[%swap3A, %swap3A_17], %add3A_16 {strides = array<i32>} : memref<4096x64xf32, #tpu.memory_space<vmem>>, vector<4096x64xf32>,
    %eq3A = arith.constant 0 : i32
    %eq3A_19 = arith.cmpi eq, %arg0, %eq3A : i32
    %convert_element_type3A = arith.extui %eq3A_19 : i1 to i32
    %cond3A = arith.constant 0 : i32
    %cond3A_20 = arith.cmpi ne, %convert_element_type3A, %cond3A : i32
    scf.if %cond3A_20 {
      %broadcast_in_dim3A_42 = arith.constant 0.000000e+00 : f32
      %broadcast_in_dim3A_43 = vector.broadcast %broadcast_in_dim3A_42 : f32 to vector<2x64xf32>
      %swap3A_44 = arith.constant 0 : index
      %swap3A_45 = arith.constant 0 : index
      %swap3A_46 = vector.load %arg6[%swap3A_44, %swap3A_45] : memref<2x64xf32, #tpu.memory_space<vmem>>, vector<2x64xf32>
      tpu.vector_store %arg6[%swap3A_44, %swap3A_45], %broadcast_in_dim3A_43 {strides = array<i32>} : memref<2x64xf32, #tpu.memory_space<vmem>>, vector<2x64xf32>,
    } else {
    }
    %get3A_21 = arith.constant 0 : index
    %get3A_22 = arith.constant 0 : index
    %get3A_23 = vector.load %arg6[%get3A_21, %get3A_22] : memref<2x64xf32, #tpu.memory_space<vmem>>, vector<1x64xf32>
    %reduce_sum3A_24 = arith.constant dense<0.000000e+00> : vector<64xf32>
    %reduce_sum3A_25 = vector.multi_reduction <add>, %add3A_16, %reduce_sum3A_24 [0] : vector<4096x64xf32> to vector<64xf32>
    %broadcast_in_dim3A_26 = vector.shape_cast %reduce_sum3A_25 : vector<64xf32> to vector<1x64xf32>
    %add3A_27 = arith.addf %get3A_23, %broadcast_in_dim3A_26 : vector<1x64xf32>
    %swap3A_28 = arith.constant 0 : index
    %swap3A_29 = arith.constant 0 : index
    %swap3A_30 = vector.load %arg6[%swap3A_28, %swap3A_29] : memref<2x64xf32, #tpu.memory_space<vmem>>, vector<1x64xf32>
    tpu.vector_store %arg6[%swap3A_28, %swap3A_29], %add3A_27 {strides = array<i32>} : memref<2x64xf32, #tpu.memory_space<vmem>>, vector<1x64xf32>,
    %get3A_31 = arith.constant 1 : index
    %get3A_32 = arith.constant 0 : index
    %get3A_33 = vector.load %arg6[%get3A_31, %get3A_32] : memref<2x64xf32, #tpu.memory_space<vmem>>, vector<1x64xf32>
    %mul3A_34 = arith.mulf %add3A_16, %add3A_16 : vector<4096x64xf32>
    %reduce_sum3A_35 = arith.constant dense<0.000000e+00> : vector<64xf32>
    %reduce_sum3A_36 = vector.multi_reduction <add>, %mul3A_34, %reduce_sum3A_35 [0] : vector<4096x64xf32> to vector<64xf32>
    %broadcast_in_dim3A_37 = vector.shape_cast %reduce_sum3A_36 : vector<64xf32> to vector<1x64xf32>
    %add3A_38 = arith.addf %get3A_33, %broadcast_in_dim3A_37 : vector<1x64xf32>
    %swap3A_39 = arith.constant 1 : index
    %swap3A_40 = arith.constant 0 : index
    %swap3A_41 = vector.load %arg6[%swap3A_39, %swap3A_40] : memref<2x64xf32, #tpu.memory_space<vmem>>, vector<1x64xf32>
    tpu.vector_store %arg6[%swap3A_39, %swap3A_40], %add3A_38 {strides = array<i32>} : memref<2x64xf32, #tpu.memory_space<vmem>>, vector<1x64xf32>,
    return
  }
  func.func @transform_0(%arg0: i32) -> (i32, i32) {
    %c0_i32 = arith.constant 0 : i32
    %c0_i32_0 = arith.constant 0 : i32
    return %arg0, %c0_i32 : i32, i32
  }
  func.func @transform_1(%arg0: i32) -> (i32, i32) {
    %c0_i32 = arith.constant 0 : i32
    %c0_i32_0 = arith.constant 0 : i32
    return %arg0, %c0_i32 : i32, i32
  }
  func.func @transform_2(%arg0: i32) -> (i32, i32) {
    %c0_i32 = arith.constant 0 : i32
    %c0_i32_0 = arith.constant 0 : i32
    %c0_i32_1 = arith.constant 0 : i32
    return %c0_i32, %c0_i32_0 : i32, i32
  }
  func.func @transform_3(%arg0: i32) -> (i32, i32) {
    %c0_i32 = arith.constant 0 : i32
    %c0_i32_0 = arith.constant 0 : i32
    %c0_i32_1 = arith.constant 0 : i32
    return %c0_i32, %c0_i32_0 : i32, i32
  }
  func.func @transform_4(%arg0: i32) -> (i32, i32) {
    %c0_i32 = arith.constant 0 : i32
    %c0_i32_0 = arith.constant 0 : i32
    return %arg0, %c0_i32 : i32, i32
  }
  func.func @transform_5(%arg0: i32) -> (i32, i32) {
    %c0_i32 = arith.constant 0 : i32
    %c0_i32_0 = arith.constant 0 : i32
    %c0_i32_1 = arith.constant 0 : i32
    return %c0_i32, %c0_i32_0 : i32, i32
  }
}

module attributes {stable_mosaic.version = 14 : i64} {
  func.func @_mid_body(%arg0: i32, %arg1: memref<4096x64xf32, #tpu.memory_space<vmem>>, %arg2: memref<2x64xf32, #tpu.memory_space<vmem>>, %arg3: memref<64x128xf32, #tpu.memory_space<vmem>>, %arg4: memref<1x128xf32, #tpu.memory_space<vmem>>, %arg5: memref<1x64xf32, #tpu.memory_space<vmem>>, %arg6: memref<1x64xf32, #tpu.memory_space<vmem>>, %arg7: memref<4096x128xf32, #tpu.memory_space<vmem>>, %arg8: memref<2x128xf32, #tpu.memory_space<vmem>>) attributes {dimension_semantics = [#tpu.dimension_semantics<arbitrary>], iteration_bounds = array<i64: 32>, scalar_prefetch = 0 : i64, scratch_operands = 0 : i64, tpu.core_type = #tpu.core_type<tc>, window_params = [{transform_indices = @transform_0, window_bounds = array<i64: 4096, 64>}, {pipeline_mode = #tpu.pipeline_mode<synchronous>, transform_indices = @transform_1, window_bounds = array<i64: 2, 64>}, {pipeline_mode = #tpu.pipeline_mode<synchronous>, transform_indices = @transform_2, window_bounds = array<i64: 64, 128>}, {pipeline_mode = #tpu.pipeline_mode<synchronous>, transform_indices = @transform_3, window_bounds = array<i64: 1, 128>}, {pipeline_mode = #tpu.pipeline_mode<synchronous>, transform_indices = @transform_4, window_bounds = array<i64: 1, 64>}, {pipeline_mode = #tpu.pipeline_mode<synchronous>, transform_indices = @transform_5, window_bounds = array<i64: 1, 64>}, {transform_indices = @transform_6, window_bounds = array<i64: 4096, 128>}, {pipeline_mode = #tpu.pipeline_mode<synchronous>, transform_indices = @transform_7, window_bounds = array<i64: 2, 128>}]} {
    %get3A = arith.constant 0 : index
    %get3A_0 = arith.constant 0 : index
    %get3A_1 = vector.load %arg2[%get3A, %get3A_0] : memref<2x64xf32, #tpu.memory_space<vmem>>, vector<1x64xf32>
    %mul3A = arith.constant 3.81469727E-6 : f32
    %mul3A_2 = vector.broadcast %mul3A : f32 to vector<1x64xf32>
    %mul3A_3 = arith.mulf %get3A_1, %mul3A_2 : vector<1x64xf32>
    %get3A_4 = arith.constant 1 : index
    %get3A_5 = arith.constant 0 : index
    %get3A_6 = vector.load %arg2[%get3A_4, %get3A_5] : memref<2x64xf32, #tpu.memory_space<vmem>>, vector<1x64xf32>
    %mul3A_7 = arith.constant 3.81469727E-6 : f32
    %mul3A_8 = vector.broadcast %mul3A_7 : f32 to vector<1x64xf32>
    %mul3A_9 = arith.mulf %get3A_6, %mul3A_8 : vector<1x64xf32>
    %mul3A_10 = arith.mulf %mul3A_3, %mul3A_3 : vector<1x64xf32>
    %sub3A = arith.subf %mul3A_9, %mul3A_10 : vector<1x64xf32>
    %get3A_11 = arith.constant 0 : index
    %get3A_12 = arith.constant 0 : index
    %get3A_13 = vector.load %arg5[%get3A_11, %get3A_12] : memref<1x64xf32, #tpu.memory_space<vmem>>, vector<1x64xf32>
    %add3A = arith.constant 1.000000e-03 : f32
    %add3A_14 = vector.broadcast %add3A : f32 to vector<1x64xf32>
    %add3A_15 = arith.addf %sub3A, %add3A_14 : vector<1x64xf32>
    %rsqrt3A = math.rsqrt %add3A_15 : vector<1x64xf32>
    %mul3A_16 = arith.mulf %get3A_13, %rsqrt3A : vector<1x64xf32>
    %get3A_17 = arith.constant 0 : index
    %get3A_18 = arith.constant 0 : index
    %get3A_19 = vector.load %arg1[%get3A_17, %get3A_18] : memref<4096x64xf32, #tpu.memory_space<vmem>>, vector<4096x64xf32>
    %sub3A_20 = vector.broadcast %mul3A_3 : vector<1x64xf32> to vector<4096x64xf32>
    %sub3A_21 = arith.subf %get3A_19, %sub3A_20 : vector<4096x64xf32>
    %mul3A_22 = vector.broadcast %mul3A_16 : vector<1x64xf32> to vector<4096x64xf32>
    %mul3A_23 = arith.mulf %sub3A_21, %mul3A_22 : vector<4096x64xf32>
    %get3A_24 = arith.constant 0 : index
    %get3A_25 = arith.constant 0 : index
    %get3A_26 = vector.load %arg6[%get3A_24, %get3A_25] : memref<1x64xf32, #tpu.memory_space<vmem>>, vector<1x64xf32>
    %add3A_27 = vector.broadcast %get3A_26 : vector<1x64xf32> to vector<4096x64xf32>
    %add3A_28 = arith.addf %mul3A_23, %add3A_27 : vector<4096x64xf32>
    %max3A = arith.constant 0.000000e+00 : f32
    %max3A_29 = vector.broadcast %max3A : f32 to vector<4096x64xf32>
    %max3A_30 = arith.maximumf %add3A_28, %max3A_29 : vector<4096x64xf32>
    %get3A_31 = arith.constant 0 : index
    %get3A_32 = arith.constant 0 : index
    %get3A_33 = vector.load %arg3[%get3A_31, %get3A_32] : memref<64x128xf32, #tpu.memory_space<vmem>>, vector<64x128xf32>
    %dot_general3A = arith.constant dense<0.000000e+00> : vector<4096x128xf32>
    %dot_general3A_34 = tpu.matmul %max3A_30, %get3A_33, %dot_general3A {dimension_numbers = #tpu.dot_dimension_numbers<[1], [0], [0], [1], [0, 0, 1, 1], [], []>, transpose_lhs_hint = false} : vector<4096x64xf32>, vector<64x128xf32>, vector<4096x128xf32> -> vector<4096x128xf32>
    %get3A_35 = arith.constant 0 : index
    %get3A_36 = arith.constant 0 : index
    %get3A_37 = vector.load %arg4[%get3A_35, %get3A_36] : memref<1x128xf32, #tpu.memory_space<vmem>>, vector<1x128xf32>
    %add3A_38 = vector.broadcast %get3A_37 : vector<1x128xf32> to vector<4096x128xf32>
    %add3A_39 = arith.addf %dot_general3A_34, %add3A_38 : vector<4096x128xf32>
    %swap3A = arith.constant 0 : index
    %swap3A_40 = arith.constant 0 : index
    %swap3A_41 = vector.load %arg7[%swap3A, %swap3A_40] : memref<4096x128xf32, #tpu.memory_space<vmem>>, vector<4096x128xf32>
    tpu.vector_store %arg7[%swap3A, %swap3A_40], %add3A_39 {strides = array<i32>} : memref<4096x128xf32, #tpu.memory_space<vmem>>, vector<4096x128xf32>,
    %eq3A = arith.constant 0 : i32
    %eq3A_42 = arith.cmpi eq, %arg0, %eq3A : i32
    %convert_element_type3A = arith.extui %eq3A_42 : i1 to i32
    %cond3A = arith.constant 0 : i32
    %cond3A_43 = arith.cmpi ne, %convert_element_type3A, %cond3A : i32
    scf.if %cond3A_43 {
      %broadcast_in_dim3A_63 = arith.constant 0.000000e+00 : f32
      %broadcast_in_dim3A_64 = vector.broadcast %broadcast_in_dim3A_63 : f32 to vector<2x128xf32>
      %swap3A_65 = arith.constant 0 : index
      %swap3A_66 = arith.constant 0 : index
      %swap3A_67 = vector.load %arg8[%swap3A_65, %swap3A_66] : memref<2x128xf32, #tpu.memory_space<vmem>>, vector<2x128xf32>
      tpu.vector_store %arg8[%swap3A_65, %swap3A_66], %broadcast_in_dim3A_64 {strides = array<i32>} : memref<2x128xf32, #tpu.memory_space<vmem>>, vector<2x128xf32>,
    } else {
    }
    %get3A_44 = arith.constant 0 : index
    %get3A_45 = arith.constant 0 : index
    %get3A_46 = vector.load %arg8[%get3A_44, %get3A_45] : memref<2x128xf32, #tpu.memory_space<vmem>>, vector<1x128xf32>
    %reduce_sum3A = arith.constant dense<0.000000e+00> : vector<128xf32>
    %reduce_sum3A_47 = vector.multi_reduction <add>, %add3A_39, %reduce_sum3A [0] : vector<4096x128xf32> to vector<128xf32>
    %broadcast_in_dim3A = vector.shape_cast %reduce_sum3A_47 : vector<128xf32> to vector<1x128xf32>
    %add3A_48 = arith.addf %get3A_46, %broadcast_in_dim3A : vector<1x128xf32>
    %swap3A_49 = arith.constant 0 : index
    %swap3A_50 = arith.constant 0 : index
    %swap3A_51 = vector.load %arg8[%swap3A_49, %swap3A_50] : memref<2x128xf32, #tpu.memory_space<vmem>>, vector<1x128xf32>
    tpu.vector_store %arg8[%swap3A_49, %swap3A_50], %add3A_48 {strides = array<i32>} : memref<2x128xf32, #tpu.memory_space<vmem>>, vector<1x128xf32>,
    %get3A_52 = arith.constant 1 : index
    %get3A_53 = arith.constant 0 : index
    %get3A_54 = vector.load %arg8[%get3A_52, %get3A_53] : memref<2x128xf32, #tpu.memory_space<vmem>>, vector<1x128xf32>
    %mul3A_55 = arith.mulf %add3A_39, %add3A_39 : vector<4096x128xf32>
    %reduce_sum3A_56 = arith.constant dense<0.000000e+00> : vector<128xf32>
    %reduce_sum3A_57 = vector.multi_reduction <add>, %mul3A_55, %reduce_sum3A_56 [0] : vector<4096x128xf32> to vector<128xf32>
    %broadcast_in_dim3A_58 = vector.shape_cast %reduce_sum3A_57 : vector<128xf32> to vector<1x128xf32>
    %add3A_59 = arith.addf %get3A_54, %broadcast_in_dim3A_58 : vector<1x128xf32>
    %swap3A_60 = arith.constant 1 : index
    %swap3A_61 = arith.constant 0 : index
    %swap3A_62 = vector.load %arg8[%swap3A_60, %swap3A_61] : memref<2x128xf32, #tpu.memory_space<vmem>>, vector<1x128xf32>
    tpu.vector_store %arg8[%swap3A_60, %swap3A_61], %add3A_59 {strides = array<i32>} : memref<2x128xf32, #tpu.memory_space<vmem>>, vector<1x128xf32>,
    return
  }
  func.func @transform_0(%arg0: i32) -> (i32, i32) {
    %c0_i32 = arith.constant 0 : i32
    %c0_i32_0 = arith.constant 0 : i32
    return %arg0, %c0_i32 : i32, i32
  }
  func.func @transform_1(%arg0: i32) -> (i32, i32) {
    %c0_i32 = arith.constant 0 : i32
    %c0_i32_0 = arith.constant 0 : i32
    %c0_i32_1 = arith.constant 0 : i32
    return %c0_i32, %c0_i32_0 : i32, i32
  }
  func.func @transform_2(%arg0: i32) -> (i32, i32) {
    %c0_i32 = arith.constant 0 : i32
    %c0_i32_0 = arith.constant 0 : i32
    %c0_i32_1 = arith.constant 0 : i32
    return %c0_i32, %c0_i32_0 : i32, i32
  }
  func.func @transform_3(%arg0: i32) -> (i32, i32) {
    %c0_i32 = arith.constant 0 : i32
    %c0_i32_0 = arith.constant 0 : i32
    %c0_i32_1 = arith.constant 0 : i32
    return %c0_i32, %c0_i32_0 : i32, i32
  }
  func.func @transform_4(%arg0: i32) -> (i32, i32) {
    %c0_i32 = arith.constant 0 : i32
    %c0_i32_0 = arith.constant 0 : i32
    %c0_i32_1 = arith.constant 0 : i32
    return %c0_i32, %c0_i32_0 : i32, i32
  }
  func.func @transform_5(%arg0: i32) -> (i32, i32) {
    %c0_i32 = arith.constant 0 : i32
    %c0_i32_0 = arith.constant 0 : i32
    %c0_i32_1 = arith.constant 0 : i32
    return %c0_i32, %c0_i32_0 : i32, i32
  }
  func.func @transform_6(%arg0: i32) -> (i32, i32) {
    %c0_i32 = arith.constant 0 : i32
    %c0_i32_0 = arith.constant 0 : i32
    return %arg0, %c0_i32 : i32, i32
  }
  func.func @transform_7(%arg0: i32) -> (i32, i32) {
    %c0_i32 = arith.constant 0 : i32
    %c0_i32_0 = arith.constant 0 : i32
    %c0_i32_1 = arith.constant 0 : i32
    return %c0_i32, %c0_i32_0 : i32, i32
  }
}

module attributes {stable_mosaic.version = 14 : i64} {
  func.func @_mid_body(%arg0: i32, %arg1: memref<4096x128xf32, #tpu.memory_space<vmem>>, %arg2: memref<2x128xf32, #tpu.memory_space<vmem>>, %arg3: memref<128x256xf32, #tpu.memory_space<vmem>>, %arg4: memref<1x256xf32, #tpu.memory_space<vmem>>, %arg5: memref<1x128xf32, #tpu.memory_space<vmem>>, %arg6: memref<1x128xf32, #tpu.memory_space<vmem>>, %arg7: memref<4096x128xf32, #tpu.memory_space<vmem>>, %arg8: memref<2x256xf32, #tpu.memory_space<vmem>>) attributes {dimension_semantics = [#tpu.dimension_semantics<arbitrary>], iteration_bounds = array<i64: 32>, scalar_prefetch = 0 : i64, scratch_operands = 0 : i64, tpu.core_type = #tpu.core_type<tc>, window_params = [{transform_indices = @transform_0, window_bounds = array<i64: 4096, 128>}, {pipeline_mode = #tpu.pipeline_mode<synchronous>, transform_indices = @transform_1, window_bounds = array<i64: 2, 128>}, {pipeline_mode = #tpu.pipeline_mode<synchronous>, transform_indices = @transform_2, window_bounds = array<i64: 128, 256>}, {pipeline_mode = #tpu.pipeline_mode<synchronous>, transform_indices = @transform_3, window_bounds = array<i64: 1, 256>}, {pipeline_mode = #tpu.pipeline_mode<synchronous>, transform_indices = @transform_4, window_bounds = array<i64: 1, 128>}, {pipeline_mode = #tpu.pipeline_mode<synchronous>, transform_indices = @transform_5, window_bounds = array<i64: 1, 128>}, {transform_indices = @transform_6, window_bounds = array<i64: 4096, 128>}, {pipeline_mode = #tpu.pipeline_mode<synchronous>, transform_indices = @transform_7, window_bounds = array<i64: 2, 256>}]} {
    %get3A = arith.constant 0 : index
    %get3A_0 = arith.constant 0 : index
    %get3A_1 = vector.load %arg2[%get3A, %get3A_0] : memref<2x128xf32, #tpu.memory_space<vmem>>, vector<1x128xf32>
    %mul3A = arith.constant 3.81469727E-6 : f32
    %mul3A_2 = vector.broadcast %mul3A : f32 to vector<1x128xf32>
    %mul3A_3 = arith.mulf %get3A_1, %mul3A_2 : vector<1x128xf32>
    %get3A_4 = arith.constant 1 : index
    %get3A_5 = arith.constant 0 : index
    %get3A_6 = vector.load %arg2[%get3A_4, %get3A_5] : memref<2x128xf32, #tpu.memory_space<vmem>>, vector<1x128xf32>
    %mul3A_7 = arith.constant 3.81469727E-6 : f32
    %mul3A_8 = vector.broadcast %mul3A_7 : f32 to vector<1x128xf32>
    %mul3A_9 = arith.mulf %get3A_6, %mul3A_8 : vector<1x128xf32>
    %mul3A_10 = arith.mulf %mul3A_3, %mul3A_3 : vector<1x128xf32>
    %sub3A = arith.subf %mul3A_9, %mul3A_10 : vector<1x128xf32>
    %get3A_11 = arith.constant 0 : index
    %get3A_12 = arith.constant 0 : index
    %get3A_13 = vector.load %arg5[%get3A_11, %get3A_12] : memref<1x128xf32, #tpu.memory_space<vmem>>, vector<1x128xf32>
    %add3A = arith.constant 1.000000e-03 : f32
    %add3A_14 = vector.broadcast %add3A : f32 to vector<1x128xf32>
    %add3A_15 = arith.addf %sub3A, %add3A_14 : vector<1x128xf32>
    %rsqrt3A = math.rsqrt %add3A_15 : vector<1x128xf32>
    %mul3A_16 = arith.mulf %get3A_13, %rsqrt3A : vector<1x128xf32>
    %get3A_17 = arith.constant 0 : index
    %get3A_18 = arith.constant 0 : index
    %get3A_19 = vector.load %arg1[%get3A_17, %get3A_18] : memref<4096x128xf32, #tpu.memory_space<vmem>>, vector<4096x128xf32>
    %sub3A_20 = vector.broadcast %mul3A_3 : vector<1x128xf32> to vector<4096x128xf32>
    %sub3A_21 = arith.subf %get3A_19, %sub3A_20 : vector<4096x128xf32>
    %mul3A_22 = vector.broadcast %mul3A_16 : vector<1x128xf32> to vector<4096x128xf32>
    %mul3A_23 = arith.mulf %sub3A_21, %mul3A_22 : vector<4096x128xf32>
    %get3A_24 = arith.constant 0 : index
    %get3A_25 = arith.constant 0 : index
    %get3A_26 = vector.load %arg6[%get3A_24, %get3A_25] : memref<1x128xf32, #tpu.memory_space<vmem>>, vector<1x128xf32>
    %add3A_27 = vector.broadcast %get3A_26 : vector<1x128xf32> to vector<4096x128xf32>
    %add3A_28 = arith.addf %mul3A_23, %add3A_27 : vector<4096x128xf32>
    %max3A = arith.constant 0.000000e+00 : f32
    %max3A_29 = vector.broadcast %max3A : f32 to vector<4096x128xf32>
    %max3A_30 = arith.maximumf %add3A_28, %max3A_29 : vector<4096x128xf32>
    %get3A_31 = arith.constant 0 : index
    %get3A_32 = arith.constant 0 : index
    %get3A_33 = vector.load %arg3[%get3A_31, %get3A_32] : memref<128x256xf32, #tpu.memory_space<vmem>>, vector<128x256xf32>
    %dot_general3A = arith.constant dense<0.000000e+00> : vector<4096x256xf32>
    %dot_general3A_34 = tpu.matmul %max3A_30, %get3A_33, %dot_general3A {dimension_numbers = #tpu.dot_dimension_numbers<[1], [0], [0], [1], [0, 0, 1, 1], [], []>, transpose_lhs_hint = false} : vector<4096x128xf32>, vector<128x256xf32>, vector<4096x256xf32> -> vector<4096x256xf32>
    %get3A_35 = arith.constant 0 : index
    %get3A_36 = arith.constant 0 : index
    %get3A_37 = vector.load %arg4[%get3A_35, %get3A_36] : memref<1x256xf32, #tpu.memory_space<vmem>>, vector<1x256xf32>
    %add3A_38 = vector.broadcast %get3A_37 : vector<1x256xf32> to vector<4096x256xf32>
    %add3A_39 = arith.addf %dot_general3A_34, %add3A_38 : vector<4096x256xf32>
    %swap3A = arith.constant 0 : index
    %swap3A_40 = arith.constant 0 : index
    %swap3A_41 = vector.load %arg7[%swap3A, %swap3A_40] : memref<4096x128xf32, #tpu.memory_space<vmem>>, vector<4096x128xf32>
    tpu.vector_store %arg7[%swap3A, %swap3A_40], %max3A_30 {strides = array<i32>} : memref<4096x128xf32, #tpu.memory_space<vmem>>, vector<4096x128xf32>,
    %eq3A = arith.constant 0 : i32
    %eq3A_42 = arith.cmpi eq, %arg0, %eq3A : i32
    %convert_element_type3A = arith.extui %eq3A_42 : i1 to i32
    %cond3A = arith.constant 0 : i32
    %cond3A_43 = arith.cmpi ne, %convert_element_type3A, %cond3A : i32
    scf.if %cond3A_43 {
      %broadcast_in_dim3A_63 = arith.constant 0.000000e+00 : f32
      %broadcast_in_dim3A_64 = vector.broadcast %broadcast_in_dim3A_63 : f32 to vector<2x256xf32>
      %swap3A_65 = arith.constant 0 : index
      %swap3A_66 = arith.constant 0 : index
      %swap3A_67 = vector.load %arg8[%swap3A_65, %swap3A_66] : memref<2x256xf32, #tpu.memory_space<vmem>>, vector<2x256xf32>
      tpu.vector_store %arg8[%swap3A_65, %swap3A_66], %broadcast_in_dim3A_64 {strides = array<i32>} : memref<2x256xf32, #tpu.memory_space<vmem>>, vector<2x256xf32>,
    } else {
    }
    %get3A_44 = arith.constant 0 : index
    %get3A_45 = arith.constant 0 : index
    %get3A_46 = vector.load %arg8[%get3A_44, %get3A_45] : memref<2x256xf32, #tpu.memory_space<vmem>>, vector<1x256xf32>
    %reduce_sum3A = arith.constant dense<0.000000e+00> : vector<256xf32>
    %reduce_sum3A_47 = vector.multi_reduction <add>, %add3A_39, %reduce_sum3A [0] : vector<4096x256xf32> to vector<256xf32>
    %broadcast_in_dim3A = vector.shape_cast %reduce_sum3A_47 : vector<256xf32> to vector<1x256xf32>
    %add3A_48 = arith.addf %get3A_46, %broadcast_in_dim3A : vector<1x256xf32>
    %swap3A_49 = arith.constant 0 : index
    %swap3A_50 = arith.constant 0 : index
    %swap3A_51 = vector.load %arg8[%swap3A_49, %swap3A_50] : memref<2x256xf32, #tpu.memory_space<vmem>>, vector<1x256xf32>
    tpu.vector_store %arg8[%swap3A_49, %swap3A_50], %add3A_48 {strides = array<i32>} : memref<2x256xf32, #tpu.memory_space<vmem>>, vector<1x256xf32>,
    %get3A_52 = arith.constant 1 : index
    %get3A_53 = arith.constant 0 : index
    %get3A_54 = vector.load %arg8[%get3A_52, %get3A_53] : memref<2x256xf32, #tpu.memory_space<vmem>>, vector<1x256xf32>
    %mul3A_55 = arith.mulf %add3A_39, %add3A_39 : vector<4096x256xf32>
    %reduce_sum3A_56 = arith.constant dense<0.000000e+00> : vector<256xf32>
    %reduce_sum3A_57 = vector.multi_reduction <add>, %mul3A_55, %reduce_sum3A_56 [0] : vector<4096x256xf32> to vector<256xf32>
    %broadcast_in_dim3A_58 = vector.shape_cast %reduce_sum3A_57 : vector<256xf32> to vector<1x256xf32>
    %add3A_59 = arith.addf %get3A_54, %broadcast_in_dim3A_58 : vector<1x256xf32>
    %swap3A_60 = arith.constant 1 : index
    %swap3A_61 = arith.constant 0 : index
    %swap3A_62 = vector.load %arg8[%swap3A_60, %swap3A_61] : memref<2x256xf32, #tpu.memory_space<vmem>>, vector<1x256xf32>
    tpu.vector_store %arg8[%swap3A_60, %swap3A_61], %add3A_59 {strides = array<i32>} : memref<2x256xf32, #tpu.memory_space<vmem>>, vector<1x256xf32>,
    return
  }
  func.func @transform_0(%arg0: i32) -> (i32, i32) {
    %c0_i32 = arith.constant 0 : i32
    %c0_i32_0 = arith.constant 0 : i32
    return %arg0, %c0_i32 : i32, i32
  }
  func.func @transform_1(%arg0: i32) -> (i32, i32) {
    %c0_i32 = arith.constant 0 : i32
    %c0_i32_0 = arith.constant 0 : i32
    %c0_i32_1 = arith.constant 0 : i32
    return %c0_i32, %c0_i32_0 : i32, i32
  }
  func.func @transform_2(%arg0: i32) -> (i32, i32) {
    %c0_i32 = arith.constant 0 : i32
    %c0_i32_0 = arith.constant 0 : i32
    %c0_i32_1 = arith.constant 0 : i32
    return %c0_i32, %c0_i32_0 : i32, i32
  }
  func.func @transform_3(%arg0: i32) -> (i32, i32) {
    %c0_i32 = arith.constant 0 : i32
    %c0_i32_0 = arith.constant 0 : i32
    %c0_i32_1 = arith.constant 0 : i32
    return %c0_i32, %c0_i32_0 : i32, i32
  }
  func.func @transform_4(%arg0: i32) -> (i32, i32) {
    %c0_i32 = arith.constant 0 : i32
    %c0_i32_0 = arith.constant 0 : i32
    %c0_i32_1 = arith.constant 0 : i32
    return %c0_i32, %c0_i32_0 : i32, i32
  }
  func.func @transform_5(%arg0: i32) -> (i32, i32) {
    %c0_i32 = arith.constant 0 : i32
    %c0_i32_0 = arith.constant 0 : i32
    %c0_i32_1 = arith.constant 0 : i32
    return %c0_i32, %c0_i32_0 : i32, i32
  }
  func.func @transform_6(%arg0: i32) -> (i32, i32) {
    %c0_i32 = arith.constant 0 : i32
    %c0_i32_0 = arith.constant 0 : i32
    return %arg0, %c0_i32 : i32, i32
  }
  func.func @transform_7(%arg0: i32) -> (i32, i32) {
    %c0_i32 = arith.constant 0 : i32
    %c0_i32_0 = arith.constant 0 : i32
    %c0_i32_1 = arith.constant 0 : i32
    return %c0_i32, %c0_i32_0 : i32, i32
  }
}

module attributes {stable_mosaic.version = 14 : i64} {
  func.func @_p4_body(%arg0: i32, %arg1: memref<2048x128xf32, #tpu.memory_space<vmem>>, %arg2: memref<2048x128xf32, #tpu.memory_space<vmem>>, %arg3: memref<2048x128xf32, #tpu.memory_space<vmem>>, %arg4: memref<2048x128xf32, #tpu.memory_space<vmem>>, %arg5: memref<2x256xf32, #tpu.memory_space<vmem>>, %arg6: memref<128x256xf32, #tpu.memory_space<vmem>>, %arg7: memref<1x256xf32, #tpu.memory_space<vmem>>, %arg8: memref<1x256xf32, #tpu.memory_space<vmem>>, %arg9: memref<1x256xf32, #tpu.memory_space<vmem>>, %arg10: memref<256x67xf32, #tpu.memory_space<vmem>>) attributes {dimension_semantics = [#tpu.dimension_semantics<arbitrary>], iteration_bounds = array<i64: 64>, scalar_prefetch = 0 : i64, scratch_operands = 0 : i64, tpu.core_type = #tpu.core_type<tc>, window_params = [{transform_indices = @transform_0, window_bounds = array<i64: 2048, 128>}, {transform_indices = @transform_1, window_bounds = array<i64: 2048, 128>}, {transform_indices = @transform_2, window_bounds = array<i64: 2048, 128>}, {transform_indices = @transform_3, window_bounds = array<i64: 2048, 128>}, {pipeline_mode = #tpu.pipeline_mode<synchronous>, transform_indices = @transform_4, window_bounds = array<i64: 2, 256>}, {pipeline_mode = #tpu.pipeline_mode<synchronous>, transform_indices = @transform_5, window_bounds = array<i64: 128, 256>}, {pipeline_mode = #tpu.pipeline_mode<synchronous>, transform_indices = @transform_6, window_bounds = array<i64: 1, 256>}, {pipeline_mode = #tpu.pipeline_mode<synchronous>, transform_indices = @transform_7, window_bounds = array<i64: 1, 256>}, {pipeline_mode = #tpu.pipeline_mode<synchronous>, transform_indices = @transform_8, window_bounds = array<i64: 1, 256>}, {transform_indices = @transform_9, window_bounds = array<i64: 256, 67>}]} {
    %get3A = arith.constant 0 : index
    %get3A_0 = arith.constant 0 : index
    %get3A_1 = vector.load %arg5[%get3A, %get3A_0] : memref<2x256xf32, #tpu.memory_space<vmem>>, vector<1x256xf32>
    %mul3A = arith.constant 3.81469727E-6 : f32
    %mul3A_2 = vector.broadcast %mul3A : f32 to vector<1x256xf32>
    %mul3A_3 = arith.mulf %get3A_1, %mul3A_2 : vector<1x256xf32>
    %get3A_4 = arith.constant 1 : index
    %get3A_5 = arith.constant 0 : index
    %get3A_6 = vector.load %arg5[%get3A_4, %get3A_5] : memref<2x256xf32, #tpu.memory_space<vmem>>, vector<1x256xf32>
    %mul3A_7 = arith.constant 3.81469727E-6 : f32
    %mul3A_8 = vector.broadcast %mul3A_7 : f32 to vector<1x256xf32>
    %mul3A_9 = arith.mulf %get3A_6, %mul3A_8 : vector<1x256xf32>
    %mul3A_10 = arith.mulf %mul3A_3, %mul3A_3 : vector<1x256xf32>
    %sub3A = arith.subf %mul3A_9, %mul3A_10 : vector<1x256xf32>
    %get3A_11 = arith.constant 0 : index
    %get3A_12 = arith.constant 0 : index
    %get3A_13 = vector.load %arg8[%get3A_11, %get3A_12] : memref<1x256xf32, #tpu.memory_space<vmem>>, vector<1x256xf32>
    %add3A = arith.constant 1.000000e-03 : f32
    %add3A_14 = vector.broadcast %add3A : f32 to vector<1x256xf32>
    %add3A_15 = arith.addf %sub3A, %add3A_14 : vector<1x256xf32>
    %rsqrt3A = math.rsqrt %add3A_15 : vector<1x256xf32>
    %mul3A_16 = arith.mulf %get3A_13, %rsqrt3A : vector<1x256xf32>
    %get3A_17 = arith.constant 0 : index
    %get3A_18 = arith.constant 0 : index
    %get3A_19 = vector.load %arg1[%get3A_17, %get3A_18] : memref<2048x128xf32, #tpu.memory_space<vmem>>, vector<2048x128xf32>
    %get3A_20 = arith.constant 0 : index
    %get3A_21 = arith.constant 0 : index
    %get3A_22 = vector.load %arg6[%get3A_20, %get3A_21] : memref<128x256xf32, #tpu.memory_space<vmem>>, vector<128x256xf32>
    %dot_general3A = arith.constant dense<0.000000e+00> : vector<2048x256xf32>
    %dot_general3A_23 = tpu.matmul %get3A_19, %get3A_22, %dot_general3A {dimension_numbers = #tpu.dot_dimension_numbers<[1], [0], [0], [1], [0, 0, 1, 1], [], []>, transpose_lhs_hint = false} : vector<2048x128xf32>, vector<128x256xf32>, vector<2048x256xf32> -> vector<2048x256xf32>
    %get3A_24 = arith.constant 0 : index
    %get3A_25 = arith.constant 0 : index
    %get3A_26 = vector.load %arg7[%get3A_24, %get3A_25] : memref<1x256xf32, #tpu.memory_space<vmem>>, vector<1x256xf32>
    %add3A_27 = vector.broadcast %get3A_26 : vector<1x256xf32> to vector<2048x256xf32>
    %add3A_28 = arith.addf %dot_general3A_23, %add3A_27 : vector<2048x256xf32>
    %sub3A_29 = vector.broadcast %mul3A_3 : vector<1x256xf32> to vector<2048x256xf32>
    %sub3A_30 = arith.subf %add3A_28, %sub3A_29 : vector<2048x256xf32>
    %mul3A_31 = vector.broadcast %mul3A_16 : vector<1x256xf32> to vector<2048x256xf32>
    %mul3A_32 = arith.mulf %sub3A_30, %mul3A_31 : vector<2048x256xf32>
    %get3A_33 = arith.constant 0 : index
    %get3A_34 = arith.constant 0 : index
    %get3A_35 = vector.load %arg9[%get3A_33, %get3A_34] : memref<1x256xf32, #tpu.memory_space<vmem>>, vector<1x256xf32>
    %add3A_36 = vector.broadcast %get3A_35 : vector<1x256xf32> to vector<2048x256xf32>
    %add3A_37 = arith.addf %mul3A_32, %add3A_36 : vector<2048x256xf32>
    %max3A = arith.constant 0.000000e+00 : f32
    %max3A_38 = vector.broadcast %max3A : f32 to vector<2048x256xf32>
    %max3A_39 = arith.maximumf %add3A_37, %max3A_38 : vector<2048x256xf32>
    %reduce_max3A = arith.constant dense<0xFF800000> : vector<2048xf32>
    %reduce_max3A_40 = vector.multi_reduction <maximumf>, %max3A_39, %reduce_max3A [1] : vector<2048x256xf32> to vector<2048xf32>
    %broadcast_in_dim3A = vector.shape_cast %reduce_max3A_40 : vector<2048xf32> to vector<2048x1xf32>
    %exp3A = math.exp %broadcast_in_dim3A : vector<2048x1xf32>
    %get3A_41 = arith.constant 0 : index
    %get3A_42 = arith.constant 0 : index
    %get3A_43 = vector.load %arg3[%get3A_41, %get3A_42] : memref<2048x128xf32, #tpu.memory_space<vmem>>, vector<2048x67xf32>
    %mul3A_44 = vector.broadcast %exp3A : vector<2048x1xf32> to vector<2048x67xf32>
    %mul3A_45 = arith.mulf %mul3A_44, %get3A_43 : vector<2048x67xf32>
    %reshape3A = vector.shape_cast %mul3A_45 : vector<2048x67xf32> to vector<256x8x67xf32>
    %reduce_sum3A = arith.constant dense<0.000000e+00> : vector<256x67xf32>
    %reduce_sum3A_46 = vector.multi_reduction <add>, %reshape3A, %reduce_sum3A [1] : vector<256x8x67xf32> to vector<256x67xf32>
    %reshape3A_47 = vector.shape_cast %exp3A : vector<2048x1xf32> to vector<256x8x1xf32>
    %reduce_sum3A_48 = arith.constant dense<0.000000e+00> : vector<256x1xf32>
    %reduce_sum3A_49 = vector.multi_reduction <add>, %reshape3A_47, %reduce_sum3A_48 [1] : vector<256x8x1xf32> to vector<256x1xf32>
    %get3A_50 = arith.constant 0 : index
    %get3A_51 = arith.constant 0 : index
    %get3A_52 = vector.load %arg2[%get3A_50, %get3A_51] : memref<2048x128xf32, #tpu.memory_space<vmem>>, vector<2048x128xf32>
    %get3A_53 = arith.constant 0 : index
    %get3A_54 = arith.constant 0 : index
    %get3A_55 = vector.load %arg6[%get3A_53, %get3A_54] : memref<128x256xf32, #tpu.memory_space<vmem>>, vector<128x256xf32>
    %dot_general3A_56 = arith.constant dense<0.000000e+00> : vector<2048x256xf32>
    %dot_general3A_57 = tpu.matmul %get3A_52, %get3A_55, %dot_general3A_56 {dimension_numbers = #tpu.dot_dimension_numbers<[1], [0], [0], [1], [0, 0, 1, 1], [], []>, transpose_lhs_hint = false} : vector<2048x128xf32>, vector<128x256xf32>, vector<2048x256xf32> -> vector<2048x256xf32>
    %get3A_58 = arith.constant 0 : index
    %get3A_59 = arith.constant 0 : index
    %get3A_60 = vector.load %arg7[%get3A_58, %get3A_59] : memref<1x256xf32, #tpu.memory_space<vmem>>, vector<1x256xf32>
    %add3A_61 = vector.broadcast %get3A_60 : vector<1x256xf32> to vector<2048x256xf32>
    %add3A_62 = arith.addf %dot_general3A_57, %add3A_61 : vector<2048x256xf32>
    %sub3A_63 = vector.broadcast %mul3A_3 : vector<1x256xf32> to vector<2048x256xf32>
    %sub3A_64 = arith.subf %add3A_62, %sub3A_63 : vector<2048x256xf32>
    %mul3A_65 = vector.broadcast %mul3A_16 : vector<1x256xf32> to vector<2048x256xf32>
    %mul3A_66 = arith.mulf %sub3A_64, %mul3A_65 : vector<2048x256xf32>
    %get3A_67 = arith.constant 0 : index
    %get3A_68 = arith.constant 0 : index
    %get3A_69 = vector.load %arg9[%get3A_67, %get3A_68] : memref<1x256xf32, #tpu.memory_space<vmem>>, vector<1x256xf32>
    %add3A_70 = vector.broadcast %get3A_69 : vector<1x256xf32> to vector<2048x256xf32>
    %add3A_71 = arith.addf %mul3A_66, %add3A_70 : vector<2048x256xf32>
    %max3A_72 = arith.constant 0.000000e+00 : f32
    %max3A_73 = vector.broadcast %max3A_72 : f32 to vector<2048x256xf32>
    %max3A_74 = arith.maximumf %add3A_71, %max3A_73 : vector<2048x256xf32>
    %reduce_max3A_75 = arith.constant dense<0xFF800000> : vector<2048xf32>
    %reduce_max3A_76 = vector.multi_reduction <maximumf>, %max3A_74, %reduce_max3A_75 [1] : vector<2048x256xf32> to vector<2048xf32>
    %broadcast_in_dim3A_77 = vector.shape_cast %reduce_max3A_76 : vector<2048xf32> to vector<2048x1xf32>
    %exp3A_78 = math.exp %broadcast_in_dim3A_77 : vector<2048x1xf32>
    %get3A_79 = arith.constant 0 : index
    %get3A_80 = arith.constant 0 : index
    %get3A_81 = vector.load %arg4[%get3A_79, %get3A_80] : memref<2048x128xf32, #tpu.memory_space<vmem>>, vector<2048x67xf32>
    %mul3A_82 = vector.broadcast %exp3A_78 : vector<2048x1xf32> to vector<2048x67xf32>
    %mul3A_83 = arith.mulf %mul3A_82, %get3A_81 : vector<2048x67xf32>
    %reshape3A_84 = vector.shape_cast %mul3A_83 : vector<2048x67xf32> to vector<256x8x67xf32>
    %reduce_sum3A_85 = arith.constant dense<0.000000e+00> : vector<256x67xf32>
    %reduce_sum3A_86 = vector.multi_reduction <add>, %reshape3A_84, %reduce_sum3A_85 [1] : vector<256x8x67xf32> to vector<256x67xf32>
    %reshape3A_87 = vector.shape_cast %exp3A_78 : vector<2048x1xf32> to vector<256x8x1xf32>
    %reduce_sum3A_88 = arith.constant dense<0.000000e+00> : vector<256x1xf32>
    %reduce_sum3A_89 = vector.multi_reduction <add>, %reshape3A_87, %reduce_sum3A_88 [1] : vector<256x8x1xf32> to vector<256x1xf32>
    %add3A_90 = arith.addf %reduce_sum3A_46, %reduce_sum3A_86 : vector<256x67xf32>
    %add3A_91 = arith.addf %reduce_sum3A_49, %reduce_sum3A_89 : vector<256x1xf32>
    %div3A = vector.broadcast %add3A_91 : vector<256x1xf32> to vector<256x67xf32>
    %div3A_92 = arith.divf %add3A_90, %div3A : vector<256x67xf32>
    %swap3A = arith.constant 0 : index
    %swap3A_93 = arith.constant 0 : index
    %swap3A_94 = vector.load %arg10[%swap3A, %swap3A_93] : memref<256x67xf32, #tpu.memory_space<vmem>>, vector<256x67xf32>
    tpu.vector_store %arg10[%swap3A, %swap3A_93], %div3A_92 {strides = array<i32>} : memref<256x67xf32, #tpu.memory_space<vmem>>, vector<256x67xf32>,
    return
  }
  func.func @transform_0(%arg0: i32) -> (i32, i32) {
    %c0_i32 = arith.constant 0 : i32
    %c0_i32_0 = arith.constant 0 : i32
    return %arg0, %c0_i32 : i32, i32
  }
  func.func @transform_1(%arg0: i32) -> (i32, i32) {
    %c0_i32 = arith.constant 0 : i32
    %c0_i32_0 = arith.constant 0 : i32
    return %arg0, %c0_i32 : i32, i32
  }
  func.func @transform_2(%arg0: i32) -> (i32, i32) {
    %c0_i32 = arith.constant 0 : i32
    %c0_i32_0 = arith.constant 0 : i32
    return %arg0, %c0_i32 : i32, i32
  }
  func.func @transform_3(%arg0: i32) -> (i32, i32) {
    %c0_i32 = arith.constant 0 : i32
    %c0_i32_0 = arith.constant 0 : i32
    return %arg0, %c0_i32 : i32, i32
  }
  func.func @transform_4(%arg0: i32) -> (i32, i32) {
    %c0_i32 = arith.constant 0 : i32
    %c0_i32_0 = arith.constant 0 : i32
    %c0_i32_1 = arith.constant 0 : i32
    return %c0_i32, %c0_i32_0 : i32, i32
  }
  func.func @transform_5(%arg0: i32) -> (i32, i32) {
    %c0_i32 = arith.constant 0 : i32
    %c0_i32_0 = arith.constant 0 : i32
    %c0_i32_1 = arith.constant 0 : i32
    return %c0_i32, %c0_i32_0 : i32, i32
  }
  func.func @transform_6(%arg0: i32) -> (i32, i32) {
    %c0_i32 = arith.constant 0 : i32
    %c0_i32_0 = arith.constant 0 : i32
    %c0_i32_1 = arith.constant 0 : i32
    return %c0_i32, %c0_i32_0 : i32, i32
  }
  func.func @transform_7(%arg0: i32) -> (i32, i32) {
    %c0_i32 = arith.constant 0 : i32
    %c0_i32_0 = arith.constant 0 : i32
    %c0_i32_1 = arith.constant 0 : i32
    return %c0_i32, %c0_i32_0 : i32, i32
  }
  func.func @transform_8(%arg0: i32) -> (i32, i32) {
    %c0_i32 = arith.constant 0 : i32
    %c0_i32_0 = arith.constant 0 : i32
    %c0_i32_1 = arith.constant 0 : i32
    return %c0_i32, %c0_i32_0 : i32, i32
  }
  func.func @transform_9(%arg0: i32) -> (i32, i32) {
    %c0_i32 = arith.constant 0 : i32
    %c0_i32_0 = arith.constant 0 : i32
    return %arg0, %c0_i32 : i32, i32
  }
}

</mosaic_0001>

<sc_bundles>
// kernel: gather_offload_async_start.1
scs
__scs_entry_jumppad:
0x0: {  	(pc) =	sbr.rel $0x88, $3  }
0x1: {  	(tag) =	ssettag $0x0;
	lr =	simm.s32 $0x1  }
0x2: {  	[smem:$0x3F91] =	sst lr;
	_ =	strace $0xD0000000  }
0x3: {  	_ = 	snop  }
0x4: {  	_ = 	snop  }
0x5: {  	_ = 	snop  }
0x6: {  	_ = 	snop  }
0x7: {  	_ = 	snop  }
__scs_overlays_trampoline_lowered:
0x8: {  	[smem:$0x3FA0] =	sst s0  }
0x9: {  	[smem:$0x3FA1] =	sst s1  }
0xa: {  	[smem:$0x3FA2] =	sst s2  }
0xb: {  	[smem:$0x3FA3] =	sst s3  }
0xc: {  	[smem:$0x3FA4] =	sst s4  }
0xd: {  	[smem:$0x3FA5] =	sst s5  }
0xe: {  	[smem:$0x3FA6] =	sst s6  }
0xf: {  	[smem:$0x3FA7] =	sst s7  }
0x10: {  	[smem:$0x3FA8] =	sst s8  }
0x11: {  	[smem:$0x3FA9] =	sst s9;
	s0 =	simm.s32 @!p0 $0x0  }
0x12: {  	s1 =	sld [smem:$0x3F8F];
	s0 =	simm.s32 @p0 $0x1  }
0x13: {  	[smem:$0x3FAA] =	sst s0;
	s0 =	simm.s32 @!p1 $0x0  }
0x14: {  	s2 =	sld [smem:$0x3F8E];
	s0 =	simm.s32 @p1 $0x1  }
0x15: {  	[smem:$0x3FAB] =	sst s0;
	s0 =	simm.s32 @!p2 $0x0  }
0x16: {  	s3 =	sld [smem:$0x3FDB];
	s0 =	simm.s32 @p2 $0x1  }
0x17: {  	s4 =	simm.s32 $0x1BF5;
	[smem:$0x3FAD] =	sst s0  }
0x18: {  	s0 =	sld [smem:$0x3F90];
	_ =	swait.ge [sflag:s4], $0x0  }
0x19: {  	s7 =	sld [smem:$0x3F91]  }
0x1a: {  	s8 =	sadd.s32 $0xFFFFE003, lr  }
0x1b: {  	s9 =	sadd.s32 $0xFFFFFEF7, lr;
	s5 =	simm.s32 $0xFFFFFFFF;
	p2 =	slt.u32 s8, $0xFFFFF086  }
0x1c: {  	p1 =	slt.u32 s9, $0xF7A;
	s5 =	simm.s32 @!p2 $0x0  }
0x1d: {  	s5 =	simm.s32 @p1 $0x1;
	p0 =	seq.s32 s7, s2  }
0x1e: {  	s7 =	smul.u32 @!p0 $0xF7A, s2;
	p2 =	seq.s32 @!p0 s5, $0x0  }
0x1f: {  	s9 =	smul.u32 $0xF7A, s1;
	s8 =	simm.s32 @!p0 $0x1BF5;
	p2 =	por !p2, p0  }
0x20: {  	[sflag:s8] =	ssyncset.s32 @!p0 $0xFFFFF086;
	s6 =	sadd.s32 @!p0 s3, s7;
	s7 =	simm.s32 @!p0 $0x108  }
0x21: {  	s3 =	sadd.s32 s3, s9;
	s6 =	sadd.s32 @!p0 $0x88, s6;
	s7 =	simm.s32 @p2 $0x1082  }
0x22: {  	[simem:s7], [sflag:s8] =	dma.local @!p0 [hbm:s6], $0xF7A  }
0x23: {  	s9 =	sor.u32 $0xD0000000, s2;
	s6 =	simm.s32 $0x108;
	_ =	swait.ge @!p0 [sflag:s8], $0x0  }
0x24: {  	s3 =	sadd.s32 $0x88, s3;
	s6 =	simm.s32 @!p1 $0x1082;
	[sflag:s4] =	ssyncset.s32 $0xFFFFF086  }
0x25: {  	[simem:s6], [sflag:s4] =	dma.local [hbm:s3], $0xF7A  }
0x26: {  	[smem:$0x3F91] =	sst s1;
	(tag) =	ssettag s2;
	_ =	strace s9  }
0x27: {  	s1 =	sld [smem:$0x3FA1]  }
0x28: {  	s2 =	sld [smem:$0x3FA2]  }
0x29: {  	s4 =	sld [smem:$0x3FA4]  }
0x2a: {  	p0 =	seq.s32 s5, $0x0;
	s5 =	sld [smem:$0x3FA5]  }
0x2b: {  	s6 =	sld [smem:$0x3FA6]  }
0x2c: {  	s7 =	sld [smem:$0x3FA7]  }
0x2d: {  	s3 =	simm.s32 $0x108;
	s8 =	sld [smem:$0x3FA8]  }
0x2e: {  	s3 =	simm.s32 @!p0 $0x1082;
	s9 =	sld [smem:$0x3FA9]  }
0x2f: {  	lr =	sadd.s32 s0, s3;
	s0 =	sld [smem:$0x3FA0]  }
0x30: {  	s3 =	sld [smem:$0x3FA3]  }
0x31: {  	[smem:$0x3FAC] =	sst s10  }
0x32: {  	s10 =	sld [smem:$0x3FAA];
	_ =	sdelay $0x3  }
0x33: {  	p0 =	seq.s32 s10, $0x1;
	s10 =	sld [smem:$0x3FAC];
	_ =	sdelay $0x3  }
0x34: {  	[smem:$0x3FAC] =	sst s10  }
0x35: {  	s10 =	sld [smem:$0x3FAB];
	_ =	sdelay $0x3  }
0x36: {  	p1 =	seq.s32 s10, $0x1;
	s10 =	sld [smem:$0x3FAC];
	_ =	sdelay $0x3  }
0x37: {  	[smem:$0x3FAC] =	sst s10  }
0x38: {  	s10 =	sld [smem:$0x3FAD]  }
0x39: {  	_ = 	snop;
	(pc) =	sbr.ind lr, $3  }
0x3a: {  	_ = 	snop  }
0x3b: {  	_ = 	snop  }
0x3c: {  	p2 =	seq.s32 s10, $0x1;
	s10 =	sld [smem:$0x3FAC]  }
0x3d: {  	_ =	shalt  }
0x3e: {  	_ =	shalt  }
0x3f: {  	_ =	shalt  }
0x40: {  	_ =	shalt  }
0x41: {  	_ =	shalt  }
0x42: {  	_ =	shalt  }
0x43: {  	_ =	shalt  }
0x44: {  	_ =	shalt  }
0x45: {  	_ =	shalt  }
0x46: {  	_ =	shalt  }
0x47: {  	_ =	shalt  }
0x48: {  	_ =	shalt  }
0x49: {  	_ =	shalt  }
0x4a: {  	_ =	shalt  }
0x4b: {  	_ =	shalt  }
0x4c: {  	_ =	shalt  }
0x4d: {  	_ =	shalt  }
0x4e: {  	_ =	shalt  }
0x4f: {  	_ =	shalt  }
0x50: {  	_ =	shalt  }
0x51: {  	_ =	shalt  }
0x52: {  	_ =	shalt  }
0x53: {  	_ =	shalt  }
0x54: {  	_ =	shalt  }
0x55: {  	_ =	shalt  }
0x56: {  	_ =	shalt  }
0x57: {  	_ =	shalt  }
0x58: {  	_ =	shalt  }
0x59: {  	_ =	shalt  }
0x5a: {  	_ =	shalt  }
0x5b: {  	_ =	shalt  }
0x5c: {  	_ =	shalt  }
0x5d: {  	_ =	shalt  }
0x5e: {  	_ =	shalt  }
0x5f: {  	_ =	shalt  }
0x60: {  	_ =	shalt  }
0x61: {  	_ =	shalt  }
0x62: {  	_ =	shalt  }
0x63: {  	_ =	shalt  }
0x64: {  	_ =	shalt  }
0x65: {  	_ =	shalt  }
0x66: {  	_ =	shalt  }
0x67: {  	_ =	shalt  }
0x68: {  	_ =	shalt  }
0x69: {  	_ =	shalt  }
0x6a: {  	_ =	shalt  }
0x6b: {  	_ =	shalt  }
0x6c: {  	_ =	shalt  }
0x6d: {  	_ =	shalt  }
0x6e: {  	_ =	shalt  }
0x6f: {  	_ =	shalt  }
0x70: {  	_ =	shalt  }
0x71: {  	_ =	shalt  }
0x72: {  	_ =	shalt  }
0x73: {  	_ =	shalt  }
0x74: {  	_ =	shalt  }
0x75: {  	_ =	shalt  }
0x76: {  	_ =	shalt  }
0x77: {  	_ =	shalt  }
0x78: {  	_ =	shalt  }
0x79: {  	_ =	shalt  }
0x7a: {  	_ =	shalt  }
0x7b: {  	_ =	shalt  }
0x7c: {  	_ =	shalt  }
0x7d: {  	_ =	shalt  }
0x7e: {  	_ =	shalt  }
0x7f: {  	_ =	shalt  }
0x80: {  	_ =	shalt  }
0x81: {  	_ =	shalt  }
0x82: {  	_ =	shalt  }
0x83: {  	_ =	shalt  }
0x84: {  	_ =	shalt  }
0x85: {  	_ =	shalt  }
0x86: {  	_ =	shalt  }
0x87: {  	_ =	shalt  }
.Lfunc_end0:
.L_simem_size_0:
called_computation.1_lowered:
.L_overlay_start_0:
0x88: {  	s2 =	sld [smem:$0x3FD9]  }
0x89: {  	s3 =	sld [smem:$0x3FFE];
	_ =	sdelay $0x1  }
0x8a: {  	s1 =	srdreg.scid  }
0x8b: {  	s0 =	sand.u32 $0x1, s1  }
0x8c: {  	s16 =	sshll.u32 s0, $0xA;
	s2 =	sadd.s32 s3, s2  }
0x8d: {  	s2 =	sadd.s32 s2, s16  }
0x8e: {  	[smem:$0x3FB8] =	sst s2  }
0x8f: {  	_ = 	snop  }
0x90: {  	(tm) =	ssettm $0x1  }
0x91: {  	s17 =	sld [smem:$0x3FFB];
	_ =	sdelay $0x3  }
0x92: {  	_ =	strace s17  }
0x93: {  	s2 =	sld [smem:$0x3FFC];
	_ =	sdelay $0x3  }
0x94: {  	_ =	strace s2  }
0x95: {  	s2 =	sld [smem:$0x3FFD];
	_ =	sdelay $0x3  }
0x96: {  	_ =	strace s2  }
0x97: {  	_ =	strace $0x8FFFFFFF  }
0x98: {  	s18 =	sld [smem:$0x3FDB];
	_ =	sdelay $0x1  }
0x99: {  	s19 =	simm.s32 $_scs_section_size  }
0x9a: {  	s4 =	simm.s32 $_size__tile_overlayer_lowered;
	s5 =	simm.s32 $_tile_overlayer_lowered  }
0x9b: {  	s22 =	simm.s32 $0x1BFF;
	s21 =	sshll.u32 s5, $0x1;
	s2 =	sadd.s32 s19, s18  }
0x9c: {  	s6 =	simm.s32 $0x0;
	s20 =	sshll.u32 s4, $0x1;
	s4 =	sadd.s32 s21, s2  }
0x9d: {  	[timem:s6], [sflag:s22] =	dma.local [hbm:s4], s20  }
0x9e: {  	_ =	swait.ge [sflag:s22], s20  }
0x9f: {  	s3 =	ssub.s32 $0x0, s20;
	[sflag:s22] =	ssyncset.done $0x0  }
0xa0: {  	[sflag:s22] =	ssyncadd.s32 s3;
	_ =	sdelay $0x1  }
0xa1: {  	s23 =	simm.s32 $0x1B8B  }
0xa2: {  	_ =	swait.ge [sflag:s23], $0x1  }
0xa3: {  	[sflag:s23] =	ssyncset.done $0x0  }
0xa4: {  	s25 =	simm.s32 $0x1B8E;
	s24 =	sld [smem:$0x3FFE];
	[sflag:s23] =	ssyncadd.s32 $0xFFFFFFFF  }
0xa5: {  	s26 =	simm.s32 $execute0_lowered;
	[smem:$0x3FD2] =	sst s25  }
0xa6: {  	s4 =	sshll.u32 s26, $0x1;
	_ =	strace $0x80000046;
	[dreg:$0x1] =	wrdreg $0xFFFFFFFF  }
0xa7: {  	s28 =	simm.s32 $_size_execute0_lowered;
	s2 =	sadd.s32 s2, s4;
	[dreg:$0x0] =	wrdreg $0x0  }
0xa8: {  	s4 =	sshll.u32 s28, $0x1;
	[dreg:$0x2] =	wrdreg s2  }
0xa9: {  	[dreg:$0x3] =	wrdreg s4  }
0xaa: {  	[dreg:$0x4] =	wrdreg $0xC0  }
0xab: {  	_ =	task [dreg:s6], $0x5FFFF  }
0xac: {  	[dreg:$0x1] =	wrdreg $0xFFFFFFFF  }
0xad: {  	[dreg:$0x0] =	wrdreg $0x60  }
0xae: {  	[dreg:$0x2] =	wrdreg s24  }
0xaf: {  	[dreg:$0x3] =	wrdreg $0xE  }
0xb0: {  	_ =	task.clear_ibuf [dreg:s6], $0x4FFFF;
	_ =	strace $0x90000046  }
0xb1: {  	s29 =	simm.s32 $0xE;
	_ =	strace $0x80000048  }
0xb2: {  	_ =	swait.ge [sflag:s29], $0x1  }
0xb3: {  	[sflag:s29] =	ssyncadd.s32 $0xFFFFFFFF  }
0xb4: {  	_ =	strace $0x90000048  }
0xb5: {  	_ =	sfence  }
0xb6: {  	s30 =	sld [smem:$0x0];
	_ =	sdelay $0x2  }
0xb7: {  	s31 =	sshll.u32 s1, $0xD;
	s1 =	sshrl.u32 s1, $0x2  }
0xb8: {  	s3 =	sand.u32 $0x4000, s31;
	s1 =	sadd.s32 s1, s30  }
0xb9: {  	s0 =	sor.u32 s3, s0;
	s1 =	sshll.u32 s1, $0x11  }
0xba: {  	s0 =	sor.u32 s1, s0  }
0xbb: {  	s0 =	sadd.s32 $0x8F2B, s0  }
0xbc: {  	[sflag:s0] =	ssyncadd.remote.s32 $0x1  }
0xbd: {  	_ =	sfence.sel $0xFFFF  }
0xbe: {  	[dreg:$0x0] =	wrdreg $0xFFFFFFFF;
	(pc) =	sbr.abs _section_cstart, $3  }
0xbf: {  	[dreg:$0x1] =	wrdreg $0xFFFFFFFF  }
0xc0: {  	_ =	task.clear_ibuf [dreg:s6], $0x2FFFF;
	_ =	strace $0x9FFFFFFF  }
0xc1: {  	(tm) =	ssettm $0x7FFFFFFF  }
tec
execute0_lowered:
.L_overlay_start_1:
0x0: {  	(tag) =	ssettag $0x1  }
0x1: {  	s7 =	rddreg [dreg:$0x0]  }
0x2: {  	s0 =	rddreg [dreg:$0x1];
	_ =	strace $0x80000047  }
0x3: {  	s1 =	srdreg.scid;
	s4 =	simm.s32 $0x1;
	s9 =	simm.s32 $0x3  }
0x4: {  	s12 =	simm.s32 $0x0;
	s10 =	simm.s32 $0x0;
	s5 =	sshll.u32 s1, $0x4  }
.Ltmp0:
0x5: {  	s1 =	stileid.u32;
	s5 =	sand.u32 $0x10, s5;
	(pc) =	sbr.rel .LBB2_1-.Ltmp0, $4  }
0x6: {  	s2 =	sadd.s32 $0x2E00, s7;
	s3 =	sadd.s32 $0x200, s7;
	s6 =	sor.u32 s1, s5  }
0x7: {  	[sflag:s4] =	ssyncpa.u1 $0x0;
	s5 =	simm.s32 $0x2;
	s6 =	sshll.u32 s6, $0x6  }
0x8: {  	s7 =	sadd.s32 $0x12E00, s7;
	[sflag:s5] =	ssyncpa.u1 $0x0;
	s8 =	sadd.s32 $0x40, s6  }
0x9: {  	vm0 =	vmmov $0xff;
	vm1 =	vcmask $0x3F20;
	[sflag:s9] =	ssyncpa.u1 $0x0;
	s9 =	simm.s32 $0x40;
	s11 =	smov.u32 s6  }
.LBB2_9:
0xa: {  	p0 =	seq.s32 s10, $0x2  }
.Ltmp1:
0xb: {  	_ = 	snop;
	(pc) =	sbr.rel @p0 .LBB2_11-.Ltmp1, $1  }
0xc: {  	_ =	sdelay $0x3  }
.LBB2_10:
0xd: {  	s12 =	sadd.s32 $0x40, s11  }
0xe: {  	s13 =	smov.u32 s6;
	p0 =	slt.s32 s12, s8  }
0xf: {  	s13 =	smov.u32 @p0 s12  }
0x10: {  	s10 =	sadd.s32 $0x1, s10;
	s12 =	smov.u32 s11;
	s11 =	smov.u32 s13  }
.LBB2_1:
0x11: {  	p0 =	sne.s32 s10, $0x0  }
.Ltmp2:
0x12: {  	_ = 	snop;
	(pc) =	sbr.rel @!p0 .LBB2_2-.Ltmp2, $1  }
0x13: {  	_ =	sdelay $0x3  }
0x14: {  	s13 =	sand.u32 $0x1, s10  }
0x15: {  	p0 =	seq.s32 s13, $0x0  }
.Ltmp3:
0x16: {  	_ = 	snop;
	(pc) =	sbr.rel @p0 .LBB2_9-.Ltmp3, $1  }
0x17: {  	_ =	sdelay $0x3  }
0x18: {  	_ =	swait.ge [sflag:s5], $0x40  }
0x19: {  	[sflag:s5] =	ssyncset.done $0x0  }
0x1a: {  	s13 =	simm.s32 $0x0;
	[sflag:s5] =	ssyncadd.s32 $0xFFFFFFC0  }
0x1b: {  	v0 =	vld.msk [tilespmem:s13+$0x40 ss:$0x1], $0xffff;
	_ =	sdelay $0x4  }
0x1c: {  	vm2 =	vgt.s32 v0, $0x0  }
0x1d: {  	v0 =	vnsel vm2, $0x0, v0  }
0x1e: {  	v0 =	vmin.u32 v0, $0xFFF  }
0x1f: {  	v0 =	vshll.u32 v0, $0x4;
	_ =	sdelay $0x3  }
0x20: {  	s13 =	simm.s32 $0x2080  }
0x21: {  	[tilespmem:s13], [sflag:$0x1] =	stream.indirect_vreg.gather [hbm:s2], $0x80, v0, vm0, $0x38;
	[tilespmem:$0x4080] =	vst v63  }
0x22: {  	s14 =	simm.s32 $0x2480;
	s31 =	simm.s32 $0x10  }
0x23: {  	[tilespmem:s14], [sflag:$0x1] =	stream.indirect_vreg.gather [hbm:s2], $0x80, v0, vm1, $0x38;
	[tilespmem:$0x4080] =	vst v63  }
0x24: {  	s14 =	simm.s32 $0x80;
	v0 =	vld.msk [tilespmem:s31+$0x40 ss:$0x1], $0xffff  }
.LBB2_5:
0x25: {  	p0 =	sne.s32 s14, $0xC0;
	_ =	sdelay $0x4  }
0x26: {  	vm2 =	vgt.s32 v0, $0x0  }
0x27: {  	v0 =	vnsel vm2, $0x0, v0  }
0x28: {  	v0 =	vmin.u32 v0, $0xFFF  }
0x29: {  	v0 =	vshll.u32 v0, $0x4;
	_ =	sdelay $0x3  }
.Ltmp4:
0x2a: {  	s13 =	sadd.s32 $0x800, s13;
	(pc) =	sbr.rel @p0 .LBB2_5-.Ltmp4, $4  }
0x2b: {  	[tilespmem:s13], [sflag:$0x1] =	stream.indirect_vreg.gather [hbm:s2], $0x80, v0, vm0, $0x38;
	[tilespmem:$0x4080] =	vst v63  }
0x2c: {  	s15 =	sshra.s32 s14, $0x2;
	s16 =	sadd.s32 $0x400, s13  }
0x2d: {  	[tilespmem:s16], [sflag:$0x1] =	stream.indirect_vreg.gather [hbm:s2], $0x80, v0, vm1, $0x38;
	[tilespmem:$0x4080] =	vst v63  }
0x2e: {  	s14 =	sadd.s32 $0x40, s14;
	v0 =	vld.msk [tilespmem:s15+$0x40 ss:$0x1], $0xffff  }
0x2f: {  	_ =	sdelay $0x3  }
0x30: {  	vm2 =	vgt.s32 v0, $0x0  }
0x31: {  	v0 =	vnsel vm2, $0x0, v0  }
0x32: {  	v0 =	vmin.u32 v0, $0xFFF  }
0x33: {  	v0 =	vshll.u32 v0, $0x4;
	_ =	sdelay $0x3  }
0x34: {  	s13 =	sadd.s32 $0x800, s13  }
0x35: {  	[tilespmem:s13], [sflag:$0x1] =	stream.indirect_vreg.gather [hbm:s2], $0x80, v0, vm0, $0x38;
	[tilespmem:$0x4080] =	vst v63  }
0x36: {  	s13 =	sadd.s32 $0x400, s13  }
0x37: {  	[tilespmem:s13], [sflag:$0x1] =	stream.indirect_vreg.gather [hbm:s2], $0x80, v0, vm1, $0x38;
	[tilespmem:$0x4080] =	vst v63  }
0x38: {  	s12 =	sshll.u32 s12, $0x4;
	s14 =	simm.s32 $0x80;
	_ =	swait.ge [sflag:s4], $0x2000  }
0x39: {  	s15 =	simm.s32 $0x2480;
	s12 =	sadd.s32 s12, s7;
	[sflag:s4] =	ssyncset.done $0x0  }
0x3a: {  	s16 =	sadd.s32 $0x0, s12;
	s13 =	simm.s32 $0x2080;
	[sflag:s4] =	ssyncadd.s32 $0xFFFFE000  }
.LBB2_7:
0x3b: {  	[hbm:s16] =	stream.linear.scatter [tilespmem:s13], [sflag:$0x3], $0x400, $0x38;
	[tilespmem:$0x4080] =	vst v63  }
0x3c: {  	s16 =	smov.u32 s14;
	s13 =	smov.u32 s15;
	p0 =	sne.s32 s14, $0x380  }
.Ltmp5:
0x3d: {  	s14 =	sadd.s32 $0x80, s14;
	(pc) =	sbr.rel @p0 .LBB2_7-.Ltmp5, $2  }
0x3e: {  	_ =	sdelay $0x2  }
0x3f: {  	s15 =	sadd.s32 $0x400, s15;
	s16 =	sadd.s32 s16, s12  }
.Ltmp6:
0x40: {  	(pc) =	sbr.rel .LBB2_9-.Ltmp6, $2  }
0x41: {  	_ =	sdelay $0x2  }
0x42: {  	[hbm:s16] =	stream.linear.scatter [tilespmem:s13], [sflag:$0x3], $0x400, $0x38;
	[tilespmem:$0x4080] =	vst v63  }
.LBB2_2:
.Ltmp7:
0x43: {  	(pc) =	sbr.rel .LBB2_10-.Ltmp7, $4  }
0x44: {  	_ = 	snop  }
0x45: {  	s12 =	sshrl.u32 s11, $0x3  }
0x46: {  	s13 =	sand.u32 $0x7, s11;
	s12 =	sadd.s32 s3, s12  }
0x47: {  	[tilespmem:s9], [sflag:$0x2] =	stream.linear.gather [hbm4b:s12+s13], $0x40, $0x38;
	[tilespmem:$0x4080] =	vst v63  }
.LBB2_11:
0x48: {  	s2 =	simm.s32 $0x3  }
0x49: {  	_ =	swait.ge [sflag:s2], $0x2000  }
0x4a: {  	[sflag:s2] =	ssyncset.done $0x0  }
0x4b: {  	[sflag:s2] =	ssyncadd.s32 $0xFFFFE000  }
0x4c: {  	_ =	sfence.sel $0x180000  }
0x4d: {  	s3 =	simm.s32 $0x2;
	[bflag:$0x0] =	sbarrier.arrive $0xFFFF  }
0x4e: {  	[sflag:s3] =	ssyncpa.u1 $0x1  }
0x4f: {  	s31 =	simm.s32 $0x1;
	[sflag:s2] =	ssyncpa.u1 $0x1  }
0x50: {  	[sflag:s31] =	ssyncpa.u1 $0x1  }
0x51: {  	p0 =	sne.s32 s1, $0x0;
	_ =	strace $0x90000047  }
0x52: {  	s0 =	sadd.s32 @!p0 $0x100000, s0;
	[bflag:$0x2] =	sbarrier.arrive $0xFFFF  }
0x53: {  	[sflag:s0] =	ssyncadd.tile.s32 @!p0 $0x1;
	_ =	shalt  }
.Lfunc_end2:
_tile_overlayer_lowered:
.L_overlay_start_2:
0x54: {  	(tag) =	ssettag $0x2  }
0x55: {  	s0 =	rddreg [dreg:$0x0];
	s2 =	stileid.u32  }
0x56: {  	s1 =	rddreg [dreg:$0x1];
	p0 =	sne.s32 s2, $0x0  }
0x57: {  	s3 =	rddreg [dreg:$0x2];
	[bflag:$0x3] =	sbarrier.arrive $0xFFFF;
	s2 =	simm.s32 @!p0 $0x1C01  }
0x58: {  	[timem:s3], [sflag:s2] =	dma.local @!p0 [hbm:s0], s1  }
0x59: {  	s0 =	simm.s32 @!p0 $0x1  }
0x5a: {  	_ =	swait.ge @!p0 [sflag:s0], s1  }
0x5b: {  	s1 =	ssub.s32 @!p0 $0x0, s1;
	[sflag:s0] =	ssyncset.done @!p0 $0x0  }
0x5c: {  	[sflag:s0] =	ssyncadd.s32 @!p0 s1  }
0x5d: {  	[bflag:$0x3] =	sbarrier.arrive $0xFFFF  }
0x5e: {  	_ =	shalt  }

// kernel: gather_offload_async_start.2
scs
__scs_entry_jumppad:
0x0: {  	(pc) =	sbr.rel $0x88, $3  }
0x1: {  	(tag) =	ssettag $0x0;
	lr =	simm.s32 $0x1  }
0x2: {  	[smem:$0x3F91] =	sst lr;
	_ =	strace $0xD0000000  }
0x3: {  	_ = 	snop  }
0x4: {  	_ = 	snop  }
0x5: {  	_ = 	snop  }
0x6: {  	_ = 	snop  }
0x7: {  	_ = 	snop  }
__scs_overlays_trampoline_lowered:
0x8: {  	[smem:$0x3FA0] =	sst s0  }
0x9: {  	[smem:$0x3FA1] =	sst s1  }
0xa: {  	[smem:$0x3FA2] =	sst s2  }
0xb: {  	[smem:$0x3FA3] =	sst s3  }
0xc: {  	[smem:$0x3FA4] =	sst s4  }
0xd: {  	[smem:$0x3FA5] =	sst s5  }
0xe: {  	[smem:$0x3FA6] =	sst s6  }
0xf: {  	[smem:$0x3FA7] =	sst s7  }
0x10: {  	[smem:$0x3FA8] =	sst s8  }
0x11: {  	[smem:$0x3FA9] =	sst s9;
	s0 =	simm.s32 @!p0 $0x0  }
0x12: {  	s1 =	sld [smem:$0x3F8F];
	s0 =	simm.s32 @p0 $0x1  }
0x13: {  	[smem:$0x3FAA] =	sst s0;
	s0 =	simm.s32 @!p1 $0x0  }
0x14: {  	s2 =	sld [smem:$0x3F8E];
	s0 =	simm.s32 @p1 $0x1  }
0x15: {  	[smem:$0x3FAB] =	sst s0;
	s0 =	simm.s32 @!p2 $0x0  }
0x16: {  	s3 =	sld [smem:$0x3FDB];
	s0 =	simm.s32 @p2 $0x1  }
0x17: {  	s4 =	simm.s32 $0x1BF5;
	[smem:$0x3FAD] =	sst s0  }
0x18: {  	s0 =	sld [smem:$0x3F90];
	_ =	swait.ge [sflag:s4], $0x0  }
0x19: {  	s7 =	sld [smem:$0x3F91]  }
0x1a: {  	s8 =	sadd.s32 $0xFFFFE003, lr  }
0x1b: {  	s9 =	sadd.s32 $0xFFFFFEF7, lr;
	s5 =	simm.s32 $0xFFFFFFFF;
	p2 =	slt.u32 s8, $0xFFFFF086  }
0x1c: {  	p1 =	slt.u32 s9, $0xF7A;
	s5 =	simm.s32 @!p2 $0x0  }
0x1d: {  	s5 =	simm.s32 @p1 $0x1;
	p0 =	seq.s32 s7, s2  }
0x1e: {  	s7 =	smul.u32 @!p0 $0xF7A, s2;
	p2 =	seq.s32 @!p0 s5, $0x0  }
0x1f: {  	s9 =	smul.u32 $0xF7A, s1;
	s8 =	simm.s32 @!p0 $0x1BF5;
	p2 =	por !p2, p0  }
0x20: {  	[sflag:s8] =	ssyncset.s32 @!p0 $0xFFFFF086;
	s6 =	sadd.s32 @!p0 s3, s7;
	s7 =	simm.s32 @!p0 $0x108  }
0x21: {  	s3 =	sadd.s32 s3, s9;
	s6 =	sadd.s32 @!p0 $0x88, s6;
	s7 =	simm.s32 @p2 $0x1082  }
0x22: {  	[simem:s7], [sflag:s8] =	dma.local @!p0 [hbm:s6], $0xF7A  }
0x23: {  	s9 =	sor.u32 $0xD0000000, s2;
	s6 =	simm.s32 $0x108;
	_ =	swait.ge @!p0 [sflag:s8], $0x0  }
0x24: {  	s3 =	sadd.s32 $0x88, s3;
	s6 =	simm.s32 @!p1 $0x1082;
	[sflag:s4] =	ssyncset.s32 $0xFFFFF086  }
0x25: {  	[simem:s6], [sflag:s4] =	dma.local [hbm:s3], $0xF7A  }
0x26: {  	[smem:$0x3F91] =	sst s1;
	(tag) =	ssettag s2;
	_ =	strace s9  }
0x27: {  	s1 =	sld [smem:$0x3FA1]  }
0x28: {  	s2 =	sld [smem:$0x3FA2]  }
0x29: {  	s4 =	sld [smem:$0x3FA4]  }
0x2a: {  	p0 =	seq.s32 s5, $0x0;
	s5 =	sld [smem:$0x3FA5]  }
0x2b: {  	s6 =	sld [smem:$0x3FA6]  }
0x2c: {  	s7 =	sld [smem:$0x3FA7]  }
0x2d: {  	s3 =	simm.s32 $0x108;
	s8 =	sld [smem:$0x3FA8]  }
0x2e: {  	s3 =	simm.s32 @!p0 $0x1082;
	s9 =	sld [smem:$0x3FA9]  }
0x2f: {  	lr =	sadd.s32 s0, s3;
	s0 =	sld [smem:$0x3FA0]  }
0x30: {  	s3 =	sld [smem:$0x3FA3]  }
0x31: {  	[smem:$0x3FAC] =	sst s10  }
0x32: {  	s10 =	sld [smem:$0x3FAA];
	_ =	sdelay $0x3  }
0x33: {  	p0 =	seq.s32 s10, $0x1;
	s10 =	sld [smem:$0x3FAC];
	_ =	sdelay $0x3  }
0x34: {  	[smem:$0x3FAC] =	sst s10  }
0x35: {  	s10 =	sld [smem:$0x3FAB];
	_ =	sdelay $0x3  }
0x36: {  	p1 =	seq.s32 s10, $0x1;
	s10 =	sld [smem:$0x3FAC];
	_ =	sdelay $0x3  }
0x37: {  	[smem:$0x3FAC] =	sst s10  }
0x38: {  	s10 =	sld [smem:$0x3FAD]  }
0x39: {  	_ = 	snop;
	(pc) =	sbr.ind lr, $3  }
0x3a: {  	_ = 	snop  }
0x3b: {  	_ = 	snop  }
0x3c: {  	p2 =	seq.s32 s10, $0x1;
	s10 =	sld [smem:$0x3FAC]  }
0x3d: {  	_ =	shalt  }
0x3e: {  	_ =	shalt  }
0x3f: {  	_ =	shalt  }
0x40: {  	_ =	shalt  }
0x41: {  	_ =	shalt  }
0x42: {  	_ =	shalt  }
0x43: {  	_ =	shalt  }
0x44: {  	_ =	shalt  }
0x45: {  	_ =	shalt  }
0x46: {  	_ =	shalt  }
0x47: {  	_ =	shalt  }
0x48: {  	_ =	shalt  }
0x49: {  	_ =	shalt  }
0x4a: {  	_ =	shalt  }
0x4b: {  	_ =	shalt  }
0x4c: {  	_ =	shalt  }
0x4d: {  	_ =	shalt  }
0x4e: {  	_ =	shalt  }
0x4f: {  	_ =	shalt  }
0x50: {  	_ =	shalt  }
0x51: {  	_ =	shalt  }
0x52: {  	_ =	shalt  }
0x53: {  	_ =	shalt  }
0x54: {  	_ =	shalt  }
0x55: {  	_ =	shalt  }
0x56: {  	_ =	shalt  }
0x57: {  	_ =	shalt  }
0x58: {  	_ =	shalt  }
0x59: {  	_ =	shalt  }
0x5a: {  	_ =	shalt  }
0x5b: {  	_ =	shalt  }
0x5c: {  	_ =	shalt  }
0x5d: {  	_ =	shalt  }
0x5e: {  	_ =	shalt  }
0x5f: {  	_ =	shalt  }
0x60: {  	_ =	shalt  }
0x61: {  	_ =	shalt  }
0x62: {  	_ =	shalt  }
0x63: {  	_ =	shalt  }
0x64: {  	_ =	shalt  }
0x65: {  	_ =	shalt  }
0x66: {  	_ =	shalt  }
0x67: {  	_ =	shalt  }
0x68: {  	_ =	shalt  }
0x69: {  	_ =	shalt  }
0x6a: {  	_ =	shalt  }
0x6b: {  	_ =	shalt  }
0x6c: {  	_ =	shalt  }
0x6d: {  	_ =	shalt  }
0x6e: {  	_ =	shalt  }
0x6f: {  	_ =	shalt  }
0x70: {  	_ =	shalt  }
0x71: {  	_ =	shalt  }
0x72: {  	_ =	shalt  }
0x73: {  	_ =	shalt  }
0x74: {  	_ =	shalt  }
0x75: {  	_ =	shalt  }
0x76: {  	_ =	shalt  }
0x77: {  	_ =	shalt  }
0x78: {  	_ =	shalt  }
0x79: {  	_ =	shalt  }
0x7a: {  	_ =	shalt  }
0x7b: {  	_ =	shalt  }
0x7c: {  	_ =	shalt  }
0x7d: {  	_ =	shalt  }
0x7e: {  	_ =	shalt  }
0x7f: {  	_ =	shalt  }
0x80: {  	_ =	shalt  }
0x81: {  	_ =	shalt  }
0x82: {  	_ =	shalt  }
0x83: {  	_ =	shalt  }
0x84: {  	_ =	shalt  }
0x85: {  	_ =	shalt  }
0x86: {  	_ =	shalt  }
0x87: {  	_ =	shalt  }
.Lfunc_end0:
.L_simem_size_0:
called_computation.2_lowered:
.L_overlay_start_0:
0x88: {  	s2 =	sld [smem:$0x3FD9]  }
0x89: {  	s3 =	sld [smem:$0x3FFE];
	_ =	sdelay $0x1  }
0x8a: {  	s1 =	srdreg.scid  }
0x8b: {  	s0 =	sand.u32 $0x1, s1  }
0x8c: {  	s17 =	sshll.u32 s0, $0xA;
	s2 =	sadd.s32 s3, s2  }
0x8d: {  	s2 =	sadd.s32 s2, s17  }
0x8e: {  	[smem:$0x3FB8] =	sst s2  }
0x8f: {  	_ = 	snop  }
0x90: {  	(tm) =	ssettm $0x1  }
0x91: {  	s18 =	sld [smem:$0x3FFB];
	_ =	sdelay $0x3  }
0x92: {  	_ =	strace s18  }
0x93: {  	s2 =	sld [smem:$0x3FFC];
	_ =	sdelay $0x3  }
0x94: {  	_ =	strace s2  }
0x95: {  	s2 =	sld [smem:$0x3FFD];
	_ =	sdelay $0x3  }
0x96: {  	_ =	strace s2  }
0x97: {  	_ =	strace $0x8FFFFFFF  }
0x98: {  	s19 =	sld [smem:$0x3FDB];
	_ =	sdelay $0x1  }
0x99: {  	s20 =	simm.s32 $_scs_section_size  }
0x9a: {  	s4 =	simm.s32 $_size__tile_overlayer_lowered;
	s5 =	simm.s32 $_tile_overlayer_lowered  }
0x9b: {  	s6 =	simm.s32 $0x1BFF;
	s21 =	sshll.u32 s5, $0x1;
	s3 =	sadd.s32 s20, s19  }
0x9c: {  	s22 =	simm.s32 $0x0;
	s4 =	sshll.u32 s4, $0x1;
	s5 =	sadd.s32 s21, s3  }
0x9d: {  	[timem:s22], [sflag:s6] =	dma.local [hbm:s5], s4  }
0x9e: {  	_ =	swait.ge [sflag:s6], s4  }
0x9f: {  	s4 =	ssub.s32 $0x0, s4;
	[sflag:s6] =	ssyncset.done $0x0  }
0xa0: {  	[sflag:s6] =	ssyncadd.s32 s4;
	_ =	sdelay $0x1  }
0xa1: {  	s23 =	simm.s32 $0x1B8B  }
0xa2: {  	_ =	swait.ge [sflag:s23], $0x1  }
0xa3: {  	[sflag:s23] =	ssyncset.done $0x0  }
0xa4: {  	[sflag:s23] =	ssyncadd.s32 $0xFFFFFFFF  }
0xa5: {  	s4 =	sld [smem:$0x0]  }
0xa6: {  	s5 =	sand.u32 $0xFFFFFFFE, s1  }
0xa7: {  	p0 =	sne.s32 s1, s5  }
0xa8: {  	s5 =	sshll.u32 @p0 s5, $0xE  }
0xa9: {  	s5 =	sadd.s32 @p0 $0x11B8D, s5;
	s6 =	sshll.u32 @p0 s4, $0x11  }
0xaa: {  	s5 =	sor.u32 @p0 s6, s5  }
0xab: {  	[sflag:s5] =	ssyncadd.remote.s32 @p0 $0x1;
	_ =	sdelay $0x1  }
0xac: {  	s5 =	simm.s32 @p0 $0x1B8D  }
0xad: {  	_ =	swait.eq @p0 [sflag:s5], $0x1  }
0xae: {  	[sflag:s5] =	ssyncadd.s32 @p0 $0xFFFFFFFF  }
0xaf: {  	s6 =	sshll.u32 @!p0 s1, $0xE  }
0xb0: {  	s6 =	sor.u32 @!p0 $0x4000, s6;
	s5 =	simm.s32 @!p0 $0x1B8D  }
0xb1: {  	s4 =	sshll.u32 @!p0 s4, $0x11;
	s6 =	sadd.s32 @!p0 $0x11B8D, s6;
	_ =	swait.eq @!p0 [sflag:s5], $0x1  }
0xb2: {  	s4 =	sor.u32 @!p0 s4, s6;
	[sflag:s5] =	ssyncadd.s32 @!p0 $0xFFFFFFFF  }
0xb3: {  	s25 =	simm.s32 $0x1B8E;
	s24 =	sld [smem:$0x3FFE];
	[sflag:s4] =	ssyncadd.remote.s32 @!p0 $0x1  }
0xb4: {  	s26 =	simm.s32 $execute0_lowered;
	[smem:$0x3FD2] =	sst s25  }
0xb5: {  	s5 =	sshll.u32 s26, $0x1;
	_ =	strace $0x80000055;
	[dreg:$0x1] =	wrdreg $0xFFFFFFFF  }
0xb6: {  	s28 =	simm.s32 $_size_execute0_lowered;
	s3 =	sadd.s32 s3, s5;
	[dreg:$0x0] =	wrdreg $0x0  }
0xb7: {  	s5 =	sshll.u32 s28, $0x1;
	[dreg:$0x2] =	wrdreg s3  }
0xb8: {  	[dreg:$0x3] =	wrdreg s5  }
0xb9: {  	[dreg:$0x4] =	wrdreg $0xC0  }
0xba: {  	_ =	task [dreg:s22], $0x5FFFF  }
0xbb: {  	[dreg:$0x1] =	wrdreg $0xFFFFFFFF  }
0xbc: {  	[dreg:$0x0] =	wrdreg $0x60  }
0xbd: {  	[dreg:$0x2] =	wrdreg s24  }
0xbe: {  	[dreg:$0x3] =	wrdreg $0x9  }
0xbf: {  	_ =	task.clear_ibuf [dreg:s22], $0x4FFFF;
	_ =	strace $0x90000055  }
0xc0: {  	s29 =	simm.s32 $0x9;
	_ =	strace $0x80000057  }
0xc1: {  	_ =	swait.ge [sflag:s29], $0x1  }
0xc2: {  	[sflag:s29] =	ssyncadd.s32 $0xFFFFFFFF  }
0xc3: {  	_ =	strace $0x90000057  }
0xc4: {  	_ =	sfence  }
0xc5: {  	s30 =	sld [smem:$0x0];
	_ =	sdelay $0x2  }
0xc6: {  	s31 =	sshll.u32 s1, $0xD;
	s1 =	sshrl.u32 s1, $0x2  }
0xc7: {  	s4 =	sand.u32 $0x4000, s31;
	s1 =	sadd.s32 s1, s30  }
0xc8: {  	s0 =	sor.u32 s4, s0;
	s1 =	sshll.u32 s1, $0x11  }
0xc9: {  	s0 =	sor.u32 s1, s0  }
0xca: {  	s0 =	sadd.s32 $0x8F2B, s0  }
0xcb: {  	[sflag:s0] =	ssyncadd.remote.s32 $0x1  }
0xcc: {  	_ =	sfence.sel $0xFFFF  }
0xcd: {  	[dreg:$0x0] =	wrdreg $0xFFFFFFFF;
	(pc) =	sbr.abs _section_cstart, $3  }
0xce: {  	[dreg:$0x1] =	wrdreg $0xFFFFFFFF  }
0xcf: {  	_ =	task.clear_ibuf [dreg:s22], $0x2FFFF;
	_ =	strace $0x9FFFFFFF  }
0xd0: {  	(tm) =	ssettm $0x7FFFFFFF  }
0xd1: {  	_ =	shalt  }
tec
execute0_lowered:
.L_overlay_start_1:
0x0: {  	(tag) =	ssettag $0x1  }
0x1: {  	s7 =	rddreg [dreg:$0x0]  }
0x2: {  	s0 =	rddreg [dreg:$0x1];
	_ =	strace $0x80000056  }
0x3: {  	s1 =	srdreg.scid;
	s4 =	simm.s32 $0x1;
	s9 =	simm.s32 $0x3  }
0x4: {  	s12 =	simm.s32 $0x0;
	s10 =	simm.s32 $0x0;
	s5 =	sshll.u32 s1, $0x4  }
.Ltmp0:
0x5: {  	s1 =	stileid.u32;
	s5 =	sand.u32 $0x10, s5;
	(pc) =	sbr.rel .LBB2_1-.Ltmp0, $4  }
0x6: {  	s2 =	sadd.s32 $0x7B200, s7;
	s3 =	sadd.s32 $0x400, s7;
	s6 =	sor.u32 s1, s5  }
0x7: {  	[sflag:s4] =	ssyncpa.u1 $0x0;
	s5 =	simm.s32 $0x2;
	s6 =	sshll.u32 s6, $0x6  }
0x8: {  	s7 =	sadd.s32 $0x11B200, s7;
	[sflag:s5] =	ssyncpa.u1 $0x0;
	s8 =	sadd.s32 $0x40, s6  }
0x9: {  	vm0 =	vmmov $0xff;
	vm1 =	vcmask $0x3F20;
	[sflag:s9] =	ssyncpa.u1 $0x0;
	s9 =	simm.s32 $0x40;
	s11 =	smov.u32 s6  }
.LBB2_9:
0xa: {  	p0 =	seq.s32 s10, $0x2  }
.Ltmp1:
0xb: {  	_ = 	snop;
	(pc) =	sbr.rel @p0 .LBB2_11-.Ltmp1, $1  }
0xc: {  	_ =	sdelay $0x3  }
.LBB2_10:
0xd: {  	s12 =	sadd.s32 $0x40, s11  }
0xe: {  	s13 =	smov.u32 s6;
	p0 =	slt.s32 s12, s8  }
0xf: {  	s13 =	smov.u32 @p0 s12  }
0x10: {  	s10 =	sadd.s32 $0x1, s10;
	s12 =	smov.u32 s11;
	s11 =	smov.u32 s13  }
.LBB2_1:
0x11: {  	p0 =	sne.s32 s10, $0x0  }
.Ltmp2:
0x12: {  	_ = 	snop;
	(pc) =	sbr.rel @!p0 .LBB2_2-.Ltmp2, $1  }
0x13: {  	_ =	sdelay $0x3  }
0x14: {  	s13 =	sand.u32 $0x1, s10  }
0x15: {  	p0 =	seq.s32 s13, $0x0  }
.Ltmp3:
0x16: {  	_ = 	snop;
	(pc) =	sbr.rel @p0 .LBB2_9-.Ltmp3, $1  }
0x17: {  	_ =	sdelay $0x3  }
0x18: {  	_ =	swait.ge [sflag:s5], $0x40  }
0x19: {  	[sflag:s5] =	ssyncset.done $0x0  }
0x1a: {  	s13 =	simm.s32 $0x0;
	[sflag:s5] =	ssyncadd.s32 $0xFFFFFFC0  }
0x1b: {  	v0 =	vld.msk [tilespmem:s13+$0x40 ss:$0x1], $0xffff;
	_ =	sdelay $0x4  }
0x1c: {  	vm2 =	vgt.s32 v0, $0x0  }
0x1d: {  	v0 =	vnsel vm2, $0x0, v0  }
0x1e: {  	v0 =	vmin.u32 v0, $0xFFF  }
0x1f: {  	v0 =	vshll.u32 v0, $0x4;
	_ =	sdelay $0x3  }
0x20: {  	s13 =	simm.s32 $0x2080  }
0x21: {  	[tilespmem:s13], [sflag:$0x1] =	stream.indirect_vreg.gather [hbm:s2], $0x80, v0, vm0, $0x38;
	[tilespmem:$0x4080] =	vst v63  }
0x22: {  	s14 =	simm.s32 $0x2480;
	s31 =	simm.s32 $0x10  }
0x23: {  	[tilespmem:s14], [sflag:$0x1] =	stream.indirect_vreg.gather [hbm:s2], $0x80, v0, vm1, $0x38;
	[tilespmem:$0x4080] =	vst v63  }
0x24: {  	s14 =	simm.s32 $0x80;
	v0 =	vld.msk [tilespmem:s31+$0x40 ss:$0x1], $0xffff  }
.LBB2_5:
0x25: {  	p0 =	sne.s32 s14, $0xC0;
	_ =	sdelay $0x4  }
0x26: {  	vm2 =	vgt.s32 v0, $0x0  }
0x27: {  	v0 =	vnsel vm2, $0x0, v0  }
0x28: {  	v0 =	vmin.u32 v0, $0xFFF  }
0x29: {  	v0 =	vshll.u32 v0, $0x4;
	_ =	sdelay $0x3  }
.Ltmp4:
0x2a: {  	s13 =	sadd.s32 $0x800, s13;
	(pc) =	sbr.rel @p0 .LBB2_5-.Ltmp4, $4  }
0x2b: {  	[tilespmem:s13], [sflag:$0x1] =	stream.indirect_vreg.gather [hbm:s2], $0x80, v0, vm0, $0x38;
	[tilespmem:$0x4080] =	vst v63  }
0x2c: {  	s15 =	sshra.s32 s14, $0x2;
	s16 =	sadd.s32 $0x400, s13  }
0x2d: {  	[tilespmem:s16], [sflag:$0x1] =	stream.indirect_vreg.gather [hbm:s2], $0x80, v0, vm1, $0x38;
	[tilespmem:$0x4080] =	vst v63  }
0x2e: {  	s14 =	sadd.s32 $0x40, s14;
	v0 =	vld.msk [tilespmem:s15+$0x40 ss:$0x1], $0xffff  }
0x2f: {  	_ =	sdelay $0x3  }
0x30: {  	vm2 =	vgt.s32 v0, $0x0  }
0x31: {  	v0 =	vnsel vm2, $0x0, v0  }
0x32: {  	v0 =	vmin.u32 v0, $0xFFF  }
0x33: {  	v0 =	vshll.u32 v0, $0x4;
	_ =	sdelay $0x3  }
0x34: {  	s13 =	sadd.s32 $0x800, s13  }
0x35: {  	[tilespmem:s13], [sflag:$0x1] =	stream.indirect_vreg.gather [hbm:s2], $0x80, v0, vm0, $0x38;
	[tilespmem:$0x4080] =	vst v63  }
0x36: {  	s13 =	sadd.s32 $0x400, s13  }
0x37: {  	[tilespmem:s13], [sflag:$0x1] =	stream.indirect_vreg.gather [hbm:s2], $0x80, v0, vm1, $0x38;
	[tilespmem:$0x4080] =	vst v63  }
0x38: {  	s12 =	sshll.u32 s12, $0x4;
	s14 =	simm.s32 $0x80;
	_ =	swait.ge [sflag:s4], $0x2000  }
0x39: {  	s15 =	simm.s32 $0x2480;
	s12 =	sadd.s32 s12, s7;
	[sflag:s4] =	ssyncset.done $0x0  }
0x3a: {  	s16 =	sadd.s32 $0x0, s12;
	s13 =	simm.s32 $0x2080;
	[sflag:s4] =	ssyncadd.s32 $0xFFFFE000  }
.LBB2_7:
0x3b: {  	[hbm:s16] =	stream.linear.scatter [tilespmem:s13], [sflag:$0x3], $0x400, $0x38;
	[tilespmem:$0x4080] =	vst v63  }
0x3c: {  	s16 =	smov.u32 s14;
	s13 =	smov.u32 s15;
	p0 =	sne.s32 s14, $0x380  }
.Ltmp5:
0x3d: {  	s14 =	sadd.s32 $0x80, s14;
	(pc) =	sbr.rel @p0 .LBB2_7-.Ltmp5, $2  }
0x3e: {  	_ =	sdelay $0x2  }
0x3f: {  	s15 =	sadd.s32 $0x400, s15;
	s16 =	sadd.s32 s16, s12  }
.Ltmp6:
0x40: {  	(pc) =	sbr.rel .LBB2_9-.Ltmp6, $2  }
0x41: {  	_ =	sdelay $0x2  }
0x42: {  	[hbm:s16] =	stream.linear.scatter [tilespmem:s13], [sflag:$0x3], $0x400, $0x38;
	[tilespmem:$0x4080] =	vst v63  }
.LBB2_2:
.Ltmp7:
0x43: {  	(pc) =	sbr.rel .LBB2_10-.Ltmp7, $4  }
0x44: {  	_ = 	snop  }
0x45: {  	s12 =	sshrl.u32 s11, $0x3  }
0x46: {  	s13 =	sand.u32 $0x7, s11;
	s12 =	sadd.s32 s3, s12  }
0x47: {  	[tilespmem:s9], [sflag:$0x2] =	stream.linear.gather [hbm4b:s12+s13], $0x40, $0x38;
	[tilespmem:$0x4080] =	vst v63  }
.LBB2_11:
0x48: {  	s2 =	simm.s32 $0x3  }
0x49: {  	_ =	swait.ge [sflag:s2], $0x2000  }
0x4a: {  	[sflag:s2] =	ssyncset.done $0x0  }
0x4b: {  	[sflag:s2] =	ssyncadd.s32 $0xFFFFE000  }
0x4c: {  	_ =	sfence.sel $0x180000  }
0x4d: {  	s3 =	simm.s32 $0x2;
	[bflag:$0x0] =	sbarrier.arrive $0xFFFF  }
0x4e: {  	[sflag:s3] =	ssyncpa.u1 $0x1  }
0x4f: {  	s31 =	simm.s32 $0x1;
	[sflag:s2] =	ssyncpa.u1 $0x1  }
0x50: {  	[sflag:s31] =	ssyncpa.u1 $0x1  }
0x51: {  	p0 =	sne.s32 s1, $0x0;
	_ =	strace $0x90000056  }
0x52: {  	s0 =	sadd.s32 @!p0 $0x100000, s0;
	[bflag:$0x2] =	sbarrier.arrive $0xFFFF  }
0x53: {  	[sflag:s0] =	ssyncadd.tile.s32 @!p0 $0x1;
	_ =	shalt  }
.Lfunc_end2:
_tile_overlayer_lowered:
.L_overlay_start_2:
0x54: {  	(tag) =	ssettag $0x2  }
0x55: {  	s0 =	rddreg [dreg:$0x0];
	s2 =	stileid.u32  }
0x56: {  	s1 =	rddreg [dreg:$0x1];
	p0 =	sne.s32 s2, $0x0  }
0x57: {  	s3 =	rddreg [dreg:$0x2];
	[bflag:$0x3] =	sbarrier.arrive $0xFFFF;
	s2 =	simm.s32 @!p0 $0x1C01  }
0x58: {  	[timem:s3], [sflag:s2] =	dma.local @!p0 [hbm:s0], s1  }
0x59: {  	s0 =	simm.s32 @!p0 $0x1  }
0x5a: {  	_ =	swait.ge @!p0 [sflag:s0], s1  }
0x5b: {  	s1 =	ssub.s32 @!p0 $0x0, s1;
	[sflag:s0] =	ssyncset.done @!p0 $0x0  }
0x5c: {  	[sflag:s0] =	ssyncadd.s32 @!p0 s1  }
0x5d: {  	[bflag:$0x3] =	sbarrier.arrive $0xFFFF  }
0x5e: {  	_ =	shalt  }

// kernel: gather_offload_async_start.3
scs
__scs_entry_jumppad:
0x0: {  	(pc) =	sbr.rel $0x88, $3  }
0x1: {  	(tag) =	ssettag $0x0;
	lr =	simm.s32 $0x1  }
0x2: {  	[smem:$0x3F91] =	sst lr;
	_ =	strace $0xD0000000  }
0x3: {  	_ = 	snop  }
0x4: {  	_ = 	snop  }
0x5: {  	_ = 	snop  }
0x6: {  	_ = 	snop  }
0x7: {  	_ = 	snop  }
__scs_overlays_trampoline_lowered:
0x8: {  	[smem:$0x3FA0] =	sst s0  }
0x9: {  	[smem:$0x3FA1] =	sst s1  }
0xa: {  	[smem:$0x3FA2] =	sst s2  }
0xb: {  	[smem:$0x3FA3] =	sst s3  }
0xc: {  	[smem:$0x3FA4] =	sst s4  }
0xd: {  	[smem:$0x3FA5] =	sst s5  }
0xe: {  	[smem:$0x3FA6] =	sst s6  }
0xf: {  	[smem:$0x3FA7] =	sst s7  }
0x10: {  	[smem:$0x3FA8] =	sst s8  }
0x11: {  	[smem:$0x3FA9] =	sst s9;
	s0 =	simm.s32 @!p0 $0x0  }
0x12: {  	s1 =	sld [smem:$0x3F8F];
	s0 =	simm.s32 @p0 $0x1  }
0x13: {  	[smem:$0x3FAA] =	sst s0;
	s0 =	simm.s32 @!p1 $0x0  }
0x14: {  	s2 =	sld [smem:$0x3F8E];
	s0 =	simm.s32 @p1 $0x1  }
0x15: {  	[smem:$0x3FAB] =	sst s0;
	s0 =	simm.s32 @!p2 $0x0  }
0x16: {  	s3 =	sld [smem:$0x3FDB];
	s0 =	simm.s32 @p2 $0x1  }
0x17: {  	s4 =	simm.s32 $0x1BF5;
	[smem:$0x3FAD] =	sst s0  }
0x18: {  	s0 =	sld [smem:$0x3F90];
	_ =	swait.ge [sflag:s4], $0x0  }
0x19: {  	s7 =	sld [smem:$0x3F91]  }
0x1a: {  	s8 =	sadd.s32 $0xFFFFE003, lr  }
0x1b: {  	s9 =	sadd.s32 $0xFFFFFEF7, lr;
	s5 =	simm.s32 $0xFFFFFFFF;
	p2 =	slt.u32 s8, $0xFFFFF086  }
0x1c: {  	p1 =	slt.u32 s9, $0xF7A;
	s5 =	simm.s32 @!p2 $0x0  }
0x1d: {  	s5 =	simm.s32 @p1 $0x1;
	p0 =	seq.s32 s7, s2  }
0x1e: {  	s7 =	smul.u32 @!p0 $0xF7A, s2;
	p2 =	seq.s32 @!p0 s5, $0x0  }
0x1f: {  	s9 =	smul.u32 $0xF7A, s1;
	s8 =	simm.s32 @!p0 $0x1BF5;
	p2 =	por !p2, p0  }
0x20: {  	[sflag:s8] =	ssyncset.s32 @!p0 $0xFFFFF086;
	s6 =	sadd.s32 @!p0 s3, s7;
	s7 =	simm.s32 @!p0 $0x108  }
0x21: {  	s3 =	sadd.s32 s3, s9;
	s6 =	sadd.s32 @!p0 $0x88, s6;
	s7 =	simm.s32 @p2 $0x1082  }
0x22: {  	[simem:s7], [sflag:s8] =	dma.local @!p0 [hbm:s6], $0xF7A  }
0x23: {  	s9 =	sor.u32 $0xD0000000, s2;
	s6 =	simm.s32 $0x108;
	_ =	swait.ge @!p0 [sflag:s8], $0x0  }
0x24: {  	s3 =	sadd.s32 $0x88, s3;
	s6 =	simm.s32 @!p1 $0x1082;
	[sflag:s4] =	ssyncset.s32 $0xFFFFF086  }
0x25: {  	[simem:s6], [sflag:s4] =	dma.local [hbm:s3], $0xF7A  }
0x26: {  	[smem:$0x3F91] =	sst s1;
	(tag) =	ssettag s2;
	_ =	strace s9  }
0x27: {  	s1 =	sld [smem:$0x3FA1]  }
0x28: {  	s2 =	sld [smem:$0x3FA2]  }
0x29: {  	s4 =	sld [smem:$0x3FA4]  }
0x2a: {  	p0 =	seq.s32 s5, $0x0;
	s5 =	sld [smem:$0x3FA5]  }
0x2b: {  	s6 =	sld [smem:$0x3FA6]  }
0x2c: {  	s7 =	sld [smem:$0x3FA7]  }
0x2d: {  	s3 =	simm.s32 $0x108;
	s8 =	sld [smem:$0x3FA8]  }
0x2e: {  	s3 =	simm.s32 @!p0 $0x1082;
	s9 =	sld [smem:$0x3FA9]  }
0x2f: {  	lr =	sadd.s32 s0, s3;
	s0 =	sld [smem:$0x3FA0]  }
0x30: {  	s3 =	sld [smem:$0x3FA3]  }
0x31: {  	[smem:$0x3FAC] =	sst s10  }
0x32: {  	s10 =	sld [smem:$0x3FAA];
	_ =	sdelay $0x3  }
0x33: {  	p0 =	seq.s32 s10, $0x1;
	s10 =	sld [smem:$0x3FAC];
	_ =	sdelay $0x3  }
0x34: {  	[smem:$0x3FAC] =	sst s10  }
0x35: {  	s10 =	sld [smem:$0x3FAB];
	_ =	sdelay $0x3  }
0x36: {  	p1 =	seq.s32 s10, $0x1;
	s10 =	sld [smem:$0x3FAC];
	_ =	sdelay $0x3  }
0x37: {  	[smem:$0x3FAC] =	sst s10  }
0x38: {  	s10 =	sld [smem:$0x3FAD]  }
0x39: {  	_ = 	snop;
	(pc) =	sbr.ind lr, $3  }
0x3a: {  	_ = 	snop  }
0x3b: {  	_ = 	snop  }
0x3c: {  	p2 =	seq.s32 s10, $0x1;
	s10 =	sld [smem:$0x3FAC]  }
0x3d: {  	_ =	shalt  }
0x3e: {  	_ =	shalt  }
0x3f: {  	_ =	shalt  }
0x40: {  	_ =	shalt  }
0x41: {  	_ =	shalt  }
0x42: {  	_ =	shalt  }
0x43: {  	_ =	shalt  }
0x44: {  	_ =	shalt  }
0x45: {  	_ =	shalt  }
0x46: {  	_ =	shalt  }
0x47: {  	_ =	shalt  }
0x48: {  	_ =	shalt  }
0x49: {  	_ =	shalt  }
0x4a: {  	_ =	shalt  }
0x4b: {  	_ =	shalt  }
0x4c: {  	_ =	shalt  }
0x4d: {  	_ =	shalt  }
0x4e: {  	_ =	shalt  }
0x4f: {  	_ =	shalt  }
0x50: {  	_ =	shalt  }
0x51: {  	_ =	shalt  }
0x52: {  	_ =	shalt  }
0x53: {  	_ =	shalt  }
0x54: {  	_ =	shalt  }
0x55: {  	_ =	shalt  }
0x56: {  	_ =	shalt  }
0x57: {  	_ =	shalt  }
0x58: {  	_ =	shalt  }
0x59: {  	_ =	shalt  }
0x5a: {  	_ =	shalt  }
0x5b: {  	_ =	shalt  }
0x5c: {  	_ =	shalt  }
0x5d: {  	_ =	shalt  }
0x5e: {  	_ =	shalt  }
0x5f: {  	_ =	shalt  }
0x60: {  	_ =	shalt  }
0x61: {  	_ =	shalt  }
0x62: {  	_ =	shalt  }
0x63: {  	_ =	shalt  }
0x64: {  	_ =	shalt  }
0x65: {  	_ =	shalt  }
0x66: {  	_ =	shalt  }
0x67: {  	_ =	shalt  }
0x68: {  	_ =	shalt  }
0x69: {  	_ =	shalt  }
0x6a: {  	_ =	shalt  }
0x6b: {  	_ =	shalt  }
0x6c: {  	_ =	shalt  }
0x6d: {  	_ =	shalt  }
0x6e: {  	_ =	shalt  }
0x6f: {  	_ =	shalt  }
0x70: {  	_ =	shalt  }
0x71: {  	_ =	shalt  }
0x72: {  	_ =	shalt  }
0x73: {  	_ =	shalt  }
0x74: {  	_ =	shalt  }
0x75: {  	_ =	shalt  }
0x76: {  	_ =	shalt  }
0x77: {  	_ =	shalt  }
0x78: {  	_ =	shalt  }
0x79: {  	_ =	shalt  }
0x7a: {  	_ =	shalt  }
0x7b: {  	_ =	shalt  }
0x7c: {  	_ =	shalt  }
0x7d: {  	_ =	shalt  }
0x7e: {  	_ =	shalt  }
0x7f: {  	_ =	shalt  }
0x80: {  	_ =	shalt  }
0x81: {  	_ =	shalt  }
0x82: {  	_ =	shalt  }
0x83: {  	_ =	shalt  }
0x84: {  	_ =	shalt  }
0x85: {  	_ =	shalt  }
0x86: {  	_ =	shalt  }
0x87: {  	_ =	shalt  }
.Lfunc_end0:
.L_simem_size_0:
called_computation.3_lowered:
.L_overlay_start_0:
0x88: {  	s2 =	sld [smem:$0x3FD9]  }
0x89: {  	s3 =	sld [smem:$0x3FFE];
	_ =	sdelay $0x1  }
0x8a: {  	s1 =	srdreg.scid  }
0x8b: {  	s0 =	sand.u32 $0x1, s1  }
0x8c: {  	s17 =	sshll.u32 s0, $0xA;
	s2 =	sadd.s32 s3, s2  }
0x8d: {  	s2 =	sadd.s32 s2, s17  }
0x8e: {  	[smem:$0x3FB8] =	sst s2  }
0x8f: {  	_ = 	snop  }
0x90: {  	(tm) =	ssettm $0x1  }
0x91: {  	s18 =	sld [smem:$0x3FFB];
	_ =	sdelay $0x3  }
0x92: {  	_ =	strace s18  }
0x93: {  	s2 =	sld [smem:$0x3FFC];
	_ =	sdelay $0x3  }
0x94: {  	_ =	strace s2  }
0x95: {  	s2 =	sld [smem:$0x3FFD];
	_ =	sdelay $0x3  }
0x96: {  	_ =	strace s2  }
0x97: {  	_ =	strace $0x8FFFFFFF  }
0x98: {  	s19 =	sld [smem:$0x3FDB];
	_ =	sdelay $0x1  }
0x99: {  	s20 =	simm.s32 $_scs_section_size  }
0x9a: {  	s4 =	simm.s32 $_size__tile_overlayer_lowered;
	s5 =	simm.s32 $_tile_overlayer_lowered  }
0x9b: {  	s6 =	simm.s32 $0x1BFF;
	s21 =	sshll.u32 s5, $0x1;
	s3 =	sadd.s32 s20, s19  }
0x9c: {  	s22 =	simm.s32 $0x0;
	s4 =	sshll.u32 s4, $0x1;
	s5 =	sadd.s32 s21, s3  }
0x9d: {  	[timem:s22], [sflag:s6] =	dma.local [hbm:s5], s4  }
0x9e: {  	_ =	swait.ge [sflag:s6], s4  }
0x9f: {  	s4 =	ssub.s32 $0x0, s4;
	[sflag:s6] =	ssyncset.done $0x0  }
0xa0: {  	[sflag:s6] =	ssyncadd.s32 s4;
	_ =	sdelay $0x1  }
0xa1: {  	s23 =	simm.s32 $0x1B8B  }
0xa2: {  	_ =	swait.ge [sflag:s23], $0x1  }
0xa3: {  	[sflag:s23] =	ssyncset.done $0x0  }
0xa4: {  	[sflag:s23] =	ssyncadd.s32 $0xFFFFFFFF  }
0xa5: {  	s4 =	sld [smem:$0x0]  }
0xa6: {  	s5 =	sand.u32 $0xFFFFFFFE, s1  }
0xa7: {  	p0 =	sne.s32 s1, s5  }
0xa8: {  	s5 =	sshll.u32 @p0 s5, $0xE  }
0xa9: {  	s5 =	sadd.s32 @p0 $0x11B8D, s5;
	s6 =	sshll.u32 @p0 s4, $0x11  }
0xaa: {  	s5 =	sor.u32 @p0 s6, s5  }
0xab: {  	[sflag:s5] =	ssyncadd.remote.s32 @p0 $0x1;
	_ =	sdelay $0x1  }
0xac: {  	s5 =	simm.s32 @p0 $0x1B8D  }
0xad: {  	_ =	swait.eq @p0 [sflag:s5], $0x1  }
0xae: {  	[sflag:s5] =	ssyncadd.s32 @p0 $0xFFFFFFFF  }
0xaf: {  	s6 =	sshll.u32 @!p0 s1, $0xE  }
0xb0: {  	s6 =	sor.u32 @!p0 $0x4000, s6;
	s5 =	simm.s32 @!p0 $0x1B8D  }
0xb1: {  	s4 =	sshll.u32 @!p0 s4, $0x11;
	s6 =	sadd.s32 @!p0 $0x11B8D, s6;
	_ =	swait.eq @!p0 [sflag:s5], $0x1  }
0xb2: {  	s4 =	sor.u32 @!p0 s4, s6;
	[sflag:s5] =	ssyncadd.s32 @!p0 $0xFFFFFFFF  }
0xb3: {  	s25 =	simm.s32 $0x1B8E;
	s24 =	sld [smem:$0x3FFE];
	[sflag:s4] =	ssyncadd.remote.s32 @!p0 $0x1  }
0xb4: {  	s26 =	simm.s32 $execute0_lowered;
	[smem:$0x3FD2] =	sst s25  }
0xb5: {  	s5 =	sshll.u32 s26, $0x1;
	_ =	strace $0x80000052;
	[dreg:$0x1] =	wrdreg $0xFFFFFFFF  }
0xb6: {  	s28 =	simm.s32 $_size_execute0_lowered;
	s3 =	sadd.s32 s3, s5;
	[dreg:$0x0] =	wrdreg $0x0  }
0xb7: {  	s5 =	sshll.u32 s28, $0x1;
	[dreg:$0x2] =	wrdreg s3  }
0xb8: {  	[dreg:$0x3] =	wrdreg s5  }
0xb9: {  	[dreg:$0x4] =	wrdreg $0xC0  }
0xba: {  	_ =	task [dreg:s22], $0x5FFFF  }
0xbb: {  	[dreg:$0x1] =	wrdreg $0xFFFFFFFF  }
0xbc: {  	[dreg:$0x0] =	wrdreg $0x60  }
0xbd: {  	[dreg:$0x2] =	wrdreg s24  }
0xbe: {  	[dreg:$0x3] =	wrdreg $0xA  }
0xbf: {  	_ =	task.clear_ibuf [dreg:s22], $0x4FFFF;
	_ =	strace $0x90000052  }
0xc0: {  	s29 =	simm.s32 $0xA;
	_ =	strace $0x80000054  }
0xc1: {  	_ =	swait.ge [sflag:s29], $0x1  }
0xc2: {  	[sflag:s29] =	ssyncadd.s32 $0xFFFFFFFF  }
0xc3: {  	_ =	strace $0x90000054  }
0xc4: {  	_ =	sfence  }
0xc5: {  	s30 =	sld [smem:$0x0];
	_ =	sdelay $0x2  }
0xc6: {  	s31 =	sshll.u32 s1, $0xD;
	s1 =	sshrl.u32 s1, $0x2  }
0xc7: {  	s4 =	sand.u32 $0x4000, s31;
	s1 =	sadd.s32 s1, s30  }
0xc8: {  	s0 =	sor.u32 s4, s0;
	s1 =	sshll.u32 s1, $0x11  }
0xc9: {  	s0 =	sor.u32 s1, s0  }
0xca: {  	s0 =	sadd.s32 $0x8F2B, s0  }
0xcb: {  	[sflag:s0] =	ssyncadd.remote.s32 $0x1  }
0xcc: {  	_ =	sfence.sel $0xFFFF  }
0xcd: {  	[dreg:$0x0] =	wrdreg $0xFFFFFFFF;
	(pc) =	sbr.abs _section_cstart, $3  }
0xce: {  	[dreg:$0x1] =	wrdreg $0xFFFFFFFF  }
0xcf: {  	_ =	task.clear_ibuf [dreg:s22], $0x2FFFF;
	_ =	strace $0x9FFFFFFF  }
0xd0: {  	(tm) =	ssettm $0x7FFFFFFF  }
0xd1: {  	_ =	shalt  }
tec
execute0_lowered:
.L_overlay_start_1:
0x0: {  	(tag) =	ssettag $0x1  }
0x1: {  	s7 =	rddreg [dreg:$0x0]  }
0x2: {  	s0 =	rddreg [dreg:$0x1];
	_ =	strace $0x80000053  }
0x3: {  	s1 =	srdreg.scid;
	s4 =	simm.s32 $0x1;
	s9 =	simm.s32 $0x3  }
0x4: {  	s12 =	simm.s32 $0x0;
	s10 =	simm.s32 $0x0;
	s5 =	sshll.u32 s1, $0x4  }
.Ltmp0:
0x5: {  	s1 =	stileid.u32;
	s5 =	sand.u32 $0x10, s5;
	(pc) =	sbr.rel .LBB2_1-.Ltmp0, $4  }
0x6: {  	s2 =	sadd.s32 $0x63000, s7;
	s3 =	sadd.s32 $0x600, s7;
	s6 =	sor.u32 s1, s5  }
0x7: {  	[sflag:s4] =	ssyncpa.u1 $0x0;
	s5 =	simm.s32 $0x2;
	s6 =	sshll.u32 s6, $0x6  }
0x8: {  	s7 =	sadd.s32 $0x73000, s7;
	[sflag:s5] =	ssyncpa.u1 $0x0;
	s8 =	sadd.s32 $0x40, s6  }
0x9: {  	vm0 =	vmmov $0xff;
	vm1 =	vcmask $0x3F20;
	[sflag:s9] =	ssyncpa.u1 $0x0;
	s9 =	simm.s32 $0x40;
	s11 =	smov.u32 s6  }
.LBB2_9:
0xa: {  	p0 =	seq.s32 s10, $0x2  }
.Ltmp1:
0xb: {  	_ = 	snop;
	(pc) =	sbr.rel @p0 .LBB2_11-.Ltmp1, $1  }
0xc: {  	_ =	sdelay $0x3  }
.LBB2_10:
0xd: {  	s12 =	sadd.s32 $0x40, s11  }
0xe: {  	s13 =	smov.u32 s6;
	p0 =	slt.s32 s12, s8  }
0xf: {  	s13 =	smov.u32 @p0 s12  }
0x10: {  	s10 =	sadd.s32 $0x1, s10;
	s12 =	smov.u32 s11;
	s11 =	smov.u32 s13  }
.LBB2_1:
0x11: {  	p0 =	sne.s32 s10, $0x0  }
.Ltmp2:
0x12: {  	_ = 	snop;
	(pc) =	sbr.rel @!p0 .LBB2_2-.Ltmp2, $1  }
0x13: {  	_ =	sdelay $0x3  }
0x14: {  	s13 =	sand.u32 $0x1, s10  }
0x15: {  	p0 =	seq.s32 s13, $0x0  }
.Ltmp3:
0x16: {  	_ = 	snop;
	(pc) =	sbr.rel @p0 .LBB2_9-.Ltmp3, $1  }
0x17: {  	_ =	sdelay $0x3  }
0x18: {  	_ =	swait.ge [sflag:s5], $0x40  }
0x19: {  	[sflag:s5] =	ssyncset.done $0x0  }
0x1a: {  	s13 =	simm.s32 $0x0;
	[sflag:s5] =	ssyncadd.s32 $0xFFFFFFC0  }
0x1b: {  	v0 =	vld.msk [tilespmem:s13+$0x40 ss:$0x1], $0xffff;
	_ =	sdelay $0x4  }
0x1c: {  	vm2 =	vgt.s32 v0, $0x0  }
0x1d: {  	v0 =	vnsel vm2, $0x0, v0  }
0x1e: {  	v0 =	vmin.u32 v0, $0xFFF  }
0x1f: {  	v0 =	vshll.u32 v0, $0x4;
	_ =	sdelay $0x3  }
0x20: {  	s13 =	simm.s32 $0x2080  }
0x21: {  	[tilespmem:s13], [sflag:$0x1] =	stream.indirect_vreg.gather [hbm:s2], $0x80, v0, vm0, $0x38;
	[tilespmem:$0x4080] =	vst v63  }
0x22: {  	s14 =	simm.s32 $0x2480;
	s31 =	simm.s32 $0x10  }
0x23: {  	[tilespmem:s14], [sflag:$0x1] =	stream.indirect_vreg.gather [hbm:s2], $0x80, v0, vm1, $0x38;
	[tilespmem:$0x4080] =	vst v63  }
0x24: {  	s14 =	simm.s32 $0x80;
	v0 =	vld.msk [tilespmem:s31+$0x40 ss:$0x1], $0xffff  }
.LBB2_5:
0x25: {  	p0 =	sne.s32 s14, $0xC0;
	_ =	sdelay $0x4  }
0x26: {  	vm2 =	vgt.s32 v0, $0x0  }
0x27: {  	v0 =	vnsel vm2, $0x0, v0  }
0x28: {  	v0 =	vmin.u32 v0, $0xFFF  }
0x29: {  	v0 =	vshll.u32 v0, $0x4;
	_ =	sdelay $0x3  }
.Ltmp4:
0x2a: {  	s13 =	sadd.s32 $0x800, s13;
	(pc) =	sbr.rel @p0 .LBB2_5-.Ltmp4, $4  }
0x2b: {  	[tilespmem:s13], [sflag:$0x1] =	stream.indirect_vreg.gather [hbm:s2], $0x80, v0, vm0, $0x38;
	[tilespmem:$0x4080] =	vst v63  }
0x2c: {  	s15 =	sshra.s32 s14, $0x2;
	s16 =	sadd.s32 $0x400, s13  }
0x2d: {  	[tilespmem:s16], [sflag:$0x1] =	stream.indirect_vreg.gather [hbm:s2], $0x80, v0, vm1, $0x38;
	[tilespmem:$0x4080] =	vst v63  }
0x2e: {  	s14 =	sadd.s32 $0x40, s14;
	v0 =	vld.msk [tilespmem:s15+$0x40 ss:$0x1], $0xffff  }
0x2f: {  	_ =	sdelay $0x3  }
0x30: {  	vm2 =	vgt.s32 v0, $0x0  }
0x31: {  	v0 =	vnsel vm2, $0x0, v0  }
0x32: {  	v0 =	vmin.u32 v0, $0xFFF  }
0x33: {  	v0 =	vshll.u32 v0, $0x4;
	_ =	sdelay $0x3  }
0x34: {  	s13 =	sadd.s32 $0x800, s13  }
0x35: {  	[tilespmem:s13], [sflag:$0x1] =	stream.indirect_vreg.gather [hbm:s2], $0x80, v0, vm0, $0x38;
	[tilespmem:$0x4080] =	vst v63  }
0x36: {  	s13 =	sadd.s32 $0x400, s13  }
0x37: {  	[tilespmem:s13], [sflag:$0x1] =	stream.indirect_vreg.gather [hbm:s2], $0x80, v0, vm1, $0x38;
	[tilespmem:$0x4080] =	vst v63  }
0x38: {  	s12 =	sshll.u32 s12, $0x4;
	s14 =	simm.s32 $0x80;
	_ =	swait.ge [sflag:s4], $0x2000  }
0x39: {  	s15 =	simm.s32 $0x2480;
	s12 =	sadd.s32 s12, s7;
	[sflag:s4] =	ssyncset.done $0x0  }
0x3a: {  	s16 =	sadd.s32 $0x0, s12;
	s13 =	simm.s32 $0x2080;
	[sflag:s4] =	ssyncadd.s32 $0xFFFFE000  }
.LBB2_7:
0x3b: {  	[hbm:s16] =	stream.linear.scatter [tilespmem:s13], [sflag:$0x3], $0x400, $0x38;
	[tilespmem:$0x4080] =	vst v63  }
0x3c: {  	s16 =	smov.u32 s14;
	s13 =	smov.u32 s15;
	p0 =	sne.s32 s14, $0x380  }
.Ltmp5:
0x3d: {  	s14 =	sadd.s32 $0x80, s14;
	(pc) =	sbr.rel @p0 .LBB2_7-.Ltmp5, $2  }
0x3e: {  	_ =	sdelay $0x2  }
0x3f: {  	s15 =	sadd.s32 $0x400, s15;
	s16 =	sadd.s32 s16, s12  }
.Ltmp6:
0x40: {  	(pc) =	sbr.rel .LBB2_9-.Ltmp6, $2  }
0x41: {  	_ =	sdelay $0x2  }
0x42: {  	[hbm:s16] =	stream.linear.scatter [tilespmem:s13], [sflag:$0x3], $0x400, $0x38;
	[tilespmem:$0x4080] =	vst v63  }
.LBB2_2:
.Ltmp7:
0x43: {  	(pc) =	sbr.rel .LBB2_10-.Ltmp7, $4  }
0x44: {  	_ = 	snop  }
0x45: {  	s12 =	sshrl.u32 s11, $0x3  }
0x46: {  	s13 =	sand.u32 $0x7, s11;
	s12 =	sadd.s32 s3, s12  }
0x47: {  	[tilespmem:s9], [sflag:$0x2] =	stream.linear.gather [hbm4b:s12+s13], $0x40, $0x38;
	[tilespmem:$0x4080] =	vst v63  }
.LBB2_11:
0x48: {  	s2 =	simm.s32 $0x3  }
0x49: {  	_ =	swait.ge [sflag:s2], $0x2000  }
0x4a: {  	[sflag:s2] =	ssyncset.done $0x0  }
0x4b: {  	[sflag:s2] =	ssyncadd.s32 $0xFFFFE000  }
0x4c: {  	_ =	sfence.sel $0x180000  }
0x4d: {  	s3 =	simm.s32 $0x2;
	[bflag:$0x0] =	sbarrier.arrive $0xFFFF  }
0x4e: {  	[sflag:s3] =	ssyncpa.u1 $0x1  }
0x4f: {  	s31 =	simm.s32 $0x1;
	[sflag:s2] =	ssyncpa.u1 $0x1  }
0x50: {  	[sflag:s31] =	ssyncpa.u1 $0x1  }
0x51: {  	p0 =	sne.s32 s1, $0x0;
	_ =	strace $0x90000053  }
0x52: {  	s0 =	sadd.s32 @!p0 $0x100000, s0;
	[bflag:$0x2] =	sbarrier.arrive $0xFFFF  }
0x53: {  	[sflag:s0] =	ssyncadd.tile.s32 @!p0 $0x1;
	_ =	shalt  }
.Lfunc_end2:
_tile_overlayer_lowered:
.L_overlay_start_2:
0x54: {  	(tag) =	ssettag $0x2  }
0x55: {  	s0 =	rddreg [dreg:$0x0];
	s2 =	stileid.u32  }
0x56: {  	s1 =	rddreg [dreg:$0x1];
	p0 =	sne.s32 s2, $0x0  }
0x57: {  	s3 =	rddreg [dreg:$0x2];
	[bflag:$0x3] =	sbarrier.arrive $0xFFFF;
	s2 =	simm.s32 @!p0 $0x1C01  }
0x58: {  	[timem:s3], [sflag:s2] =	dma.local @!p0 [hbm:s0], s1  }
0x59: {  	s0 =	simm.s32 @!p0 $0x1  }
0x5a: {  	_ =	swait.ge @!p0 [sflag:s0], s1  }
0x5b: {  	s1 =	ssub.s32 @!p0 $0x0, s1;
	[sflag:s0] =	ssyncset.done @!p0 $0x0  }
0x5c: {  	[sflag:s0] =	ssyncadd.s32 @!p0 s1  }
0x5d: {  	[bflag:$0x3] =	sbarrier.arrive $0xFFFF  }
0x5e: {  	_ =	shalt  }

// kernel: gather_offload_async_start.4
scs
__scs_entry_jumppad:
0x0: {  	(pc) =	sbr.rel $0x88, $3  }
0x1: {  	(tag) =	ssettag $0x0;
	lr =	simm.s32 $0x1  }
0x2: {  	[smem:$0x3F91] =	sst lr;
	_ =	strace $0xD0000000  }
0x3: {  	_ = 	snop  }
0x4: {  	_ = 	snop  }
0x5: {  	_ = 	snop  }
0x6: {  	_ = 	snop  }
0x7: {  	_ = 	snop  }
__scs_overlays_trampoline_lowered:
0x8: {  	[smem:$0x3FA0] =	sst s0  }
0x9: {  	[smem:$0x3FA1] =	sst s1  }
0xa: {  	[smem:$0x3FA2] =	sst s2  }
0xb: {  	[smem:$0x3FA3] =	sst s3  }
0xc: {  	[smem:$0x3FA4] =	sst s4  }
0xd: {  	[smem:$0x3FA5] =	sst s5  }
0xe: {  	[smem:$0x3FA6] =	sst s6  }
0xf: {  	[smem:$0x3FA7] =	sst s7  }
0x10: {  	[smem:$0x3FA8] =	sst s8  }
0x11: {  	[smem:$0x3FA9] =	sst s9;
	s0 =	simm.s32 @!p0 $0x0  }
0x12: {  	s1 =	sld [smem:$0x3F8F];
	s0 =	simm.s32 @p0 $0x1  }
0x13: {  	[smem:$0x3FAA] =	sst s0;
	s0 =	simm.s32 @!p1 $0x0  }
0x14: {  	s2 =	sld [smem:$0x3F8E];
	s0 =	simm.s32 @p1 $0x1  }
0x15: {  	[smem:$0x3FAB] =	sst s0;
	s0 =	simm.s32 @!p2 $0x0  }
0x16: {  	s3 =	sld [smem:$0x3FDB];
	s0 =	simm.s32 @p2 $0x1  }
0x17: {  	s4 =	simm.s32 $0x1BF5;
	[smem:$0x3FAD] =	sst s0  }
0x18: {  	s0 =	sld [smem:$0x3F90];
	_ =	swait.ge [sflag:s4], $0x0  }
0x19: {  	s7 =	sld [smem:$0x3F91]  }
0x1a: {  	s8 =	sadd.s32 $0xFFFFE003, lr  }
0x1b: {  	s9 =	sadd.s32 $0xFFFFFEF7, lr;
	s5 =	simm.s32 $0xFFFFFFFF;
	p2 =	slt.u32 s8, $0xFFFFF086  }
0x1c: {  	p1 =	slt.u32 s9, $0xF7A;
	s5 =	simm.s32 @!p2 $0x0  }
0x1d: {  	s5 =	simm.s32 @p1 $0x1;
	p0 =	seq.s32 s7, s2  }
0x1e: {  	s7 =	smul.u32 @!p0 $0xF7A, s2;
	p2 =	seq.s32 @!p0 s5, $0x0  }
0x1f: {  	s9 =	smul.u32 $0xF7A, s1;
	s8 =	simm.s32 @!p0 $0x1BF5;
	p2 =	por !p2, p0  }
0x20: {  	[sflag:s8] =	ssyncset.s32 @!p0 $0xFFFFF086;
	s6 =	sadd.s32 @!p0 s3, s7;
	s7 =	simm.s32 @!p0 $0x108  }
0x21: {  	s3 =	sadd.s32 s3, s9;
	s6 =	sadd.s32 @!p0 $0x88, s6;
	s7 =	simm.s32 @p2 $0x1082  }
0x22: {  	[simem:s7], [sflag:s8] =	dma.local @!p0 [hbm:s6], $0xF7A  }
0x23: {  	s9 =	sor.u32 $0xD0000000, s2;
	s6 =	simm.s32 $0x108;
	_ =	swait.ge @!p0 [sflag:s8], $0x0  }
0x24: {  	s3 =	sadd.s32 $0x88, s3;
	s6 =	simm.s32 @!p1 $0x1082;
	[sflag:s4] =	ssyncset.s32 $0xFFFFF086  }
0x25: {  	[simem:s6], [sflag:s4] =	dma.local [hbm:s3], $0xF7A  }
0x26: {  	[smem:$0x3F91] =	sst s1;
	(tag) =	ssettag s2;
	_ =	strace s9  }
0x27: {  	s1 =	sld [smem:$0x3FA1]  }
0x28: {  	s2 =	sld [smem:$0x3FA2]  }
0x29: {  	s4 =	sld [smem:$0x3FA4]  }
0x2a: {  	p0 =	seq.s32 s5, $0x0;
	s5 =	sld [smem:$0x3FA5]  }
0x2b: {  	s6 =	sld [smem:$0x3FA6]  }
0x2c: {  	s7 =	sld [smem:$0x3FA7]  }
0x2d: {  	s3 =	simm.s32 $0x108;
	s8 =	sld [smem:$0x3FA8]  }
0x2e: {  	s3 =	simm.s32 @!p0 $0x1082;
	s9 =	sld [smem:$0x3FA9]  }
0x2f: {  	lr =	sadd.s32 s0, s3;
	s0 =	sld [smem:$0x3FA0]  }
0x30: {  	s3 =	sld [smem:$0x3FA3]  }
0x31: {  	[smem:$0x3FAC] =	sst s10  }
0x32: {  	s10 =	sld [smem:$0x3FAA];
	_ =	sdelay $0x3  }
0x33: {  	p0 =	seq.s32 s10, $0x1;
	s10 =	sld [smem:$0x3FAC];
	_ =	sdelay $0x3  }
0x34: {  	[smem:$0x3FAC] =	sst s10  }
0x35: {  	s10 =	sld [smem:$0x3FAB];
	_ =	sdelay $0x3  }
0x36: {  	p1 =	seq.s32 s10, $0x1;
	s10 =	sld [smem:$0x3FAC];
	_ =	sdelay $0x3  }
0x37: {  	[smem:$0x3FAC] =	sst s10  }
0x38: {  	s10 =	sld [smem:$0x3FAD]  }
0x39: {  	_ = 	snop;
	(pc) =	sbr.ind lr, $3  }
0x3a: {  	_ = 	snop  }
0x3b: {  	_ = 	snop  }
0x3c: {  	p2 =	seq.s32 s10, $0x1;
	s10 =	sld [smem:$0x3FAC]  }
0x3d: {  	_ =	shalt  }
0x3e: {  	_ =	shalt  }
0x3f: {  	_ =	shalt  }
0x40: {  	_ =	shalt  }
0x41: {  	_ =	shalt  }
0x42: {  	_ =	shalt  }
0x43: {  	_ =	shalt  }
0x44: {  	_ =	shalt  }
0x45: {  	_ =	shalt  }
0x46: {  	_ =	shalt  }
0x47: {  	_ =	shalt  }
0x48: {  	_ =	shalt  }
0x49: {  	_ =	shalt  }
0x4a: {  	_ =	shalt  }
0x4b: {  	_ =	shalt  }
0x4c: {  	_ =	shalt  }
0x4d: {  	_ =	shalt  }
0x4e: {  	_ =	shalt  }
0x4f: {  	_ =	shalt  }
0x50: {  	_ =	shalt  }
0x51: {  	_ =	shalt  }
0x52: {  	_ =	shalt  }
0x53: {  	_ =	shalt  }
0x54: {  	_ =	shalt  }
0x55: {  	_ =	shalt  }
0x56: {  	_ =	shalt  }
0x57: {  	_ =	shalt  }
0x58: {  	_ =	shalt  }
0x59: {  	_ =	shalt  }
0x5a: {  	_ =	shalt  }
0x5b: {  	_ =	shalt  }
0x5c: {  	_ =	shalt  }
0x5d: {  	_ =	shalt  }
0x5e: {  	_ =	shalt  }
0x5f: {  	_ =	shalt  }
0x60: {  	_ =	shalt  }
0x61: {  	_ =	shalt  }
0x62: {  	_ =	shalt  }
0x63: {  	_ =	shalt  }
0x64: {  	_ =	shalt  }
0x65: {  	_ =	shalt  }
0x66: {  	_ =	shalt  }
0x67: {  	_ =	shalt  }
0x68: {  	_ =	shalt  }
0x69: {  	_ =	shalt  }
0x6a: {  	_ =	shalt  }
0x6b: {  	_ =	shalt  }
0x6c: {  	_ =	shalt  }
0x6d: {  	_ =	shalt  }
0x6e: {  	_ =	shalt  }
0x6f: {  	_ =	shalt  }
0x70: {  	_ =	shalt  }
0x71: {  	_ =	shalt  }
0x72: {  	_ =	shalt  }
0x73: {  	_ =	shalt  }
0x74: {  	_ =	shalt  }
0x75: {  	_ =	shalt  }
0x76: {  	_ =	shalt  }
0x77: {  	_ =	shalt  }
0x78: {  	_ =	shalt  }
0x79: {  	_ =	shalt  }
0x7a: {  	_ =	shalt  }
0x7b: {  	_ =	shalt  }
0x7c: {  	_ =	shalt  }
0x7d: {  	_ =	shalt  }
0x7e: {  	_ =	shalt  }
0x7f: {  	_ =	shalt  }
0x80: {  	_ =	shalt  }
0x81: {  	_ =	shalt  }
0x82: {  	_ =	shalt  }
0x83: {  	_ =	shalt  }
0x84: {  	_ =	shalt  }
0x85: {  	_ =	shalt  }
0x86: {  	_ =	shalt  }
0x87: {  	_ =	shalt  }
.Lfunc_end0:
.L_simem_size_0:
called_computation.4_lowered:
.L_overlay_start_0:
0x88: {  	s2 =	sld [smem:$0x3FD9]  }
0x89: {  	s3 =	sld [smem:$0x3FFE];
	_ =	sdelay $0x1  }
0x8a: {  	s1 =	srdreg.scid  }
0x8b: {  	s0 =	sand.u32 $0x1, s1  }
0x8c: {  	s17 =	sshll.u32 s0, $0xA;
	s2 =	sadd.s32 s3, s2  }
0x8d: {  	s2 =	sadd.s32 s2, s17  }
0x8e: {  	[smem:$0x3FB8] =	sst s2  }
0x8f: {  	_ = 	snop  }
0x90: {  	(tm) =	ssettm $0x1  }
0x91: {  	s18 =	sld [smem:$0x3FFB];
	_ =	sdelay $0x3  }
0x92: {  	_ =	strace s18  }
0x93: {  	s2 =	sld [smem:$0x3FFC];
	_ =	sdelay $0x3  }
0x94: {  	_ =	strace s2  }
0x95: {  	s2 =	sld [smem:$0x3FFD];
	_ =	sdelay $0x3  }
0x96: {  	_ =	strace s2  }
0x97: {  	_ =	strace $0x8FFFFFFF  }
0x98: {  	s19 =	sld [smem:$0x3FDB];
	_ =	sdelay $0x1  }
0x99: {  	s20 =	simm.s32 $_scs_section_size  }
0x9a: {  	s4 =	simm.s32 $_size__tile_overlayer_lowered;
	s5 =	simm.s32 $_tile_overlayer_lowered  }
0x9b: {  	s6 =	simm.s32 $0x1BFF;
	s21 =	sshll.u32 s5, $0x1;
	s3 =	sadd.s32 s20, s19  }
0x9c: {  	s22 =	simm.s32 $0x0;
	s4 =	sshll.u32 s4, $0x1;
	s5 =	sadd.s32 s21, s3  }
0x9d: {  	[timem:s22], [sflag:s6] =	dma.local [hbm:s5], s4  }
0x9e: {  	_ =	swait.ge [sflag:s6], s4  }
0x9f: {  	s4 =	ssub.s32 $0x0, s4;
	[sflag:s6] =	ssyncset.done $0x0  }
0xa0: {  	[sflag:s6] =	ssyncadd.s32 s4;
	_ =	sdelay $0x1  }
0xa1: {  	s23 =	simm.s32 $0x1B8B  }
0xa2: {  	_ =	swait.ge [sflag:s23], $0x1  }
0xa3: {  	[sflag:s23] =	ssyncset.done $0x0  }
0xa4: {  	[sflag:s23] =	ssyncadd.s32 $0xFFFFFFFF  }
0xa5: {  	s4 =	sld [smem:$0x0]  }
0xa6: {  	s5 =	sand.u32 $0xFFFFFFFE, s1  }
0xa7: {  	p0 =	sne.s32 s1, s5  }
0xa8: {  	s5 =	sshll.u32 @p0 s5, $0xE  }
0xa9: {  	s5 =	sadd.s32 @p0 $0x11B8D, s5;
	s6 =	sshll.u32 @p0 s4, $0x11  }
0xaa: {  	s5 =	sor.u32 @p0 s6, s5  }
0xab: {  	[sflag:s5] =	ssyncadd.remote.s32 @p0 $0x1;
	_ =	sdelay $0x1  }
0xac: {  	s5 =	simm.s32 @p0 $0x1B8D  }
0xad: {  	_ =	swait.eq @p0 [sflag:s5], $0x1  }
0xae: {  	[sflag:s5] =	ssyncadd.s32 @p0 $0xFFFFFFFF  }
0xaf: {  	s6 =	sshll.u32 @!p0 s1, $0xE  }
0xb0: {  	s6 =	sor.u32 @!p0 $0x4000, s6;
	s5 =	simm.s32 @!p0 $0x1B8D  }
0xb1: {  	s4 =	sshll.u32 @!p0 s4, $0x11;
	s6 =	sadd.s32 @!p0 $0x11B8D, s6;
	_ =	swait.eq @!p0 [sflag:s5], $0x1  }
0xb2: {  	s4 =	sor.u32 @!p0 s4, s6;
	[sflag:s5] =	ssyncadd.s32 @!p0 $0xFFFFFFFF  }
0xb3: {  	s25 =	simm.s32 $0x1B8E;
	s24 =	sld [smem:$0x3FFE];
	[sflag:s4] =	ssyncadd.remote.s32 @!p0 $0x1  }
0xb4: {  	s26 =	simm.s32 $execute0_lowered;
	[smem:$0x3FD2] =	sst s25  }
0xb5: {  	s5 =	sshll.u32 s26, $0x1;
	_ =	strace $0x8000004F;
	[dreg:$0x1] =	wrdreg $0xFFFFFFFF  }
0xb6: {  	s28 =	simm.s32 $_size_execute0_lowered;
	s3 =	sadd.s32 s3, s5;
	[dreg:$0x0] =	wrdreg $0x0  }
0xb7: {  	s5 =	sshll.u32 s28, $0x1;
	[dreg:$0x2] =	wrdreg s3  }
0xb8: {  	[dreg:$0x3] =	wrdreg s5  }
0xb9: {  	[dreg:$0x4] =	wrdreg $0xC0  }
0xba: {  	_ =	task [dreg:s22], $0x5FFFF  }
0xbb: {  	[dreg:$0x1] =	wrdreg $0xFFFFFFFF  }
0xbc: {  	[dreg:$0x0] =	wrdreg $0x60  }
0xbd: {  	[dreg:$0x2] =	wrdreg s24  }
0xbe: {  	[dreg:$0x3] =	wrdreg $0xB  }
0xbf: {  	_ =	task.clear_ibuf [dreg:s22], $0x4FFFF;
	_ =	strace $0x9000004F  }
0xc0: {  	s29 =	simm.s32 $0xB;
	_ =	strace $0x80000051  }
0xc1: {  	_ =	swait.ge [sflag:s29], $0x1  }
0xc2: {  	[sflag:s29] =	ssyncadd.s32 $0xFFFFFFFF  }
0xc3: {  	_ =	strace $0x90000051  }
0xc4: {  	_ =	sfence  }
0xc5: {  	s30 =	sld [smem:$0x0];
	_ =	sdelay $0x2  }
0xc6: {  	s31 =	sshll.u32 s1, $0xD;
	s1 =	sshrl.u32 s1, $0x2  }
0xc7: {  	s4 =	sand.u32 $0x4000, s31;
	s1 =	sadd.s32 s1, s30  }
0xc8: {  	s0 =	sor.u32 s4, s0;
	s1 =	sshll.u32 s1, $0x11  }
0xc9: {  	s0 =	sor.u32 s1, s0  }
0xca: {  	s0 =	sadd.s32 $0x8F2B, s0  }
0xcb: {  	[sflag:s0] =	ssyncadd.remote.s32 $0x1  }
0xcc: {  	_ =	sfence.sel $0xFFFF  }
0xcd: {  	[dreg:$0x0] =	wrdreg $0xFFFFFFFF;
	(pc) =	sbr.abs _section_cstart, $3  }
0xce: {  	[dreg:$0x1] =	wrdreg $0xFFFFFFFF  }
0xcf: {  	_ =	task.clear_ibuf [dreg:s22], $0x2FFFF;
	_ =	strace $0x9FFFFFFF  }
0xd0: {  	(tm) =	ssettm $0x7FFFFFFF  }
0xd1: {  	_ =	shalt  }
tec
execute0_lowered:
.L_overlay_start_1:
0x0: {  	(tag) =	ssettag $0x1  }
0x1: {  	s7 =	rddreg [dreg:$0x0]  }
0x2: {  	s0 =	rddreg [dreg:$0x1];
	_ =	strace $0x80000050  }
0x3: {  	s1 =	srdreg.scid;
	s4 =	simm.s32 $0x1;
	s9 =	simm.s32 $0x3  }
0x4: {  	s12 =	simm.s32 $0x0;
	s10 =	simm.s32 $0x0;
	s5 =	sshll.u32 s1, $0x4  }
.Ltmp0:
0x5: {  	s1 =	stileid.u32;
	s5 =	sand.u32 $0x10, s5;
	(pc) =	sbr.rel .LBB2_1-.Ltmp0, $4  }
0x6: {  	s2 =	sadd.s32 $0x4B000, s7;
	s3 =	sadd.s32 $0x800, s7;
	s6 =	sor.u32 s1, s5  }
0x7: {  	[sflag:s4] =	ssyncpa.u1 $0x0;
	s5 =	simm.s32 $0x2;
	s6 =	sshll.u32 s6, $0x6  }
0x8: {  	s7 =	sadd.s32 $0x5B000, s7;
	[sflag:s5] =	ssyncpa.u1 $0x0;
	s8 =	sadd.s32 $0x40, s6  }
0x9: {  	vm0 =	vmmov $0xff;
	vm1 =	vcmask $0x3F20;
	[sflag:s9] =	ssyncpa.u1 $0x0;
	s9 =	simm.s32 $0x40;
	s11 =	smov.u32 s6  }
.LBB2_9:
0xa: {  	p0 =	seq.s32 s10, $0x2  }
.Ltmp1:
0xb: {  	_ = 	snop;
	(pc) =	sbr.rel @p0 .LBB2_11-.Ltmp1, $1  }
0xc: {  	_ =	sdelay $0x3  }
.LBB2_10:
0xd: {  	s12 =	sadd.s32 $0x40, s11  }
0xe: {  	s13 =	smov.u32 s6;
	p0 =	slt.s32 s12, s8  }
0xf: {  	s13 =	smov.u32 @p0 s12  }
0x10: {  	s10 =	sadd.s32 $0x1, s10;
	s12 =	smov.u32 s11;
	s11 =	smov.u32 s13  }
.LBB2_1:
0x11: {  	p0 =	sne.s32 s10, $0x0  }
.Ltmp2:
0x12: {  	_ = 	snop;
	(pc) =	sbr.rel @!p0 .LBB2_2-.Ltmp2, $1  }
0x13: {  	_ =	sdelay $0x3  }
0x14: {  	s13 =	sand.u32 $0x1, s10  }
0x15: {  	p0 =	seq.s32 s13, $0x0  }
.Ltmp3:
0x16: {  	_ = 	snop;
	(pc) =	sbr.rel @p0 .LBB2_9-.Ltmp3, $1  }
0x17: {  	_ =	sdelay $0x3  }
0x18: {  	_ =	swait.ge [sflag:s5], $0x40  }
0x19: {  	[sflag:s5] =	ssyncset.done $0x0  }
0x1a: {  	s13 =	simm.s32 $0x0;
	[sflag:s5] =	ssyncadd.s32 $0xFFFFFFC0  }
0x1b: {  	v0 =	vld.msk [tilespmem:s13+$0x40 ss:$0x1], $0xffff;
	_ =	sdelay $0x4  }
0x1c: {  	vm2 =	vgt.s32 v0, $0x0  }
0x1d: {  	v0 =	vnsel vm2, $0x0, v0  }
0x1e: {  	v0 =	vmin.u32 v0, $0xFFF  }
0x1f: {  	v0 =	vshll.u32 v0, $0x4;
	_ =	sdelay $0x3  }
0x20: {  	s13 =	simm.s32 $0x2080  }
0x21: {  	[tilespmem:s13], [sflag:$0x1] =	stream.indirect_vreg.gather [hbm:s2], $0x80, v0, vm0, $0x38;
	[tilespmem:$0x4080] =	vst v63  }
0x22: {  	s14 =	simm.s32 $0x2480;
	s31 =	simm.s32 $0x10  }
0x23: {  	[tilespmem:s14], [sflag:$0x1] =	stream.indirect_vreg.gather [hbm:s2], $0x80, v0, vm1, $0x38;
	[tilespmem:$0x4080] =	vst v63  }
0x24: {  	s14 =	simm.s32 $0x80;
	v0 =	vld.msk [tilespmem:s31+$0x40 ss:$0x1], $0xffff  }
.LBB2_5:
0x25: {  	p0 =	sne.s32 s14, $0xC0;
	_ =	sdelay $0x4  }
0x26: {  	vm2 =	vgt.s32 v0, $0x0  }
0x27: {  	v0 =	vnsel vm2, $0x0, v0  }
0x28: {  	v0 =	vmin.u32 v0, $0xFFF  }
0x29: {  	v0 =	vshll.u32 v0, $0x4;
	_ =	sdelay $0x3  }
.Ltmp4:
0x2a: {  	s13 =	sadd.s32 $0x800, s13;
	(pc) =	sbr.rel @p0 .LBB2_5-.Ltmp4, $4  }
0x2b: {  	[tilespmem:s13], [sflag:$0x1] =	stream.indirect_vreg.gather [hbm:s2], $0x80, v0, vm0, $0x38;
	[tilespmem:$0x4080] =	vst v63  }
0x2c: {  	s15 =	sshra.s32 s14, $0x2;
	s16 =	sadd.s32 $0x400, s13  }
0x2d: {  	[tilespmem:s16], [sflag:$0x1] =	stream.indirect_vreg.gather [hbm:s2], $0x80, v0, vm1, $0x38;
	[tilespmem:$0x4080] =	vst v63  }
0x2e: {  	s14 =	sadd.s32 $0x40, s14;
	v0 =	vld.msk [tilespmem:s15+$0x40 ss:$0x1], $0xffff  }
0x2f: {  	_ =	sdelay $0x3  }
0x30: {  	vm2 =	vgt.s32 v0, $0x0  }
0x31: {  	v0 =	vnsel vm2, $0x0, v0  }
0x32: {  	v0 =	vmin.u32 v0, $0xFFF  }
0x33: {  	v0 =	vshll.u32 v0, $0x4;
	_ =	sdelay $0x3  }
0x34: {  	s13 =	sadd.s32 $0x800, s13  }
0x35: {  	[tilespmem:s13], [sflag:$0x1] =	stream.indirect_vreg.gather [hbm:s2], $0x80, v0, vm0, $0x38;
	[tilespmem:$0x4080] =	vst v63  }
0x36: {  	s13 =	sadd.s32 $0x400, s13  }
0x37: {  	[tilespmem:s13], [sflag:$0x1] =	stream.indirect_vreg.gather [hbm:s2], $0x80, v0, vm1, $0x38;
	[tilespmem:$0x4080] =	vst v63  }
0x38: {  	s12 =	sshll.u32 s12, $0x4;
	s14 =	simm.s32 $0x80;
	_ =	swait.ge [sflag:s4], $0x2000  }
0x39: {  	s15 =	simm.s32 $0x2480;
	s12 =	sadd.s32 s12, s7;
	[sflag:s4] =	ssyncset.done $0x0  }
0x3a: {  	s16 =	sadd.s32 $0x0, s12;
	s13 =	simm.s32 $0x2080;
	[sflag:s4] =	ssyncadd.s32 $0xFFFFE000  }
.LBB2_7:
0x3b: {  	[hbm:s16] =	stream.linear.scatter [tilespmem:s13], [sflag:$0x3], $0x400, $0x38;
	[tilespmem:$0x4080] =	vst v63  }
0x3c: {  	s16 =	smov.u32 s14;
	s13 =	smov.u32 s15;
	p0 =	sne.s32 s14, $0x380  }
.Ltmp5:
0x3d: {  	s14 =	sadd.s32 $0x80, s14;
	(pc) =	sbr.rel @p0 .LBB2_7-.Ltmp5, $2  }
0x3e: {  	_ =	sdelay $0x2  }
0x3f: {  	s15 =	sadd.s32 $0x400, s15;
	s16 =	sadd.s32 s16, s12  }
.Ltmp6:
0x40: {  	(pc) =	sbr.rel .LBB2_9-.Ltmp6, $2  }
0x41: {  	_ =	sdelay $0x2  }
0x42: {  	[hbm:s16] =	stream.linear.scatter [tilespmem:s13], [sflag:$0x3], $0x400, $0x38;
	[tilespmem:$0x4080] =	vst v63  }
.LBB2_2:
.Ltmp7:
0x43: {  	(pc) =	sbr.rel .LBB2_10-.Ltmp7, $4  }
0x44: {  	_ = 	snop  }
0x45: {  	s12 =	sshrl.u32 s11, $0x3  }
0x46: {  	s13 =	sand.u32 $0x7, s11;
	s12 =	sadd.s32 s3, s12  }
0x47: {  	[tilespmem:s9], [sflag:$0x2] =	stream.linear.gather [hbm4b:s12+s13], $0x40, $0x38;
	[tilespmem:$0x4080] =	vst v63  }
.LBB2_11:
0x48: {  	s2 =	simm.s32 $0x3  }
0x49: {  	_ =	swait.ge [sflag:s2], $0x2000  }
0x4a: {  	[sflag:s2] =	ssyncset.done $0x0  }
0x4b: {  	[sflag:s2] =	ssyncadd.s32 $0xFFFFE000  }
0x4c: {  	_ =	sfence.sel $0x180000  }
0x4d: {  	s3 =	simm.s32 $0x2;
	[bflag:$0x0] =	sbarrier.arrive $0xFFFF  }
0x4e: {  	[sflag:s3] =	ssyncpa.u1 $0x1  }
0x4f: {  	s31 =	simm.s32 $0x1;
	[sflag:s2] =	ssyncpa.u1 $0x1  }
0x50: {  	[sflag:s31] =	ssyncpa.u1 $0x1  }
0x51: {  	p0 =	sne.s32 s1, $0x0;
	_ =	strace $0x90000050  }
0x52: {  	s0 =	sadd.s32 @!p0 $0x100000, s0;
	[bflag:$0x2] =	sbarrier.arrive $0xFFFF  }
0x53: {  	[sflag:s0] =	ssyncadd.tile.s32 @!p0 $0x1;
	_ =	shalt  }
.Lfunc_end2:
_tile_overlayer_lowered:
.L_overlay_start_2:
0x54: {  	(tag) =	ssettag $0x2  }
0x55: {  	s0 =	rddreg [dreg:$0x0];
	s2 =	stileid.u32  }
0x56: {  	s1 =	rddreg [dreg:$0x1];
	p0 =	sne.s32 s2, $0x0  }
0x57: {  	s3 =	rddreg [dreg:$0x2];
	[bflag:$0x3] =	sbarrier.arrive $0xFFFF;
	s2 =	simm.s32 @!p0 $0x1C01  }
0x58: {  	[timem:s3], [sflag:s2] =	dma.local @!p0 [hbm:s0], s1  }
0x59: {  	s0 =	simm.s32 @!p0 $0x1  }
0x5a: {  	_ =	swait.ge @!p0 [sflag:s0], s1  }
0x5b: {  	s1 =	ssub.s32 @!p0 $0x0, s1;
	[sflag:s0] =	ssyncset.done @!p0 $0x0  }
0x5c: {  	[sflag:s0] =	ssyncadd.s32 @!p0 s1  }
0x5d: {  	[bflag:$0x3] =	sbarrier.arrive $0xFFFF  }
0x5e: {  	_ =	shalt  }

// kernel: gather_offload_async_start.5
scs
__scs_entry_jumppad:
0x0: {  	(pc) =	sbr.rel $0x88, $3  }
0x1: {  	(tag) =	ssettag $0x0;
	lr =	simm.s32 $0x1  }
0x2: {  	[smem:$0x3F91] =	sst lr;
	_ =	strace $0xD0000000  }
0x3: {  	_ = 	snop  }
0x4: {  	_ = 	snop  }
0x5: {  	_ = 	snop  }
0x6: {  	_ = 	snop  }
0x7: {  	_ = 	snop  }
__scs_overlays_trampoline_lowered:
0x8: {  	[smem:$0x3FA0] =	sst s0  }
0x9: {  	[smem:$0x3FA1] =	sst s1  }
0xa: {  	[smem:$0x3FA2] =	sst s2  }
0xb: {  	[smem:$0x3FA3] =	sst s3  }
0xc: {  	[smem:$0x3FA4] =	sst s4  }
0xd: {  	[smem:$0x3FA5] =	sst s5  }
0xe: {  	[smem:$0x3FA6] =	sst s6  }
0xf: {  	[smem:$0x3FA7] =	sst s7  }
0x10: {  	[smem:$0x3FA8] =	sst s8  }
0x11: {  	[smem:$0x3FA9] =	sst s9;
	s0 =	simm.s32 @!p0 $0x0  }
0x12: {  	s1 =	sld [smem:$0x3F8F];
	s0 =	simm.s32 @p0 $0x1  }
0x13: {  	[smem:$0x3FAA] =	sst s0;
	s0 =	simm.s32 @!p1 $0x0  }
0x14: {  	s2 =	sld [smem:$0x3F8E];
	s0 =	simm.s32 @p1 $0x1  }
0x15: {  	[smem:$0x3FAB] =	sst s0;
	s0 =	simm.s32 @!p2 $0x0  }
0x16: {  	s3 =	sld [smem:$0x3FDB];
	s0 =	simm.s32 @p2 $0x1  }
0x17: {  	s4 =	simm.s32 $0x1BF5;
	[smem:$0x3FAD] =	sst s0  }
0x18: {  	s0 =	sld [smem:$0x3F90];
	_ =	swait.ge [sflag:s4], $0x0  }
0x19: {  	s7 =	sld [smem:$0x3F91]  }
0x1a: {  	s8 =	sadd.s32 $0xFFFFE003, lr  }
0x1b: {  	s9 =	sadd.s32 $0xFFFFFEF7, lr;
	s5 =	simm.s32 $0xFFFFFFFF;
	p2 =	slt.u32 s8, $0xFFFFF086  }
0x1c: {  	p1 =	slt.u32 s9, $0xF7A;
	s5 =	simm.s32 @!p2 $0x0  }
0x1d: {  	s5 =	simm.s32 @p1 $0x1;
	p0 =	seq.s32 s7, s2  }
0x1e: {  	s7 =	smul.u32 @!p0 $0xF7A, s2;
	p2 =	seq.s32 @!p0 s5, $0x0  }
0x1f: {  	s9 =	smul.u32 $0xF7A, s1;
	s8 =	simm.s32 @!p0 $0x1BF5;
	p2 =	por !p2, p0  }
0x20: {  	[sflag:s8] =	ssyncset.s32 @!p0 $0xFFFFF086;
	s6 =	sadd.s32 @!p0 s3, s7;
	s7 =	simm.s32 @!p0 $0x108  }
0x21: {  	s3 =	sadd.s32 s3, s9;
	s6 =	sadd.s32 @!p0 $0x88, s6;
	s7 =	simm.s32 @p2 $0x1082  }
0x22: {  	[simem:s7], [sflag:s8] =	dma.local @!p0 [hbm:s6], $0xF7A  }
0x23: {  	s9 =	sor.u32 $0xD0000000, s2;
	s6 =	simm.s32 $0x108;
	_ =	swait.ge @!p0 [sflag:s8], $0x0  }
0x24: {  	s3 =	sadd.s32 $0x88, s3;
	s6 =	simm.s32 @!p1 $0x1082;
	[sflag:s4] =	ssyncset.s32 $0xFFFFF086  }
0x25: {  	[simem:s6], [sflag:s4] =	dma.local [hbm:s3], $0xF7A  }
0x26: {  	[smem:$0x3F91] =	sst s1;
	(tag) =	ssettag s2;
	_ =	strace s9  }
0x27: {  	s1 =	sld [smem:$0x3FA1]  }
0x28: {  	s2 =	sld [smem:$0x3FA2]  }
0x29: {  	s4 =	sld [smem:$0x3FA4]  }
0x2a: {  	p0 =	seq.s32 s5, $0x0;
	s5 =	sld [smem:$0x3FA5]  }
0x2b: {  	s6 =	sld [smem:$0x3FA6]  }
0x2c: {  	s7 =	sld [smem:$0x3FA7]  }
0x2d: {  	s3 =	simm.s32 $0x108;
	s8 =	sld [smem:$0x3FA8]  }
0x2e: {  	s3 =	simm.s32 @!p0 $0x1082;
	s9 =	sld [smem:$0x3FA9]  }
0x2f: {  	lr =	sadd.s32 s0, s3;
	s0 =	sld [smem:$0x3FA0]  }
0x30: {  	s3 =	sld [smem:$0x3FA3]  }
0x31: {  	[smem:$0x3FAC] =	sst s10  }
0x32: {  	s10 =	sld [smem:$0x3FAA];
	_ =	sdelay $0x3  }
0x33: {  	p0 =	seq.s32 s10, $0x1;
	s10 =	sld [smem:$0x3FAC];
	_ =	sdelay $0x3  }
0x34: {  	[smem:$0x3FAC] =	sst s10  }
0x35: {  	s10 =	sld [smem:$0x3FAB];
	_ =	sdelay $0x3  }
0x36: {  	p1 =	seq.s32 s10, $0x1;
	s10 =	sld [smem:$0x3FAC];
	_ =	sdelay $0x3  }
0x37: {  	[smem:$0x3FAC] =	sst s10  }
0x38: {  	s10 =	sld [smem:$0x3FAD]  }
0x39: {  	_ = 	snop;
	(pc) =	sbr.ind lr, $3  }
0x3a: {  	_ = 	snop  }
0x3b: {  	_ = 	snop  }
0x3c: {  	p2 =	seq.s32 s10, $0x1;
	s10 =	sld [smem:$0x3FAC]  }
0x3d: {  	_ =	shalt  }
0x3e: {  	_ =	shalt  }
0x3f: {  	_ =	shalt  }
0x40: {  	_ =	shalt  }
0x41: {  	_ =	shalt  }
0x42: {  	_ =	shalt  }
0x43: {  	_ =	shalt  }
0x44: {  	_ =	shalt  }
0x45: {  	_ =	shalt  }
0x46: {  	_ =	shalt  }
0x47: {  	_ =	shalt  }
0x48: {  	_ =	shalt  }
0x49: {  	_ =	shalt  }
0x4a: {  	_ =	shalt  }
0x4b: {  	_ =	shalt  }
0x4c: {  	_ =	shalt  }
0x4d: {  	_ =	shalt  }
0x4e: {  	_ =	shalt  }
0x4f: {  	_ =	shalt  }
0x50: {  	_ =	shalt  }
0x51: {  	_ =	shalt  }
0x52: {  	_ =	shalt  }
0x53: {  	_ =	shalt  }
0x54: {  	_ =	shalt  }
0x55: {  	_ =	shalt  }
0x56: {  	_ =	shalt  }
0x57: {  	_ =	shalt  }
0x58: {  	_ =	shalt  }
0x59: {  	_ =	shalt  }
0x5a: {  	_ =	shalt  }
0x5b: {  	_ =	shalt  }
0x5c: {  	_ =	shalt  }
0x5d: {  	_ =	shalt  }
0x5e: {  	_ =	shalt  }
0x5f: {  	_ =	shalt  }
0x60: {  	_ =	shalt  }
0x61: {  	_ =	shalt  }
0x62: {  	_ =	shalt  }
0x63: {  	_ =	shalt  }
0x64: {  	_ =	shalt  }
0x65: {  	_ =	shalt  }
0x66: {  	_ =	shalt  }
0x67: {  	_ =	shalt  }
0x68: {  	_ =	shalt  }
0x69: {  	_ =	shalt  }
0x6a: {  	_ =	shalt  }
0x6b: {  	_ =	shalt  }
0x6c: {  	_ =	shalt  }
0x6d: {  	_ =	shalt  }
0x6e: {  	_ =	shalt  }
0x6f: {  	_ =	shalt  }
0x70: {  	_ =	shalt  }
0x71: {  	_ =	shalt  }
0x72: {  	_ =	shalt  }
0x73: {  	_ =	shalt  }
0x74: {  	_ =	shalt  }
0x75: {  	_ =	shalt  }
0x76: {  	_ =	shalt  }
0x77: {  	_ =	shalt  }
0x78: {  	_ =	shalt  }
0x79: {  	_ =	shalt  }
0x7a: {  	_ =	shalt  }
0x7b: {  	_ =	shalt  }
0x7c: {  	_ =	shalt  }
0x7d: {  	_ =	shalt  }
0x7e: {  	_ =	shalt  }
0x7f: {  	_ =	shalt  }
0x80: {  	_ =	shalt  }
0x81: {  	_ =	shalt  }
0x82: {  	_ =	shalt  }
0x83: {  	_ =	shalt  }
0x84: {  	_ =	shalt  }
0x85: {  	_ =	shalt  }
0x86: {  	_ =	shalt  }
0x87: {  	_ =	shalt  }
.Lfunc_end0:
.L_simem_size_0:
called_computation.5_lowered:
.L_overlay_start_0:
0x88: {  	s2 =	sld [smem:$0x3FD9]  }
0x89: {  	s3 =	sld [smem:$0x3FFE];
	_ =	sdelay $0x1  }
0x8a: {  	s1 =	srdreg.scid  }
0x8b: {  	s0 =	sand.u32 $0x1, s1  }
0x8c: {  	s17 =	sshll.u32 s0, $0xA;
	s2 =	sadd.s32 s3, s2  }
0x8d: {  	s2 =	sadd.s32 s2, s17  }
0x8e: {  	[smem:$0x3FB8] =	sst s2  }
0x8f: {  	_ = 	snop  }
0x90: {  	(tm) =	ssettm $0x1  }
0x91: {  	s18 =	sld [smem:$0x3FFB];
	_ =	sdelay $0x3  }
0x92: {  	_ =	strace s18  }
0x93: {  	s2 =	sld [smem:$0x3FFC];
	_ =	sdelay $0x3  }
0x94: {  	_ =	strace s2  }
0x95: {  	s2 =	sld [smem:$0x3FFD];
	_ =	sdelay $0x3  }
0x96: {  	_ =	strace s2  }
0x97: {  	_ =	strace $0x8FFFFFFF  }
0x98: {  	s19 =	sld [smem:$0x3FDB];
	_ =	sdelay $0x1  }
0x99: {  	s20 =	simm.s32 $_scs_section_size  }
0x9a: {  	s4 =	simm.s32 $_size__tile_overlayer_lowered;
	s5 =	simm.s32 $_tile_overlayer_lowered  }
0x9b: {  	s6 =	simm.s32 $0x1BFF;
	s21 =	sshll.u32 s5, $0x1;
	s3 =	sadd.s32 s20, s19  }
0x9c: {  	s22 =	simm.s32 $0x0;
	s4 =	sshll.u32 s4, $0x1;
	s5 =	sadd.s32 s21, s3  }
0x9d: {  	[timem:s22], [sflag:s6] =	dma.local [hbm:s5], s4  }
0x9e: {  	_ =	swait.ge [sflag:s6], s4  }
0x9f: {  	s4 =	ssub.s32 $0x0, s4;
	[sflag:s6] =	ssyncset.done $0x0  }
0xa0: {  	[sflag:s6] =	ssyncadd.s32 s4;
	_ =	sdelay $0x1  }
0xa1: {  	s23 =	simm.s32 $0x1B8B  }
0xa2: {  	_ =	swait.ge [sflag:s23], $0x1  }
0xa3: {  	[sflag:s23] =	ssyncset.done $0x0  }
0xa4: {  	[sflag:s23] =	ssyncadd.s32 $0xFFFFFFFF  }
0xa5: {  	s4 =	sld [smem:$0x0]  }
0xa6: {  	s5 =	sand.u32 $0xFFFFFFFE, s1  }
0xa7: {  	p0 =	sne.s32 s1, s5  }
0xa8: {  	s5 =	sshll.u32 @p0 s5, $0xE  }
0xa9: {  	s5 =	sadd.s32 @p0 $0x11B8D, s5;
	s6 =	sshll.u32 @p0 s4, $0x11  }
0xaa: {  	s5 =	sor.u32 @p0 s6, s5  }
0xab: {  	[sflag:s5] =	ssyncadd.remote.s32 @p0 $0x1;
	_ =	sdelay $0x1  }
0xac: {  	s5 =	simm.s32 @p0 $0x1B8D  }
0xad: {  	_ =	swait.eq @p0 [sflag:s5], $0x1  }
0xae: {  	[sflag:s5] =	ssyncadd.s32 @p0 $0xFFFFFFFF  }
0xaf: {  	s6 =	sshll.u32 @!p0 s1, $0xE  }
0xb0: {  	s6 =	sor.u32 @!p0 $0x4000, s6;
	s5 =	simm.s32 @!p0 $0x1B8D  }
0xb1: {  	s4 =	sshll.u32 @!p0 s4, $0x11;
	s6 =	sadd.s32 @!p0 $0x11B8D, s6;
	_ =	swait.eq @!p0 [sflag:s5], $0x1  }
0xb2: {  	s4 =	sor.u32 @!p0 s4, s6;
	[sflag:s5] =	ssyncadd.s32 @!p0 $0xFFFFFFFF  }
0xb3: {  	s25 =	simm.s32 $0x1B8E;
	s24 =	sld [smem:$0x3FFE];
	[sflag:s4] =	ssyncadd.remote.s32 @!p0 $0x1  }
0xb4: {  	s26 =	simm.s32 $execute0_lowered;
	[smem:$0x3FD2] =	sst s25  }
0xb5: {  	s5 =	sshll.u32 s26, $0x1;
	_ =	strace $0x8000004C;
	[dreg:$0x1] =	wrdreg $0xFFFFFFFF  }
0xb6: {  	s28 =	simm.s32 $_size_execute0_lowered;
	s3 =	sadd.s32 s3, s5;
	[dreg:$0x0] =	wrdreg $0x0  }
0xb7: {  	s5 =	sshll.u32 s28, $0x1;
	[dreg:$0x2] =	wrdreg s3  }
0xb8: {  	[dreg:$0x3] =	wrdreg s5  }
0xb9: {  	[dreg:$0x4] =	wrdreg $0xC0  }
0xba: {  	_ =	task [dreg:s22], $0x5FFFF  }
0xbb: {  	[dreg:$0x1] =	wrdreg $0xFFFFFFFF  }
0xbc: {  	[dreg:$0x0] =	wrdreg $0x60  }
0xbd: {  	[dreg:$0x2] =	wrdreg s24  }
0xbe: {  	[dreg:$0x3] =	wrdreg $0xC  }
0xbf: {  	_ =	task.clear_ibuf [dreg:s22], $0x4FFFF;
	_ =	strace $0x9000004C  }
0xc0: {  	s29 =	simm.s32 $0xC;
	_ =	strace $0x8000004E  }
0xc1: {  	_ =	swait.ge [sflag:s29], $0x1  }
0xc2: {  	[sflag:s29] =	ssyncadd.s32 $0xFFFFFFFF  }
0xc3: {  	_ =	strace $0x9000004E  }
0xc4: {  	_ =	sfence  }
0xc5: {  	s30 =	sld [smem:$0x0];
	_ =	sdelay $0x2  }
0xc6: {  	s31 =	sshll.u32 s1, $0xD;
	s1 =	sshrl.u32 s1, $0x2  }
0xc7: {  	s4 =	sand.u32 $0x4000, s31;
	s1 =	sadd.s32 s1, s30  }
0xc8: {  	s0 =	sor.u32 s4, s0;
	s1 =	sshll.u32 s1, $0x11  }
0xc9: {  	s0 =	sor.u32 s1, s0  }
0xca: {  	s0 =	sadd.s32 $0x8F2B, s0  }
0xcb: {  	[sflag:s0] =	ssyncadd.remote.s32 $0x1  }
0xcc: {  	_ =	sfence.sel $0xFFFF  }
0xcd: {  	[dreg:$0x0] =	wrdreg $0xFFFFFFFF;
	(pc) =	sbr.abs _section_cstart, $3  }
0xce: {  	[dreg:$0x1] =	wrdreg $0xFFFFFFFF  }
0xcf: {  	_ =	task.clear_ibuf [dreg:s22], $0x2FFFF;
	_ =	strace $0x9FFFFFFF  }
0xd0: {  	(tm) =	ssettm $0x7FFFFFFF  }
0xd1: {  	_ =	shalt  }
tec
execute0_lowered:
.L_overlay_start_1:
0x0: {  	(tag) =	ssettag $0x1  }
0x1: {  	s7 =	rddreg [dreg:$0x0]  }
0x2: {  	s0 =	rddreg [dreg:$0x1];
	_ =	strace $0x8000004D  }
0x3: {  	s1 =	srdreg.scid;
	s4 =	simm.s32 $0x1;
	s9 =	simm.s32 $0x3  }
0x4: {  	s12 =	simm.s32 $0x0;
	s10 =	simm.s32 $0x0;
	s5 =	sshll.u32 s1, $0x4  }
.Ltmp0:
0x5: {  	s1 =	stileid.u32;
	s5 =	sand.u32 $0x10, s5;
	(pc) =	sbr.rel .LBB2_1-.Ltmp0, $4  }
0x6: {  	s2 =	sadd.s32 $0x33000, s7;
	s3 =	sadd.s32 $0xA00, s7;
	s6 =	sor.u32 s1, s5  }
0x7: {  	[sflag:s4] =	ssyncpa.u1 $0x0;
	s5 =	simm.s32 $0x2;
	s6 =	sshll.u32 s6, $0x6  }
0x8: {  	s7 =	sadd.s32 $0x43000, s7;
	[sflag:s5] =	ssyncpa.u1 $0x0;
	s8 =	sadd.s32 $0x40, s6  }
0x9: {  	vm0 =	vmmov $0xff;
	vm1 =	vcmask $0x3F20;
	[sflag:s9] =	ssyncpa.u1 $0x0;
	s9 =	simm.s32 $0x40;
	s11 =	smov.u32 s6  }
.LBB2_9:
0xa: {  	p0 =	seq.s32 s10, $0x2  }
.Ltmp1:
0xb: {  	_ = 	snop;
	(pc) =	sbr.rel @p0 .LBB2_11-.Ltmp1, $1  }
0xc: {  	_ =	sdelay $0x3  }
.LBB2_10:
0xd: {  	s12 =	sadd.s32 $0x40, s11  }
0xe: {  	s13 =	smov.u32 s6;
	p0 =	slt.s32 s12, s8  }
0xf: {  	s13 =	smov.u32 @p0 s12  }
0x10: {  	s10 =	sadd.s32 $0x1, s10;
	s12 =	smov.u32 s11;
	s11 =	smov.u32 s13  }
.LBB2_1:
0x11: {  	p0 =	sne.s32 s10, $0x0  }
.Ltmp2:
0x12: {  	_ = 	snop;
	(pc) =	sbr.rel @!p0 .LBB2_2-.Ltmp2, $1  }
0x13: {  	_ =	sdelay $0x3  }
0x14: {  	s13 =	sand.u32 $0x1, s10  }
0x15: {  	p0 =	seq.s32 s13, $0x0  }
.Ltmp3:
0x16: {  	_ = 	snop;
	(pc) =	sbr.rel @p0 .LBB2_9-.Ltmp3, $1  }
0x17: {  	_ =	sdelay $0x3  }
0x18: {  	_ =	swait.ge [sflag:s5], $0x40  }
0x19: {  	[sflag:s5] =	ssyncset.done $0x0  }
0x1a: {  	s13 =	simm.s32 $0x0;
	[sflag:s5] =	ssyncadd.s32 $0xFFFFFFC0  }
0x1b: {  	v0 =	vld.msk [tilespmem:s13+$0x40 ss:$0x1], $0xffff;
	_ =	sdelay $0x4  }
0x1c: {  	vm2 =	vgt.s32 v0, $0x0  }
0x1d: {  	v0 =	vnsel vm2, $0x0, v0  }
0x1e: {  	v0 =	vmin.u32 v0, $0xFFF  }
0x1f: {  	v0 =	vshll.u32 v0, $0x4;
	_ =	sdelay $0x3  }
0x20: {  	s13 =	simm.s32 $0x2080  }
0x21: {  	[tilespmem:s13], [sflag:$0x1] =	stream.indirect_vreg.gather [hbm:s2], $0x80, v0, vm0, $0x38;
	[tilespmem:$0x4080] =	vst v63  }
0x22: {  	s14 =	simm.s32 $0x2480;
	s31 =	simm.s32 $0x10  }
0x23: {  	[tilespmem:s14], [sflag:$0x1] =	stream.indirect_vreg.gather [hbm:s2], $0x80, v0, vm1, $0x38;
	[tilespmem:$0x4080] =	vst v63  }
0x24: {  	s14 =	simm.s32 $0x80;
	v0 =	vld.msk [tilespmem:s31+$0x40 ss:$0x1], $0xffff  }
.LBB2_5:
0x25: {  	p0 =	sne.s32 s14, $0xC0;
	_ =	sdelay $0x4  }
0x26: {  	vm2 =	vgt.s32 v0, $0x0  }
0x27: {  	v0 =	vnsel vm2, $0x0, v0  }
0x28: {  	v0 =	vmin.u32 v0, $0xFFF  }
0x29: {  	v0 =	vshll.u32 v0, $0x4;
	_ =	sdelay $0x3  }
.Ltmp4:
0x2a: {  	s13 =	sadd.s32 $0x800, s13;
	(pc) =	sbr.rel @p0 .LBB2_5-.Ltmp4, $4  }
0x2b: {  	[tilespmem:s13], [sflag:$0x1] =	stream.indirect_vreg.gather [hbm:s2], $0x80, v0, vm0, $0x38;
	[tilespmem:$0x4080] =	vst v63  }
0x2c: {  	s15 =	sshra.s32 s14, $0x2;
	s16 =	sadd.s32 $0x400, s13  }
0x2d: {  	[tilespmem:s16], [sflag:$0x1] =	stream.indirect_vreg.gather [hbm:s2], $0x80, v0, vm1, $0x38;
	[tilespmem:$0x4080] =	vst v63  }
0x2e: {  	s14 =	sadd.s32 $0x40, s14;
	v0 =	vld.msk [tilespmem:s15+$0x40 ss:$0x1], $0xffff  }
0x2f: {  	_ =	sdelay $0x3  }
0x30: {  	vm2 =	vgt.s32 v0, $0x0  }
0x31: {  	v0 =	vnsel vm2, $0x0, v0  }
0x32: {  	v0 =	vmin.u32 v0, $0xFFF  }
0x33: {  	v0 =	vshll.u32 v0, $0x4;
	_ =	sdelay $0x3  }
0x34: {  	s13 =	sadd.s32 $0x800, s13  }
0x35: {  	[tilespmem:s13], [sflag:$0x1] =	stream.indirect_vreg.gather [hbm:s2], $0x80, v0, vm0, $0x38;
	[tilespmem:$0x4080] =	vst v63  }
0x36: {  	s13 =	sadd.s32 $0x400, s13  }
0x37: {  	[tilespmem:s13], [sflag:$0x1] =	stream.indirect_vreg.gather [hbm:s2], $0x80, v0, vm1, $0x38;
	[tilespmem:$0x4080] =	vst v63  }
0x38: {  	s12 =	sshll.u32 s12, $0x4;
	s14 =	simm.s32 $0x80;
	_ =	swait.ge [sflag:s4], $0x2000  }
0x39: {  	s15 =	simm.s32 $0x2480;
	s12 =	sadd.s32 s12, s7;
	[sflag:s4] =	ssyncset.done $0x0  }
0x3a: {  	s16 =	sadd.s32 $0x0, s12;
	s13 =	simm.s32 $0x2080;
	[sflag:s4] =	ssyncadd.s32 $0xFFFFE000  }
.LBB2_7:
0x3b: {  	[hbm:s16] =	stream.linear.scatter [tilespmem:s13], [sflag:$0x3], $0x400, $0x38;
	[tilespmem:$0x4080] =	vst v63  }
0x3c: {  	s16 =	smov.u32 s14;
	s13 =	smov.u32 s15;
	p0 =	sne.s32 s14, $0x380  }
.Ltmp5:
0x3d: {  	s14 =	sadd.s32 $0x80, s14;
	(pc) =	sbr.rel @p0 .LBB2_7-.Ltmp5, $2  }
0x3e: {  	_ =	sdelay $0x2  }
0x3f: {  	s15 =	sadd.s32 $0x400, s15;
	s16 =	sadd.s32 s16, s12  }
.Ltmp6:
0x40: {  	(pc) =	sbr.rel .LBB2_9-.Ltmp6, $2  }
0x41: {  	_ =	sdelay $0x2  }
0x42: {  	[hbm:s16] =	stream.linear.scatter [tilespmem:s13], [sflag:$0x3], $0x400, $0x38;
	[tilespmem:$0x4080] =	vst v63  }
.LBB2_2:
.Ltmp7:
0x43: {  	(pc) =	sbr.rel .LBB2_10-.Ltmp7, $4  }
0x44: {  	_ = 	snop  }
0x45: {  	s12 =	sshrl.u32 s11, $0x3  }
0x46: {  	s13 =	sand.u32 $0x7, s11;
	s12 =	sadd.s32 s3, s12  }
0x47: {  	[tilespmem:s9], [sflag:$0x2] =	stream.linear.gather [hbm4b:s12+s13], $0x40, $0x38;
	[tilespmem:$0x4080] =	vst v63  }
.LBB2_11:
0x48: {  	s2 =	simm.s32 $0x3  }
0x49: {  	_ =	swait.ge [sflag:s2], $0x2000  }
0x4a: {  	[sflag:s2] =	ssyncset.done $0x0  }
0x4b: {  	[sflag:s2] =	ssyncadd.s32 $0xFFFFE000  }
0x4c: {  	_ =	sfence.sel $0x180000  }
0x4d: {  	s3 =	simm.s32 $0x2;
	[bflag:$0x0] =	sbarrier.arrive $0xFFFF  }
0x4e: {  	[sflag:s3] =	ssyncpa.u1 $0x1  }
0x4f: {  	s31 =	simm.s32 $0x1;
	[sflag:s2] =	ssyncpa.u1 $0x1  }
0x50: {  	[sflag:s31] =	ssyncpa.u1 $0x1  }
0x51: {  	p0 =	sne.s32 s1, $0x0;
	_ =	strace $0x9000004D  }
0x52: {  	s0 =	sadd.s32 @!p0 $0x100000, s0;
	[bflag:$0x2] =	sbarrier.arrive $0xFFFF  }
0x53: {  	[sflag:s0] =	ssyncadd.tile.s32 @!p0 $0x1;
	_ =	shalt  }
.Lfunc_end2:
_tile_overlayer_lowered:
.L_overlay_start_2:
0x54: {  	(tag) =	ssettag $0x2  }
0x55: {  	s0 =	rddreg [dreg:$0x0];
	s2 =	stileid.u32  }
0x56: {  	s1 =	rddreg [dreg:$0x1];
	p0 =	sne.s32 s2, $0x0  }
0x57: {  	s3 =	rddreg [dreg:$0x2];
	[bflag:$0x3] =	sbarrier.arrive $0xFFFF;
	s2 =	simm.s32 @!p0 $0x1C01  }
0x58: {  	[timem:s3], [sflag:s2] =	dma.local @!p0 [hbm:s0], s1  }
0x59: {  	s0 =	simm.s32 @!p0 $0x1  }
0x5a: {  	_ =	swait.ge @!p0 [sflag:s0], s1  }
0x5b: {  	s1 =	ssub.s32 @!p0 $0x0, s1;
	[sflag:s0] =	ssyncset.done @!p0 $0x0  }
0x5c: {  	[sflag:s0] =	ssyncadd.s32 @!p0 s1  }
0x5d: {  	[bflag:$0x3] =	sbarrier.arrive $0xFFFF  }
0x5e: {  	_ =	shalt  }

// kernel: gather_offload_async_start.6
scs
__scs_entry_jumppad:
0x0: {  	(pc) =	sbr.rel $0x88, $3  }
0x1: {  	(tag) =	ssettag $0x0;
	lr =	simm.s32 $0x1  }
0x2: {  	[smem:$0x3F91] =	sst lr;
	_ =	strace $0xD0000000  }
0x3: {  	_ = 	snop  }
0x4: {  	_ = 	snop  }
0x5: {  	_ = 	snop  }
0x6: {  	_ = 	snop  }
0x7: {  	_ = 	snop  }
__scs_overlays_trampoline_lowered:
0x8: {  	[smem:$0x3FA0] =	sst s0  }
0x9: {  	[smem:$0x3FA1] =	sst s1  }
0xa: {  	[smem:$0x3FA2] =	sst s2  }
0xb: {  	[smem:$0x3FA3] =	sst s3  }
0xc: {  	[smem:$0x3FA4] =	sst s4  }
0xd: {  	[smem:$0x3FA5] =	sst s5  }
0xe: {  	[smem:$0x3FA6] =	sst s6  }
0xf: {  	[smem:$0x3FA7] =	sst s7  }
0x10: {  	[smem:$0x3FA8] =	sst s8  }
0x11: {  	[smem:$0x3FA9] =	sst s9;
	s0 =	simm.s32 @!p0 $0x0  }
0x12: {  	s1 =	sld [smem:$0x3F8F];
	s0 =	simm.s32 @p0 $0x1  }
0x13: {  	[smem:$0x3FAA] =	sst s0;
	s0 =	simm.s32 @!p1 $0x0  }
0x14: {  	s2 =	sld [smem:$0x3F8E];
	s0 =	simm.s32 @p1 $0x1  }
0x15: {  	[smem:$0x3FAB] =	sst s0;
	s0 =	simm.s32 @!p2 $0x0  }
0x16: {  	s3 =	sld [smem:$0x3FDB];
	s0 =	simm.s32 @p2 $0x1  }
0x17: {  	s4 =	simm.s32 $0x1BF5;
	[smem:$0x3FAD] =	sst s0  }
0x18: {  	s0 =	sld [smem:$0x3F90];
	_ =	swait.ge [sflag:s4], $0x0  }
0x19: {  	s7 =	sld [smem:$0x3F91]  }
0x1a: {  	s8 =	sadd.s32 $0xFFFFE003, lr  }
0x1b: {  	s9 =	sadd.s32 $0xFFFFFEF7, lr;
	s5 =	simm.s32 $0xFFFFFFFF;
	p2 =	slt.u32 s8, $0xFFFFF086  }
0x1c: {  	p1 =	slt.u32 s9, $0xF7A;
	s5 =	simm.s32 @!p2 $0x0  }
0x1d: {  	s5 =	simm.s32 @p1 $0x1;
	p0 =	seq.s32 s7, s2  }
0x1e: {  	s7 =	smul.u32 @!p0 $0xF7A, s2;
	p2 =	seq.s32 @!p0 s5, $0x0  }
0x1f: {  	s9 =	smul.u32 $0xF7A, s1;
	s8 =	simm.s32 @!p0 $0x1BF5;
	p2 =	por !p2, p0  }
0x20: {  	[sflag:s8] =	ssyncset.s32 @!p0 $0xFFFFF086;
	s6 =	sadd.s32 @!p0 s3, s7;
	s7 =	simm.s32 @!p0 $0x108  }
0x21: {  	s3 =	sadd.s32 s3, s9;
	s6 =	sadd.s32 @!p0 $0x88, s6;
	s7 =	simm.s32 @p2 $0x1082  }
0x22: {  	[simem:s7], [sflag:s8] =	dma.local @!p0 [hbm:s6], $0xF7A  }
0x23: {  	s9 =	sor.u32 $0xD0000000, s2;
	s6 =	simm.s32 $0x108;
	_ =	swait.ge @!p0 [sflag:s8], $0x0  }
0x24: {  	s3 =	sadd.s32 $0x88, s3;
	s6 =	simm.s32 @!p1 $0x1082;
	[sflag:s4] =	ssyncset.s32 $0xFFFFF086  }
0x25: {  	[simem:s6], [sflag:s4] =	dma.local [hbm:s3], $0xF7A  }
0x26: {  	[smem:$0x3F91] =	sst s1;
	(tag) =	ssettag s2;
	_ =	strace s9  }
0x27: {  	s1 =	sld [smem:$0x3FA1]  }
0x28: {  	s2 =	sld [smem:$0x3FA2]  }
0x29: {  	s4 =	sld [smem:$0x3FA4]  }
0x2a: {  	p0 =	seq.s32 s5, $0x0;
	s5 =	sld [smem:$0x3FA5]  }
0x2b: {  	s6 =	sld [smem:$0x3FA6]  }
0x2c: {  	s7 =	sld [smem:$0x3FA7]  }
0x2d: {  	s3 =	simm.s32 $0x108;
	s8 =	sld [smem:$0x3FA8]  }
0x2e: {  	s3 =	simm.s32 @!p0 $0x1082;
	s9 =	sld [smem:$0x3FA9]  }
0x2f: {  	lr =	sadd.s32 s0, s3;
	s0 =	sld [smem:$0x3FA0]  }
0x30: {  	s3 =	sld [smem:$0x3FA3]  }
0x31: {  	[smem:$0x3FAC] =	sst s10  }
0x32: {  	s10 =	sld [smem:$0x3FAA];
	_ =	sdelay $0x3  }
0x33: {  	p0 =	seq.s32 s10, $0x1;
	s10 =	sld [smem:$0x3FAC];
	_ =	sdelay $0x3  }
0x34: {  	[smem:$0x3FAC] =	sst s10  }
0x35: {  	s10 =	sld [smem:$0x3FAB];
	_ =	sdelay $0x3  }
0x36: {  	p1 =	seq.s32 s10, $0x1;
	s10 =	sld [smem:$0x3FAC];
	_ =	sdelay $0x3  }
0x37: {  	[smem:$0x3FAC] =	sst s10  }
0x38: {  	s10 =	sld [smem:$0x3FAD]  }
0x39: {  	_ = 	snop;
	(pc) =	sbr.ind lr, $3  }
0x3a: {  	_ = 	snop  }
0x3b: {  	_ = 	snop  }
0x3c: {  	p2 =	seq.s32 s10, $0x1;
	s10 =	sld [smem:$0x3FAC]  }
0x3d: {  	_ =	shalt  }
0x3e: {  	_ =	shalt  }
0x3f: {  	_ =	shalt  }
0x40: {  	_ =	shalt  }
0x41: {  	_ =	shalt  }
0x42: {  	_ =	shalt  }
0x43: {  	_ =	shalt  }
0x44: {  	_ =	shalt  }
0x45: {  	_ =	shalt  }
0x46: {  	_ =	shalt  }
0x47: {  	_ =	shalt  }
0x48: {  	_ =	shalt  }
0x49: {  	_ =	shalt  }
0x4a: {  	_ =	shalt  }
0x4b: {  	_ =	shalt  }
0x4c: {  	_ =	shalt  }
0x4d: {  	_ =	shalt  }
0x4e: {  	_ =	shalt  }
0x4f: {  	_ =	shalt  }
0x50: {  	_ =	shalt  }
0x51: {  	_ =	shalt  }
0x52: {  	_ =	shalt  }
0x53: {  	_ =	shalt  }
0x54: {  	_ =	shalt  }
0x55: {  	_ =	shalt  }
0x56: {  	_ =	shalt  }
0x57: {  	_ =	shalt  }
0x58: {  	_ =	shalt  }
0x59: {  	_ =	shalt  }
0x5a: {  	_ =	shalt  }
0x5b: {  	_ =	shalt  }
0x5c: {  	_ =	shalt  }
0x5d: {  	_ =	shalt  }
0x5e: {  	_ =	shalt  }
0x5f: {  	_ =	shalt  }
0x60: {  	_ =	shalt  }
0x61: {  	_ =	shalt  }
0x62: {  	_ =	shalt  }
0x63: {  	_ =	shalt  }
0x64: {  	_ =	shalt  }
0x65: {  	_ =	shalt  }
0x66: {  	_ =	shalt  }
0x67: {  	_ =	shalt  }
0x68: {  	_ =	shalt  }
0x69: {  	_ =	shalt  }
0x6a: {  	_ =	shalt  }
0x6b: {  	_ =	shalt  }
0x6c: {  	_ =	shalt  }
0x6d: {  	_ =	shalt  }
0x6e: {  	_ =	shalt  }
0x6f: {  	_ =	shalt  }
0x70: {  	_ =	shalt  }
0x71: {  	_ =	shalt  }
0x72: {  	_ =	shalt  }
0x73: {  	_ =	shalt  }
0x74: {  	_ =	shalt  }
0x75: {  	_ =	shalt  }
0x76: {  	_ =	shalt  }
0x77: {  	_ =	shalt  }
0x78: {  	_ =	shalt  }
0x79: {  	_ =	shalt  }
0x7a: {  	_ =	shalt  }
0x7b: {  	_ =	shalt  }
0x7c: {  	_ =	shalt  }
0x7d: {  	_ =	shalt  }
0x7e: {  	_ =	shalt  }
0x7f: {  	_ =	shalt  }
0x80: {  	_ =	shalt  }
0x81: {  	_ =	shalt  }
0x82: {  	_ =	shalt  }
0x83: {  	_ =	shalt  }
0x84: {  	_ =	shalt  }
0x85: {  	_ =	shalt  }
0x86: {  	_ =	shalt  }
0x87: {  	_ =	shalt  }
.Lfunc_end0:
.L_simem_size_0:
called_computation.6_lowered:
.L_overlay_start_0:
0x88: {  	s2 =	sld [smem:$0x3FD9]  }
0x89: {  	s3 =	sld [smem:$0x3FFE];
	_ =	sdelay $0x1  }
0x8a: {  	s1 =	srdreg.scid  }
0x8b: {  	s0 =	sand.u32 $0x1, s1  }
0x8c: {  	s17 =	sshll.u32 s0, $0xA;
	s2 =	sadd.s32 s3, s2  }
0x8d: {  	s2 =	sadd.s32 s2, s17  }
0x8e: {  	[smem:$0x3FB8] =	sst s2  }
0x8f: {  	_ = 	snop  }
0x90: {  	(tm) =	ssettm $0x1  }
0x91: {  	s18 =	sld [smem:$0x3FFB];
	_ =	sdelay $0x3  }
0x92: {  	_ =	strace s18  }
0x93: {  	s2 =	sld [smem:$0x3FFC];
	_ =	sdelay $0x3  }
0x94: {  	_ =	strace s2  }
0x95: {  	s2 =	sld [smem:$0x3FFD];
	_ =	sdelay $0x3  }
0x96: {  	_ =	strace s2  }
0x97: {  	_ =	strace $0x8FFFFFFF  }
0x98: {  	s19 =	sld [smem:$0x3FDB];
	_ =	sdelay $0x1  }
0x99: {  	s20 =	simm.s32 $_scs_section_size  }
0x9a: {  	s4 =	simm.s32 $_size__tile_overlayer_lowered;
	s5 =	simm.s32 $_tile_overlayer_lowered  }
0x9b: {  	s6 =	simm.s32 $0x1BFF;
	s21 =	sshll.u32 s5, $0x1;
	s3 =	sadd.s32 s20, s19  }
0x9c: {  	s22 =	simm.s32 $0x0;
	s4 =	sshll.u32 s4, $0x1;
	s5 =	sadd.s32 s21, s3  }
0x9d: {  	[timem:s22], [sflag:s6] =	dma.local [hbm:s5], s4  }
0x9e: {  	_ =	swait.ge [sflag:s6], s4  }
0x9f: {  	s4 =	ssub.s32 $0x0, s4;
	[sflag:s6] =	ssyncset.done $0x0  }
0xa0: {  	[sflag:s6] =	ssyncadd.s32 s4;
	_ =	sdelay $0x1  }
0xa1: {  	s23 =	simm.s32 $0x1B8B  }
0xa2: {  	_ =	swait.ge [sflag:s23], $0x1  }
0xa3: {  	[sflag:s23] =	ssyncset.done $0x0  }
0xa4: {  	[sflag:s23] =	ssyncadd.s32 $0xFFFFFFFF  }
0xa5: {  	s4 =	sld [smem:$0x0]  }
0xa6: {  	s5 =	sand.u32 $0xFFFFFFFE, s1  }
0xa7: {  	p0 =	sne.s32 s1, s5  }
0xa8: {  	s5 =	sshll.u32 @p0 s5, $0xE  }
0xa9: {  	s5 =	sadd.s32 @p0 $0x11B8D, s5;
	s6 =	sshll.u32 @p0 s4, $0x11  }
0xaa: {  	s5 =	sor.u32 @p0 s6, s5  }
0xab: {  	[sflag:s5] =	ssyncadd.remote.s32 @p0 $0x1;
	_ =	sdelay $0x1  }
0xac: {  	s5 =	simm.s32 @p0 $0x1B8D  }
0xad: {  	_ =	swait.eq @p0 [sflag:s5], $0x1  }
0xae: {  	[sflag:s5] =	ssyncadd.s32 @p0 $0xFFFFFFFF  }
0xaf: {  	s6 =	sshll.u32 @!p0 s1, $0xE  }
0xb0: {  	s6 =	sor.u32 @!p0 $0x4000, s6;
	s5 =	simm.s32 @!p0 $0x1B8D  }
0xb1: {  	s4 =	sshll.u32 @!p0 s4, $0x11;
	s6 =	sadd.s32 @!p0 $0x11B8D, s6;
	_ =	swait.eq @!p0 [sflag:s5], $0x1  }
0xb2: {  	s4 =	sor.u32 @!p0 s4, s6;
	[sflag:s5] =	ssyncadd.s32 @!p0 $0xFFFFFFFF  }
0xb3: {  	s25 =	simm.s32 $0x1B8E;
	s24 =	sld [smem:$0x3FFE];
	[sflag:s4] =	ssyncadd.remote.s32 @!p0 $0x1  }
0xb4: {  	s26 =	simm.s32 $execute0_lowered;
	[smem:$0x3FD2] =	sst s25  }
0xb5: {  	s5 =	sshll.u32 s26, $0x1;
	_ =	strace $0x8000005B;
	[dreg:$0x1] =	wrdreg $0xFFFFFFFF  }
0xb6: {  	s28 =	simm.s32 $_size_execute0_lowered;
	s3 =	sadd.s32 s3, s5;
	[dreg:$0x0] =	wrdreg $0x0  }
0xb7: {  	s5 =	sshll.u32 s28, $0x1;
	[dreg:$0x2] =	wrdreg s3  }
0xb8: {  	[dreg:$0x3] =	wrdreg s5  }
0xb9: {  	[dreg:$0x4] =	wrdreg $0xC0  }
0xba: {  	_ =	task [dreg:s22], $0x5FFFF  }
0xbb: {  	[dreg:$0x1] =	wrdreg $0xFFFFFFFF  }
0xbc: {  	[dreg:$0x0] =	wrdreg $0x60  }
0xbd: {  	[dreg:$0x2] =	wrdreg s24  }
0xbe: {  	[dreg:$0x3] =	wrdreg $0xB  }
0xbf: {  	_ =	task.clear_ibuf [dreg:s22], $0x4FFFF;
	_ =	strace $0x9000005B  }
0xc0: {  	s29 =	simm.s32 $0xB;
	_ =	strace $0x8000005D  }
0xc1: {  	_ =	swait.ge [sflag:s29], $0x1  }
0xc2: {  	[sflag:s29] =	ssyncadd.s32 $0xFFFFFFFF  }
0xc3: {  	_ =	strace $0x9000005D  }
0xc4: {  	_ =	sfence  }
0xc5: {  	s30 =	sld [smem:$0x0];
	_ =	sdelay $0x2  }
0xc6: {  	s31 =	sshll.u32 s1, $0xD;
	s1 =	sshrl.u32 s1, $0x2  }
0xc7: {  	s4 =	sand.u32 $0x4000, s31;
	s1 =	sadd.s32 s1, s30  }
0xc8: {  	s0 =	sor.u32 s4, s0;
	s1 =	sshll.u32 s1, $0x11  }
0xc9: {  	s0 =	sor.u32 s1, s0  }
0xca: {  	s0 =	sadd.s32 $0x8F2B, s0  }
0xcb: {  	[sflag:s0] =	ssyncadd.remote.s32 $0x1  }
0xcc: {  	_ =	sfence.sel $0xFFFF  }
0xcd: {  	[dreg:$0x0] =	wrdreg $0xFFFFFFFF;
	(pc) =	sbr.abs _section_cstart, $3  }
0xce: {  	[dreg:$0x1] =	wrdreg $0xFFFFFFFF  }
0xcf: {  	_ =	task.clear_ibuf [dreg:s22], $0x2FFFF;
	_ =	strace $0x9FFFFFFF  }
0xd0: {  	(tm) =	ssettm $0x7FFFFFFF  }
0xd1: {  	_ =	shalt  }
tec
execute0_lowered:
.L_overlay_start_1:
0x0: {  	(tag) =	ssettag $0x1  }
0x1: {  	s7 =	rddreg [dreg:$0x0]  }
0x2: {  	s0 =	rddreg [dreg:$0x1];
	_ =	strace $0x8000005C  }
0x3: {  	s1 =	srdreg.scid;
	s4 =	simm.s32 $0x1;
	s9 =	simm.s32 $0x3  }
0x4: {  	s12 =	simm.s32 $0x0;
	s10 =	simm.s32 $0x0;
	s5 =	sshll.u32 s1, $0x4  }
.Ltmp0:
0x5: {  	s1 =	stileid.u32;
	s5 =	sand.u32 $0x10, s5;
	(pc) =	sbr.rel .LBB2_1-.Ltmp0, $4  }
0x6: {  	s2 =	sadd.s32 $0x8B200, s7;
	s3 =	sadd.s32 $0xC00, s7;
	s6 =	sor.u32 s1, s5  }
0x7: {  	[sflag:s4] =	ssyncpa.u1 $0x0;
	s5 =	simm.s32 $0x2;
	s6 =	sshll.u32 s6, $0x6  }
0x8: {  	s7 =	sadd.s32 $0xAE00, s7;
	[sflag:s5] =	ssyncpa.u1 $0x0;
	s8 =	sadd.s32 $0x40, s6  }
0x9: {  	vm0 =	vmmov $0xff;
	vm1 =	vcmask $0x3F20;
	[sflag:s9] =	ssyncpa.u1 $0x0;
	s9 =	simm.s32 $0x40;
	s11 =	smov.u32 s6  }
.LBB2_9:
0xa: {  	p0 =	seq.s32 s10, $0x2  }
.Ltmp1:
0xb: {  	_ = 	snop;
	(pc) =	sbr.rel @p0 .LBB2_11-.Ltmp1, $1  }
0xc: {  	_ =	sdelay $0x3  }
.LBB2_10:
0xd: {  	s12 =	sadd.s32 $0x40, s11  }
0xe: {  	s13 =	smov.u32 s6;
	p0 =	slt.s32 s12, s8  }
0xf: {  	s13 =	smov.u32 @p0 s12  }
0x10: {  	s10 =	sadd.s32 $0x1, s10;
	s12 =	smov.u32 s11;
	s11 =	smov.u32 s13  }
.LBB2_1:
0x11: {  	p0 =	sne.s32 s10, $0x0  }
.Ltmp2:
0x12: {  	_ = 	snop;
	(pc) =	sbr.rel @!p0 .LBB2_2-.Ltmp2, $1  }
0x13: {  	_ =	sdelay $0x3  }
0x14: {  	s13 =	sand.u32 $0x1, s10  }
0x15: {  	p0 =	seq.s32 s13, $0x0  }
.Ltmp3:
0x16: {  	_ = 	snop;
	(pc) =	sbr.rel @p0 .LBB2_9-.Ltmp3, $1  }
0x17: {  	_ =	sdelay $0x3  }
0x18: {  	_ =	swait.ge [sflag:s5], $0x40  }
0x19: {  	[sflag:s5] =	ssyncset.done $0x0  }
0x1a: {  	s13 =	simm.s32 $0x0;
	[sflag:s5] =	ssyncadd.s32 $0xFFFFFFC0  }
0x1b: {  	v0 =	vld.msk [tilespmem:s13+$0x40 ss:$0x1], $0xffff;
	_ =	sdelay $0x4  }
0x1c: {  	vm2 =	vgt.s32 v0, $0x0  }
0x1d: {  	v0 =	vnsel vm2, $0x0, v0  }
0x1e: {  	v0 =	vmin.u32 v0, $0xFFF  }
0x1f: {  	v0 =	vshll.u32 v0, $0x4;
	_ =	sdelay $0x3  }
0x20: {  	s13 =	simm.s32 $0x2080  }
0x21: {  	[tilespmem:s13], [sflag:$0x1] =	stream.indirect_vreg.gather [hbm:s2], $0x80, v0, vm0, $0x38;
	[tilespmem:$0x4080] =	vst v63  }
0x22: {  	s14 =	simm.s32 $0x2480;
	s31 =	simm.s32 $0x10  }
0x23: {  	[tilespmem:s14], [sflag:$0x1] =	stream.indirect_vreg.gather [hbm:s2], $0x80, v0, vm1, $0x38;
	[tilespmem:$0x4080] =	vst v63  }
0x24: {  	s14 =	simm.s32 $0x80;
	v0 =	vld.msk [tilespmem:s31+$0x40 ss:$0x1], $0xffff  }
.LBB2_5:
0x25: {  	p0 =	sne.s32 s14, $0xC0;
	_ =	sdelay $0x4  }
0x26: {  	vm2 =	vgt.s32 v0, $0x0  }
0x27: {  	v0 =	vnsel vm2, $0x0, v0  }
0x28: {  	v0 =	vmin.u32 v0, $0xFFF  }
0x29: {  	v0 =	vshll.u32 v0, $0x4;
	_ =	sdelay $0x3  }
.Ltmp4:
0x2a: {  	s13 =	sadd.s32 $0x800, s13;
	(pc) =	sbr.rel @p0 .LBB2_5-.Ltmp4, $4  }
0x2b: {  	[tilespmem:s13], [sflag:$0x1] =	stream.indirect_vreg.gather [hbm:s2], $0x80, v0, vm0, $0x38;
	[tilespmem:$0x4080] =	vst v63  }
0x2c: {  	s15 =	sshra.s32 s14, $0x2;
	s16 =	sadd.s32 $0x400, s13  }
0x2d: {  	[tilespmem:s16], [sflag:$0x1] =	stream.indirect_vreg.gather [hbm:s2], $0x80, v0, vm1, $0x38;
	[tilespmem:$0x4080] =	vst v63  }
0x2e: {  	s14 =	sadd.s32 $0x40, s14;
	v0 =	vld.msk [tilespmem:s15+$0x40 ss:$0x1], $0xffff  }
0x2f: {  	_ =	sdelay $0x3  }
0x30: {  	vm2 =	vgt.s32 v0, $0x0  }
0x31: {  	v0 =	vnsel vm2, $0x0, v0  }
0x32: {  	v0 =	vmin.u32 v0, $0xFFF  }
0x33: {  	v0 =	vshll.u32 v0, $0x4;
	_ =	sdelay $0x3  }
0x34: {  	s13 =	sadd.s32 $0x800, s13  }
0x35: {  	[tilespmem:s13], [sflag:$0x1] =	stream.indirect_vreg.gather [hbm:s2], $0x80, v0, vm0, $0x38;
	[tilespmem:$0x4080] =	vst v63  }
0x36: {  	s13 =	sadd.s32 $0x400, s13  }
0x37: {  	[tilespmem:s13], [sflag:$0x1] =	stream.indirect_vreg.gather [hbm:s2], $0x80, v0, vm1, $0x38;
	[tilespmem:$0x4080] =	vst v63  }
0x38: {  	s12 =	sshll.u32 s12, $0x4;
	s14 =	simm.s32 $0x80;
	_ =	swait.ge [sflag:s4], $0x2000  }
0x39: {  	s15 =	simm.s32 $0x2480;
	s12 =	sadd.s32 s12, s7;
	[sflag:s4] =	ssyncset.done $0x0  }
0x3a: {  	s16 =	sadd.s32 $0x0, s12;
	s13 =	simm.s32 $0x2080;
	[sflag:s4] =	ssyncadd.s32 $0xFFFFE000  }
.LBB2_7:
0x3b: {  	[hbm:s16] =	stream.linear.scatter [tilespmem:s13], [sflag:$0x3], $0x400, $0x38;
	[tilespmem:$0x4080] =	vst v63  }
0x3c: {  	s16 =	smov.u32 s14;
	s13 =	smov.u32 s15;
	p0 =	sne.s32 s14, $0x380  }
.Ltmp5:
0x3d: {  	s14 =	sadd.s32 $0x80, s14;
	(pc) =	sbr.rel @p0 .LBB2_7-.Ltmp5, $2  }
0x3e: {  	_ =	sdelay $0x2  }
0x3f: {  	s15 =	sadd.s32 $0x400, s15;
	s16 =	sadd.s32 s16, s12  }
.Ltmp6:
0x40: {  	(pc) =	sbr.rel .LBB2_9-.Ltmp6, $2  }
0x41: {  	_ =	sdelay $0x2  }
0x42: {  	[hbm:s16] =	stream.linear.scatter [tilespmem:s13], [sflag:$0x3], $0x400, $0x38;
	[tilespmem:$0x4080] =	vst v63  }
.LBB2_2:
.Ltmp7:
0x43: {  	(pc) =	sbr.rel .LBB2_10-.Ltmp7, $4  }
0x44: {  	_ = 	snop  }
0x45: {  	s12 =	sshrl.u32 s11, $0x3  }
0x46: {  	s13 =	sand.u32 $0x7, s11;
	s12 =	sadd.s32 s3, s12  }
0x47: {  	[tilespmem:s9], [sflag:$0x2] =	stream.linear.gather [hbm4b:s12+s13], $0x40, $0x38;
	[tilespmem:$0x4080] =	vst v63  }
.LBB2_11:
0x48: {  	s2 =	simm.s32 $0x3  }
0x49: {  	_ =	swait.ge [sflag:s2], $0x2000  }
0x4a: {  	[sflag:s2] =	ssyncset.done $0x0  }
0x4b: {  	[sflag:s2] =	ssyncadd.s32 $0xFFFFE000  }
0x4c: {  	_ =	sfence.sel $0x180000  }
0x4d: {  	s3 =	simm.s32 $0x2;
	[bflag:$0x0] =	sbarrier.arrive $0xFFFF  }
0x4e: {  	[sflag:s3] =	ssyncpa.u1 $0x1  }
0x4f: {  	s31 =	simm.s32 $0x1;
	[sflag:s2] =	ssyncpa.u1 $0x1  }
0x50: {  	[sflag:s31] =	ssyncpa.u1 $0x1  }
0x51: {  	p0 =	sne.s32 s1, $0x0;
	_ =	strace $0x9000005C  }
0x52: {  	s0 =	sadd.s32 @!p0 $0x100000, s0;
	[bflag:$0x2] =	sbarrier.arrive $0xFFFF  }
0x53: {  	[sflag:s0] =	ssyncadd.tile.s32 @!p0 $0x1;
	_ =	shalt  }
.Lfunc_end2:
_tile_overlayer_lowered:
.L_overlay_start_2:
0x54: {  	(tag) =	ssettag $0x2  }
0x55: {  	s0 =	rddreg [dreg:$0x0];
	s2 =	stileid.u32  }
0x56: {  	s1 =	rddreg [dreg:$0x1];
	p0 =	sne.s32 s2, $0x0  }
0x57: {  	s3 =	rddreg [dreg:$0x2];
	[bflag:$0x3] =	sbarrier.arrive $0xFFFF;
	s2 =	simm.s32 @!p0 $0x1C01  }
0x58: {  	[timem:s3], [sflag:s2] =	dma.local @!p0 [hbm:s0], s1  }
0x59: {  	s0 =	simm.s32 @!p0 $0x1  }
0x5a: {  	_ =	swait.ge @!p0 [sflag:s0], s1  }
0x5b: {  	s1 =	ssub.s32 @!p0 $0x0, s1;
	[sflag:s0] =	ssyncset.done @!p0 $0x0  }
0x5c: {  	[sflag:s0] =	ssyncadd.s32 @!p0 s1  }
0x5d: {  	[bflag:$0x3] =	sbarrier.arrive $0xFFFF  }
0x5e: {  	_ =	shalt  }

// kernel: gather_offload_async_start.7
scs
__scs_entry_jumppad:
0x0: {  	(pc) =	sbr.rel $0x88, $3  }
0x1: {  	(tag) =	ssettag $0x0;
	lr =	simm.s32 $0x1  }
0x2: {  	[smem:$0x3F91] =	sst lr;
	_ =	strace $0xD0000000  }
0x3: {  	_ = 	snop  }
0x4: {  	_ = 	snop  }
0x5: {  	_ = 	snop  }
0x6: {  	_ = 	snop  }
0x7: {  	_ = 	snop  }
__scs_overlays_trampoline_lowered:
0x8: {  	[smem:$0x3FA0] =	sst s0  }
0x9: {  	[smem:$0x3FA1] =	sst s1  }
0xa: {  	[smem:$0x3FA2] =	sst s2  }
0xb: {  	[smem:$0x3FA3] =	sst s3  }
0xc: {  	[smem:$0x3FA4] =	sst s4  }
0xd: {  	[smem:$0x3FA5] =	sst s5  }
0xe: {  	[smem:$0x3FA6] =	sst s6  }
0xf: {  	[smem:$0x3FA7] =	sst s7  }
0x10: {  	[smem:$0x3FA8] =	sst s8  }
0x11: {  	[smem:$0x3FA9] =	sst s9;
	s0 =	simm.s32 @!p0 $0x0  }
0x12: {  	s1 =	sld [smem:$0x3F8F];
	s0 =	simm.s32 @p0 $0x1  }
0x13: {  	[smem:$0x3FAA] =	sst s0;
	s0 =	simm.s32 @!p1 $0x0  }
0x14: {  	s2 =	sld [smem:$0x3F8E];
	s0 =	simm.s32 @p1 $0x1  }
0x15: {  	[smem:$0x3FAB] =	sst s0;
	s0 =	simm.s32 @!p2 $0x0  }
0x16: {  	s3 =	sld [smem:$0x3FDB];
	s0 =	simm.s32 @p2 $0x1  }
0x17: {  	s4 =	simm.s32 $0x1BF5;
	[smem:$0x3FAD] =	sst s0  }
0x18: {  	s0 =	sld [smem:$0x3F90];
	_ =	swait.ge [sflag:s4], $0x0  }
0x19: {  	s7 =	sld [smem:$0x3F91]  }
0x1a: {  	s8 =	sadd.s32 $0xFFFFE003, lr  }
0x1b: {  	s9 =	sadd.s32 $0xFFFFFEF7, lr;
	s5 =	simm.s32 $0xFFFFFFFF;
	p2 =	slt.u32 s8, $0xFFFFF086  }
0x1c: {  	p1 =	slt.u32 s9, $0xF7A;
	s5 =	simm.s32 @!p2 $0x0  }
0x1d: {  	s5 =	simm.s32 @p1 $0x1;
	p0 =	seq.s32 s7, s2  }
0x1e: {  	s7 =	smul.u32 @!p0 $0xF7A, s2;
	p2 =	seq.s32 @!p0 s5, $0x0  }
0x1f: {  	s9 =	smul.u32 $0xF7A, s1;
	s8 =	simm.s32 @!p0 $0x1BF5;
	p2 =	por !p2, p0  }
0x20: {  	[sflag:s8] =	ssyncset.s32 @!p0 $0xFFFFF086;
	s6 =	sadd.s32 @!p0 s3, s7;
	s7 =	simm.s32 @!p0 $0x108  }
0x21: {  	s3 =	sadd.s32 s3, s9;
	s6 =	sadd.s32 @!p0 $0x88, s6;
	s7 =	simm.s32 @p2 $0x1082  }
0x22: {  	[simem:s7], [sflag:s8] =	dma.local @!p0 [hbm:s6], $0xF7A  }
0x23: {  	s9 =	sor.u32 $0xD0000000, s2;
	s6 =	simm.s32 $0x108;
	_ =	swait.ge @!p0 [sflag:s8], $0x0  }
0x24: {  	s3 =	sadd.s32 $0x88, s3;
	s6 =	simm.s32 @!p1 $0x1082;
	[sflag:s4] =	ssyncset.s32 $0xFFFFF086  }
0x25: {  	[simem:s6], [sflag:s4] =	dma.local [hbm:s3], $0xF7A  }
0x26: {  	[smem:$0x3F91] =	sst s1;
	(tag) =	ssettag s2;
	_ =	strace s9  }
0x27: {  	s1 =	sld [smem:$0x3FA1]  }
0x28: {  	s2 =	sld [smem:$0x3FA2]  }
0x29: {  	s4 =	sld [smem:$0x3FA4]  }
0x2a: {  	p0 =	seq.s32 s5, $0x0;
	s5 =	sld [smem:$0x3FA5]  }
0x2b: {  	s6 =	sld [smem:$0x3FA6]  }
0x2c: {  	s7 =	sld [smem:$0x3FA7]  }
0x2d: {  	s3 =	simm.s32 $0x108;
	s8 =	sld [smem:$0x3FA8]  }
0x2e: {  	s3 =	simm.s32 @!p0 $0x1082;
	s9 =	sld [smem:$0x3FA9]  }
0x2f: {  	lr =	sadd.s32 s0, s3;
	s0 =	sld [smem:$0x3FA0]  }
0x30: {  	s3 =	sld [smem:$0x3FA3]  }
0x31: {  	[smem:$0x3FAC] =	sst s10  }
0x32: {  	s10 =	sld [smem:$0x3FAA];
	_ =	sdelay $0x3  }
0x33: {  	p0 =	seq.s32 s10, $0x1;
	s10 =	sld [smem:$0x3FAC];
	_ =	sdelay $0x3  }
0x34: {  	[smem:$0x3FAC] =	sst s10  }
0x35: {  	s10 =	sld [smem:$0x3FAB];
	_ =	sdelay $0x3  }
0x36: {  	p1 =	seq.s32 s10, $0x1;
	s10 =	sld [smem:$0x3FAC];
	_ =	sdelay $0x3  }
0x37: {  	[smem:$0x3FAC] =	sst s10  }
0x38: {  	s10 =	sld [smem:$0x3FAD]  }
0x39: {  	_ = 	snop;
	(pc) =	sbr.ind lr, $3  }
0x3a: {  	_ = 	snop  }
0x3b: {  	_ = 	snop  }
0x3c: {  	p2 =	seq.s32 s10, $0x1;
	s10 =	sld [smem:$0x3FAC]  }
0x3d: {  	_ =	shalt  }
0x3e: {  	_ =	shalt  }
0x3f: {  	_ =	shalt  }
0x40: {  	_ =	shalt  }
0x41: {  	_ =	shalt  }
0x42: {  	_ =	shalt  }
0x43: {  	_ =	shalt  }
0x44: {  	_ =	shalt  }
0x45: {  	_ =	shalt  }
0x46: {  	_ =	shalt  }
0x47: {  	_ =	shalt  }
0x48: {  	_ =	shalt  }
0x49: {  	_ =	shalt  }
0x4a: {  	_ =	shalt  }
0x4b: {  	_ =	shalt  }
0x4c: {  	_ =	shalt  }
0x4d: {  	_ =	shalt  }
0x4e: {  	_ =	shalt  }
0x4f: {  	_ =	shalt  }
0x50: {  	_ =	shalt  }
0x51: {  	_ =	shalt  }
0x52: {  	_ =	shalt  }
0x53: {  	_ =	shalt  }
0x54: {  	_ =	shalt  }
0x55: {  	_ =	shalt  }
0x56: {  	_ =	shalt  }
0x57: {  	_ =	shalt  }
0x58: {  	_ =	shalt  }
0x59: {  	_ =	shalt  }
0x5a: {  	_ =	shalt  }
0x5b: {  	_ =	shalt  }
0x5c: {  	_ =	shalt  }
0x5d: {  	_ =	shalt  }
0x5e: {  	_ =	shalt  }
0x5f: {  	_ =	shalt  }
0x60: {  	_ =	shalt  }
0x61: {  	_ =	shalt  }
0x62: {  	_ =	shalt  }
0x63: {  	_ =	shalt  }
0x64: {  	_ =	shalt  }
0x65: {  	_ =	shalt  }
0x66: {  	_ =	shalt  }
0x67: {  	_ =	shalt  }
0x68: {  	_ =	shalt  }
0x69: {  	_ =	shalt  }
0x6a: {  	_ =	shalt  }
0x6b: {  	_ =	shalt  }
0x6c: {  	_ =	shalt  }
0x6d: {  	_ =	shalt  }
0x6e: {  	_ =	shalt  }
0x6f: {  	_ =	shalt  }
0x70: {  	_ =	shalt  }
0x71: {  	_ =	shalt  }
0x72: {  	_ =	shalt  }
0x73: {  	_ =	shalt  }
0x74: {  	_ =	shalt  }
0x75: {  	_ =	shalt  }
0x76: {  	_ =	shalt  }
0x77: {  	_ =	shalt  }
0x78: {  	_ =	shalt  }
0x79: {  	_ =	shalt  }
0x7a: {  	_ =	shalt  }
0x7b: {  	_ =	shalt  }
0x7c: {  	_ =	shalt  }
0x7d: {  	_ =	shalt  }
0x7e: {  	_ =	shalt  }
0x7f: {  	_ =	shalt  }
0x80: {  	_ =	shalt  }
0x81: {  	_ =	shalt  }
0x82: {  	_ =	shalt  }
0x83: {  	_ =	shalt  }
0x84: {  	_ =	shalt  }
0x85: {  	_ =	shalt  }
0x86: {  	_ =	shalt  }
0x87: {  	_ =	shalt  }
.Lfunc_end0:
.L_simem_size_0:
called_computation.7_lowered:
.L_overlay_start_0:
0x88: {  	s2 =	sld [smem:$0x3FD9]  }
0x89: {  	s3 =	sld [smem:$0x3FFE];
	_ =	sdelay $0x1  }
0x8a: {  	s1 =	srdreg.scid  }
0x8b: {  	s0 =	sand.u32 $0x1, s1  }
0x8c: {  	s17 =	sshll.u32 s0, $0xA;
	s2 =	sadd.s32 s3, s2  }
0x8d: {  	s2 =	sadd.s32 s2, s17  }
0x8e: {  	[smem:$0x3FB8] =	sst s2  }
0x8f: {  	_ = 	snop  }
0x90: {  	s18 =	sld [smem:$0x3FD0];
	(tm) =	ssettm $0x1  }
0x91: {  	s19 =	sld [smem:$0x3FFB];
	_ =	sdelay $0x3  }
0x92: {  	_ =	strace s19  }
0x93: {  	s2 =	sld [smem:$0x3FFC];
	_ =	sdelay $0x3  }
0x94: {  	_ =	strace s2  }
0x95: {  	s2 =	sld [smem:$0x3FFD];
	_ =	sdelay $0x3  }
0x96: {  	_ =	strace s2  }
0x97: {  	_ =	strace $0x8FFFFFFF  }
0x98: {  	s20 =	sld [smem:$0x3FDB];
	_ =	sdelay $0x1  }
0x99: {  	s4 =	simm.s32 $_scs_section_size  }
0x9a: {  	s5 =	simm.s32 $_size__tile_overlayer_lowered;
	s6 =	simm.s32 $_tile_overlayer_lowered  }
0x9b: {  	s7 =	simm.s32 $0x1BFF;
	s21 =	sshll.u32 s6, $0x1;
	s4 =	sadd.s32 s4, s20  }
0x9c: {  	s22 =	simm.s32 $0x0;
	s5 =	sshll.u32 s5, $0x1;
	s6 =	sadd.s32 s21, s4  }
0x9d: {  	[timem:s22], [sflag:s7] =	dma.local [hbm:s6], s5  }
0x9e: {  	_ =	swait.ge [sflag:s7], s5  }
0x9f: {  	s5 =	ssub.s32 $0x0, s5;
	[sflag:s7] =	ssyncset.done $0x0  }
0xa0: {  	[sflag:s7] =	ssyncadd.s32 s5;
	_ =	sdelay $0x1  }
0xa1: {  	s23 =	simm.s32 $0x1B8B  }
0xa2: {  	_ =	swait.ge [sflag:s23], $0x1  }
0xa3: {  	[sflag:s23] =	ssyncset.done $0x0  }
0xa4: {  	[sflag:s23] =	ssyncadd.s32 $0xFFFFFFFF  }
0xa5: {  	s5 =	sld [smem:$0x0]  }
0xa6: {  	s6 =	sand.u32 $0xFFFFFFFE, s1  }
0xa7: {  	p0 =	sne.s32 s1, s6  }
0xa8: {  	s6 =	sshll.u32 @p0 s6, $0xE  }
0xa9: {  	s6 =	sadd.s32 @p0 $0x11B8D, s6;
	s7 =	sshll.u32 @p0 s5, $0x11  }
0xaa: {  	s6 =	sor.u32 @p0 s7, s6  }
0xab: {  	[sflag:s6] =	ssyncadd.remote.s32 @p0 $0x1;
	_ =	sdelay $0x1  }
0xac: {  	s6 =	simm.s32 @p0 $0x1B8D  }
0xad: {  	_ =	swait.eq @p0 [sflag:s6], $0x1  }
0xae: {  	[sflag:s6] =	ssyncadd.s32 @p0 $0xFFFFFFFF  }
0xaf: {  	s7 =	sshll.u32 @!p0 s1, $0xE  }
0xb0: {  	s7 =	sor.u32 @!p0 $0x4000, s7;
	s6 =	simm.s32 @!p0 $0x1B8D  }
0xb1: {  	s5 =	sshll.u32 @!p0 s5, $0x11;
	s7 =	sadd.s32 @!p0 $0x11B8D, s7;
	_ =	swait.eq @!p0 [sflag:s6], $0x1  }
0xb2: {  	s5 =	sor.u32 @!p0 s5, s7;
	[sflag:s6] =	ssyncadd.s32 @!p0 $0xFFFFFFFF  }
0xb3: {  	s25 =	simm.s32 $0x1B8E;
	s24 =	sld [smem:$0x3FFE];
	[sflag:s5] =	ssyncadd.remote.s32 @!p0 $0x1  }
0xb4: {  	s26 =	simm.s32 $execute0_lowered;
	[smem:$0x3FD2] =	sst s25  }
0xb5: {  	s6 =	sshll.u32 s26, $0x1;
	_ =	strace $0x80000058;
	[dreg:$0x1] =	wrdreg $0xFFFFFFFF  }
0xb6: {  	s28 =	simm.s32 $_size_execute0_lowered;
	s4 =	sadd.s32 s4, s6;
	[dreg:$0x0] =	wrdreg $0x0  }
0xb7: {  	s6 =	sshll.u32 s28, $0x1;
	[dreg:$0x2] =	wrdreg s4  }
0xb8: {  	[dreg:$0x3] =	wrdreg s6  }
0xb9: {  	[dreg:$0x4] =	wrdreg $0xC0  }
0xba: {  	_ =	task [dreg:s22], $0x5FFFF  }
0xbb: {  	[dreg:$0x1] =	wrdreg $0xFFFFFFFF  }
0xbc: {  	[dreg:$0x0] =	wrdreg $0x60  }
0xbd: {  	[dreg:$0x2] =	wrdreg s18  }
0xbe: {  	[dreg:$0x3] =	wrdreg s24  }
0xbf: {  	[dreg:$0x4] =	wrdreg $0xD  }
0xc0: {  	_ =	task.clear_ibuf [dreg:s22], $0x5FFFF;
	_ =	strace $0x90000058  }
0xc1: {  	s29 =	simm.s32 $0xD;
	_ =	strace $0x8000005A  }
0xc2: {  	_ =	swait.ge [sflag:s29], $0x1  }
0xc3: {  	[sflag:s29] =	ssyncadd.s32 $0xFFFFFFFF  }
0xc4: {  	_ =	strace $0x9000005A  }
0xc5: {  	_ =	sfence  }
0xc6: {  	s30 =	sld [smem:$0x0];
	_ =	sdelay $0x2  }
0xc7: {  	s31 =	sshll.u32 s1, $0xD;
	s1 =	sshrl.u32 s1, $0x2  }
0xc8: {  	s4 =	sand.u32 $0x4000, s31;
	s1 =	sadd.s32 s1, s30  }
0xc9: {  	s0 =	sor.u32 s4, s0;
	s1 =	sshll.u32 s1, $0x11  }
0xca: {  	s0 =	sor.u32 s1, s0  }
0xcb: {  	s0 =	sadd.s32 $0x8F2B, s0  }
0xcc: {  	[sflag:s0] =	ssyncadd.remote.s32 $0x1  }
0xcd: {  	_ =	sfence.sel $0xFFFF  }
0xce: {  	[dreg:$0x0] =	wrdreg $0xFFFFFFFF;
	(pc) =	sbr.abs _section_cstart, $3  }
0xcf: {  	[dreg:$0x1] =	wrdreg $0xFFFFFFFF  }
0xd0: {  	_ =	task.clear_ibuf [dreg:s22], $0x2FFFF;
	_ =	strace $0x9FFFFFFF  }
0xd1: {  	(tm) =	ssettm $0x7FFFFFFF  }
tec
execute0_lowered:
.L_overlay_start_1:
0x0: {  	(tag) =	ssettag $0x1  }
0x1: {  	s2 =	rddreg [dreg:$0x0]  }
0x2: {  	s7 =	rddreg [dreg:$0x1]  }
0x3: {  	s0 =	rddreg [dreg:$0x2]  }
0x4: {  	s1 =	srdreg.scid;
	_ =	strace $0x80000059;
	s4 =	simm.s32 $0x1  }
0x5: {  	s9 =	simm.s32 $0x3;
	s12 =	simm.s32 $0x0;
	s5 =	sshll.u32 s1, $0x4  }
.Ltmp0:
0x6: {  	s1 =	stileid.u32;
	s5 =	sand.u32 $0x10, s5;
	(pc) =	sbr.rel .LBB2_1-.Ltmp0, $4  }
0x7: {  	s10 =	simm.s32 $0x0;
	s3 =	sadd.s32 $0x7B000, s7;
	s6 =	sor.u32 s1, s5  }
0x8: {  	[sflag:s4] =	ssyncpa.u1 $0x0;
	s5 =	simm.s32 $0x2;
	s6 =	sshll.u32 s6, $0x6  }
0x9: {  	s7 =	sadd.s32 $0x2E00, s7;
	[sflag:s5] =	ssyncpa.u1 $0x0;
	s8 =	sadd.s32 $0x40, s6  }
0xa: {  	vm0 =	vmmov $0xff;
	vm1 =	vcmask $0x3F20;
	[sflag:s9] =	ssyncpa.u1 $0x0;
	s9 =	simm.s32 $0x40;
	s11 =	smov.u32 s6  }
.LBB2_9:
0xb: {  	p0 =	seq.s32 s10, $0x2  }
.Ltmp1:
0xc: {  	_ = 	snop;
	(pc) =	sbr.rel @p0 .LBB2_11-.Ltmp1, $1  }
0xd: {  	_ =	sdelay $0x3  }
.LBB2_10:
0xe: {  	s12 =	sadd.s32 $0x40, s11  }
0xf: {  	s13 =	smov.u32 s6;
	p0 =	slt.s32 s12, s8  }
0x10: {  	s13 =	smov.u32 @p0 s12  }
0x11: {  	s10 =	sadd.s32 $0x1, s10;
	s12 =	smov.u32 s11;
	s11 =	smov.u32 s13  }
.LBB2_1:
0x12: {  	p0 =	sne.s32 s10, $0x0  }
.Ltmp2:
0x13: {  	_ = 	snop;
	(pc) =	sbr.rel @!p0 .LBB2_2-.Ltmp2, $1  }
0x14: {  	_ =	sdelay $0x3  }
0x15: {  	s13 =	sand.u32 $0x1, s10  }
0x16: {  	p0 =	seq.s32 s13, $0x0  }
.Ltmp3:
0x17: {  	_ = 	snop;
	(pc) =	sbr.rel @p0 .LBB2_9-.Ltmp3, $1  }
0x18: {  	_ =	sdelay $0x3  }
0x19: {  	_ =	swait.ge [sflag:s5], $0x40  }
0x1a: {  	[sflag:s5] =	ssyncset.done $0x0  }
0x1b: {  	s13 =	simm.s32 $0x0;
	[sflag:s5] =	ssyncadd.s32 $0xFFFFFFC0  }
0x1c: {  	v0 =	vld.msk [tilespmem:s13+$0x40 ss:$0x1], $0xffff;
	_ =	sdelay $0x4  }
0x1d: {  	vm2 =	vgt.s32 v0, $0x0  }
0x1e: {  	v0 =	vnsel vm2, $0x0, v0  }
0x1f: {  	v0 =	vmin.u32 v0, $0xFFF  }
0x20: {  	v0 =	vshll.u32 v0, $0x4;
	_ =	sdelay $0x3  }
0x21: {  	s13 =	simm.s32 $0x2080  }
0x22: {  	[tilespmem:s13], [sflag:$0x1] =	stream.indirect_vreg.gather [hbm:s2], $0x80, v0, vm0, $0x38;
	[tilespmem:$0x4080] =	vst v63  }
0x23: {  	s14 =	simm.s32 $0x2480;
	s31 =	simm.s32 $0x10  }
0x24: {  	[tilespmem:s14], [sflag:$0x1] =	stream.indirect_vreg.gather [hbm:s2], $0x80, v0, vm1, $0x38;
	[tilespmem:$0x4080] =	vst v63  }
0x25: {  	s14 =	simm.s32 $0x80;
	v0 =	vld.msk [tilespmem:s31+$0x40 ss:$0x1], $0xffff  }
.LBB2_5:
0x26: {  	p0 =	sne.s32 s14, $0xC0;
	_ =	sdelay $0x4  }
0x27: {  	vm2 =	vgt.s32 v0, $0x0  }
0x28: {  	v0 =	vnsel vm2, $0x0, v0  }
0x29: {  	v0 =	vmin.u32 v0, $0xFFF  }
0x2a: {  	v0 =	vshll.u32 v0, $0x4;
	_ =	sdelay $0x3  }
.Ltmp4:
0x2b: {  	s13 =	sadd.s32 $0x800, s13;
	(pc) =	sbr.rel @p0 .LBB2_5-.Ltmp4, $4  }
0x2c: {  	[tilespmem:s13], [sflag:$0x1] =	stream.indirect_vreg.gather [hbm:s2], $0x80, v0, vm0, $0x38;
	[tilespmem:$0x4080] =	vst v63  }
0x2d: {  	s15 =	sshra.s32 s14, $0x2;
	s16 =	sadd.s32 $0x400, s13  }
0x2e: {  	[tilespmem:s16], [sflag:$0x1] =	stream.indirect_vreg.gather [hbm:s2], $0x80, v0, vm1, $0x38;
	[tilespmem:$0x4080] =	vst v63  }
0x2f: {  	s14 =	sadd.s32 $0x40, s14;
	v0 =	vld.msk [tilespmem:s15+$0x40 ss:$0x1], $0xffff  }
0x30: {  	_ =	sdelay $0x3  }
0x31: {  	vm2 =	vgt.s32 v0, $0x0  }
0x32: {  	v0 =	vnsel vm2, $0x0, v0  }
0x33: {  	v0 =	vmin.u32 v0, $0xFFF  }
0x34: {  	v0 =	vshll.u32 v0, $0x4;
	_ =	sdelay $0x3  }
0x35: {  	s13 =	sadd.s32 $0x800, s13  }
0x36: {  	[tilespmem:s13], [sflag:$0x1] =	stream.indirect_vreg.gather [hbm:s2], $0x80, v0, vm0, $0x38;
	[tilespmem:$0x4080] =	vst v63  }
0x37: {  	s13 =	sadd.s32 $0x400, s13  }
0x38: {  	[tilespmem:s13], [sflag:$0x1] =	stream.indirect_vreg.gather [hbm:s2], $0x80, v0, vm1, $0x38;
	[tilespmem:$0x4080] =	vst v63  }
0x39: {  	s12 =	sshll.u32 s12, $0x4;
	s14 =	simm.s32 $0x80;
	_ =	swait.ge [sflag:s4], $0x2000  }
0x3a: {  	s15 =	simm.s32 $0x2480;
	s12 =	sadd.s32 s12, s7;
	[sflag:s4] =	ssyncset.done $0x0  }
0x3b: {  	s16 =	sadd.s32 $0x0, s12;
	s13 =	simm.s32 $0x2080;
	[sflag:s4] =	ssyncadd.s32 $0xFFFFE000  }
.LBB2_7:
0x3c: {  	[hbm:s16] =	stream.linear.scatter [tilespmem:s13], [sflag:$0x3], $0x400, $0x38;
	[tilespmem:$0x4080] =	vst v63  }
0x3d: {  	s16 =	smov.u32 s14;
	s13 =	smov.u32 s15;
	p0 =	sne.s32 s14, $0x380  }
.Ltmp5:
0x3e: {  	s14 =	sadd.s32 $0x80, s14;
	(pc) =	sbr.rel @p0 .LBB2_7-.Ltmp5, $2  }
0x3f: {  	_ =	sdelay $0x2  }
0x40: {  	s15 =	sadd.s32 $0x400, s15;
	s16 =	sadd.s32 s16, s12  }
.Ltmp6:
0x41: {  	(pc) =	sbr.rel .LBB2_9-.Ltmp6, $2  }
0x42: {  	_ =	sdelay $0x2  }
0x43: {  	[hbm:s16] =	stream.linear.scatter [tilespmem:s13], [sflag:$0x3], $0x400, $0x38;
	[tilespmem:$0x4080] =	vst v63  }
.LBB2_2:
.Ltmp7:
0x44: {  	(pc) =	sbr.rel .LBB2_10-.Ltmp7, $4  }
0x45: {  	_ = 	snop  }
0x46: {  	s12 =	sshrl.u32 s11, $0x3  }
0x47: {  	s13 =	sand.u32 $0x7, s11;
	s12 =	sadd.s32 s3, s12  }
0x48: {  	[tilespmem:s9], [sflag:$0x2] =	stream.linear.gather [hbm4b:s12+s13], $0x40, $0x38;
	[tilespmem:$0x4080] =	vst v63  }
.LBB2_11:
0x49: {  	s2 =	simm.s32 $0x3  }
0x4a: {  	_ =	swait.ge [sflag:s2], $0x2000  }
0x4b: {  	[sflag:s2] =	ssyncset.done $0x0  }
0x4c: {  	[sflag:s2] =	ssyncadd.s32 $0xFFFFE000  }
0x4d: {  	_ =	sfence.sel $0x180000  }
0x4e: {  	s3 =	simm.s32 $0x2;
	[bflag:$0x0] =	sbarrier.arrive $0xFFFF  }
0x4f: {  	[sflag:s3] =	ssyncpa.u1 $0x1  }
0x50: {  	s31 =	simm.s32 $0x1;
	[sflag:s2] =	ssyncpa.u1 $0x1  }
0x51: {  	[sflag:s31] =	ssyncpa.u1 $0x1  }
0x52: {  	p0 =	sne.s32 s1, $0x0;
	_ =	strace $0x90000059  }
0x53: {  	s0 =	sadd.s32 @!p0 $0x100000, s0;
	[bflag:$0x2] =	sbarrier.arrive $0xFFFF  }
0x54: {  	[sflag:s0] =	ssyncadd.tile.s32 @!p0 $0x1;
	_ =	shalt  }
.Lfunc_end2:
_tile_overlayer_lowered:
.L_overlay_start_2:
0x55: {  	(tag) =	ssettag $0x2  }
0x56: {  	s0 =	rddreg [dreg:$0x0];
	s2 =	stileid.u32  }
0x57: {  	s1 =	rddreg [dreg:$0x1];
	p0 =	sne.s32 s2, $0x0  }
0x58: {  	s3 =	rddreg [dreg:$0x2];
	[bflag:$0x3] =	sbarrier.arrive $0xFFFF;
	s2 =	simm.s32 @!p0 $0x1C01  }
0x59: {  	[timem:s3], [sflag:s2] =	dma.local @!p0 [hbm:s0], s1  }
0x5a: {  	s0 =	simm.s32 @!p0 $0x1  }
0x5b: {  	_ =	swait.ge @!p0 [sflag:s0], s1  }
0x5c: {  	s1 =	ssub.s32 @!p0 $0x0, s1;
	[sflag:s0] =	ssyncset.done @!p0 $0x0  }
0x5d: {  	[sflag:s0] =	ssyncadd.s32 @!p0 s1  }
0x5e: {  	[bflag:$0x3] =	sbarrier.arrive $0xFFFF  }
0x5f: {  	_ =	shalt  }

// kernel: gather_offload_async_start
scs
__scs_entry_jumppad:
0x0: {  	(pc) =	sbr.rel $0x88, $3  }
0x1: {  	(tag) =	ssettag $0x0;
	lr =	simm.s32 $0x1  }
0x2: {  	[smem:$0x3F91] =	sst lr;
	_ =	strace $0xD0000000  }
0x3: {  	_ = 	snop  }
0x4: {  	_ = 	snop  }
0x5: {  	_ = 	snop  }
0x6: {  	_ = 	snop  }
0x7: {  	_ = 	snop  }
__scs_overlays_trampoline_lowered:
0x8: {  	[smem:$0x3FA0] =	sst s0  }
0x9: {  	[smem:$0x3FA1] =	sst s1  }
0xa: {  	[smem:$0x3FA2] =	sst s2  }
0xb: {  	[smem:$0x3FA3] =	sst s3  }
0xc: {  	[smem:$0x3FA4] =	sst s4  }
0xd: {  	[smem:$0x3FA5] =	sst s5  }
0xe: {  	[smem:$0x3FA6] =	sst s6  }
0xf: {  	[smem:$0x3FA7] =	sst s7  }
0x10: {  	[smem:$0x3FA8] =	sst s8  }
0x11: {  	[smem:$0x3FA9] =	sst s9;
	s0 =	simm.s32 @!p0 $0x0  }
0x12: {  	s1 =	sld [smem:$0x3F8F];
	s0 =	simm.s32 @p0 $0x1  }
0x13: {  	[smem:$0x3FAA] =	sst s0;
	s0 =	simm.s32 @!p1 $0x0  }
0x14: {  	s2 =	sld [smem:$0x3F8E];
	s0 =	simm.s32 @p1 $0x1  }
0x15: {  	[smem:$0x3FAB] =	sst s0;
	s0 =	simm.s32 @!p2 $0x0  }
0x16: {  	s3 =	sld [smem:$0x3FDB];
	s0 =	simm.s32 @p2 $0x1  }
0x17: {  	s4 =	simm.s32 $0x1BF5;
	[smem:$0x3FAD] =	sst s0  }
0x18: {  	s0 =	sld [smem:$0x3F90];
	_ =	swait.ge [sflag:s4], $0x0  }
0x19: {  	s7 =	sld [smem:$0x3F91]  }
0x1a: {  	s8 =	sadd.s32 $0xFFFFE003, lr  }
0x1b: {  	s9 =	sadd.s32 $0xFFFFFEF7, lr;
	s5 =	simm.s32 $0xFFFFFFFF;
	p2 =	slt.u32 s8, $0xFFFFF086  }
0x1c: {  	p1 =	slt.u32 s9, $0xF7A;
	s5 =	simm.s32 @!p2 $0x0  }
0x1d: {  	s5 =	simm.s32 @p1 $0x1;
	p0 =	seq.s32 s7, s2  }
0x1e: {  	s7 =	smul.u32 @!p0 $0xF7A, s2;
	p2 =	seq.s32 @!p0 s5, $0x0  }
0x1f: {  	s9 =	smul.u32 $0xF7A, s1;
	s8 =	simm.s32 @!p0 $0x1BF5;
	p2 =	por !p2, p0  }
0x20: {  	[sflag:s8] =	ssyncset.s32 @!p0 $0xFFFFF086;
	s6 =	sadd.s32 @!p0 s3, s7;
	s7 =	simm.s32 @!p0 $0x108  }
0x21: {  	s3 =	sadd.s32 s3, s9;
	s6 =	sadd.s32 @!p0 $0x88, s6;
	s7 =	simm.s32 @p2 $0x1082  }
0x22: {  	[simem:s7], [sflag:s8] =	dma.local @!p0 [hbm:s6], $0xF7A  }
0x23: {  	s9 =	sor.u32 $0xD0000000, s2;
	s6 =	simm.s32 $0x108;
	_ =	swait.ge @!p0 [sflag:s8], $0x0  }
0x24: {  	s3 =	sadd.s32 $0x88, s3;
	s6 =	simm.s32 @!p1 $0x1082;
	[sflag:s4] =	ssyncset.s32 $0xFFFFF086  }
0x25: {  	[simem:s6], [sflag:s4] =	dma.local [hbm:s3], $0xF7A  }
0x26: {  	[smem:$0x3F91] =	sst s1;
	(tag) =	ssettag s2;
	_ =	strace s9  }
0x27: {  	s1 =	sld [smem:$0x3FA1]  }
0x28: {  	s2 =	sld [smem:$0x3FA2]  }
0x29: {  	s4 =	sld [smem:$0x3FA4]  }
0x2a: {  	p0 =	seq.s32 s5, $0x0;
	s5 =	sld [smem:$0x3FA5]  }
0x2b: {  	s6 =	sld [smem:$0x3FA6]  }
0x2c: {  	s7 =	sld [smem:$0x3FA7]  }
0x2d: {  	s3 =	simm.s32 $0x108;
	s8 =	sld [smem:$0x3FA8]  }
0x2e: {  	s3 =	simm.s32 @!p0 $0x1082;
	s9 =	sld [smem:$0x3FA9]  }
0x2f: {  	lr =	sadd.s32 s0, s3;
	s0 =	sld [smem:$0x3FA0]  }
0x30: {  	s3 =	sld [smem:$0x3FA3]  }
0x31: {  	[smem:$0x3FAC] =	sst s10  }
0x32: {  	s10 =	sld [smem:$0x3FAA];
	_ =	sdelay $0x3  }
0x33: {  	p0 =	seq.s32 s10, $0x1;
	s10 =	sld [smem:$0x3FAC];
	_ =	sdelay $0x3  }
0x34: {  	[smem:$0x3FAC] =	sst s10  }
0x35: {  	s10 =	sld [smem:$0x3FAB];
	_ =	sdelay $0x3  }
0x36: {  	p1 =	seq.s32 s10, $0x1;
	s10 =	sld [smem:$0x3FAC];
	_ =	sdelay $0x3  }
0x37: {  	[smem:$0x3FAC] =	sst s10  }
0x38: {  	s10 =	sld [smem:$0x3FAD]  }
0x39: {  	_ = 	snop;
	(pc) =	sbr.ind lr, $3  }
0x3a: {  	_ = 	snop  }
0x3b: {  	_ = 	snop  }
0x3c: {  	p2 =	seq.s32 s10, $0x1;
	s10 =	sld [smem:$0x3FAC]  }
0x3d: {  	_ =	shalt  }
0x3e: {  	_ =	shalt  }
0x3f: {  	_ =	shalt  }
0x40: {  	_ =	shalt  }
0x41: {  	_ =	shalt  }
0x42: {  	_ =	shalt  }
0x43: {  	_ =	shalt  }
0x44: {  	_ =	shalt  }
0x45: {  	_ =	shalt  }
0x46: {  	_ =	shalt  }
0x47: {  	_ =	shalt  }
0x48: {  	_ =	shalt  }
0x49: {  	_ =	shalt  }
0x4a: {  	_ =	shalt  }
0x4b: {  	_ =	shalt  }
0x4c: {  	_ =	shalt  }
0x4d: {  	_ =	shalt  }
0x4e: {  	_ =	shalt  }
0x4f: {  	_ =	shalt  }
0x50: {  	_ =	shalt  }
0x51: {  	_ =	shalt  }
0x52: {  	_ =	shalt  }
0x53: {  	_ =	shalt  }
0x54: {  	_ =	shalt  }
0x55: {  	_ =	shalt  }
0x56: {  	_ =	shalt  }
0x57: {  	_ =	shalt  }
0x58: {  	_ =	shalt  }
0x59: {  	_ =	shalt  }
0x5a: {  	_ =	shalt  }
0x5b: {  	_ =	shalt  }
0x5c: {  	_ =	shalt  }
0x5d: {  	_ =	shalt  }
0x5e: {  	_ =	shalt  }
0x5f: {  	_ =	shalt  }
0x60: {  	_ =	shalt  }
0x61: {  	_ =	shalt  }
0x62: {  	_ =	shalt  }
0x63: {  	_ =	shalt  }
0x64: {  	_ =	shalt  }
0x65: {  	_ =	shalt  }
0x66: {  	_ =	shalt  }
0x67: {  	_ =	shalt  }
0x68: {  	_ =	shalt  }
0x69: {  	_ =	shalt  }
0x6a: {  	_ =	shalt  }
0x6b: {  	_ =	shalt  }
0x6c: {  	_ =	shalt  }
0x6d: {  	_ =	shalt  }
0x6e: {  	_ =	shalt  }
0x6f: {  	_ =	shalt  }
0x70: {  	_ =	shalt  }
0x71: {  	_ =	shalt  }
0x72: {  	_ =	shalt  }
0x73: {  	_ =	shalt  }
0x74: {  	_ =	shalt  }
0x75: {  	_ =	shalt  }
0x76: {  	_ =	shalt  }
0x77: {  	_ =	shalt  }
0x78: {  	_ =	shalt  }
0x79: {  	_ =	shalt  }
0x7a: {  	_ =	shalt  }
0x7b: {  	_ =	shalt  }
0x7c: {  	_ =	shalt  }
0x7d: {  	_ =	shalt  }
0x7e: {  	_ =	shalt  }
0x7f: {  	_ =	shalt  }
0x80: {  	_ =	shalt  }
0x81: {  	_ =	shalt  }
0x82: {  	_ =	shalt  }
0x83: {  	_ =	shalt  }
0x84: {  	_ =	shalt  }
0x85: {  	_ =	shalt  }
0x86: {  	_ =	shalt  }
0x87: {  	_ =	shalt  }
.Lfunc_end0:
.L_simem_size_0:
called_computation_lowered:
.L_overlay_start_0:
0x88: {  	s2 =	sld [smem:$0x3FD9]  }
0x89: {  	s3 =	sld [smem:$0x3FFE];
	_ =	sdelay $0x1  }
0x8a: {  	s1 =	srdreg.scid  }
0x8b: {  	s0 =	sand.u32 $0x1, s1  }
0x8c: {  	s17 =	sshll.u32 s0, $0xA;
	s2 =	sadd.s32 s3, s2  }
0x8d: {  	s2 =	sadd.s32 s2, s17  }
0x8e: {  	[smem:$0x3FB8] =	sst s2  }
0x8f: {  	_ = 	snop  }
0x90: {  	(tm) =	ssettm $0x1  }
0x91: {  	s18 =	sld [smem:$0x3FFB];
	_ =	sdelay $0x3  }
0x92: {  	_ =	strace s18  }
0x93: {  	s2 =	sld [smem:$0x3FFC];
	_ =	sdelay $0x3  }
0x94: {  	_ =	strace s2  }
0x95: {  	s2 =	sld [smem:$0x3FFD];
	_ =	sdelay $0x3  }
0x96: {  	_ =	strace s2  }
0x97: {  	_ =	strace $0x8FFFFFFF  }
0x98: {  	s19 =	sld [smem:$0x3FDB];
	_ =	sdelay $0x1  }
0x99: {  	s20 =	simm.s32 $_scs_section_size  }
0x9a: {  	s4 =	simm.s32 $_size__tile_overlayer_lowered;
	s5 =	simm.s32 $_tile_overlayer_lowered  }
0x9b: {  	s6 =	simm.s32 $0x1BFF;
	s21 =	sshll.u32 s5, $0x1;
	s3 =	sadd.s32 s20, s19  }
0x9c: {  	s22 =	simm.s32 $0x0;
	s4 =	sshll.u32 s4, $0x1;
	s5 =	sadd.s32 s21, s3  }
0x9d: {  	[timem:s22], [sflag:s6] =	dma.local [hbm:s5], s4  }
0x9e: {  	_ =	swait.ge [sflag:s6], s4  }
0x9f: {  	s4 =	ssub.s32 $0x0, s4;
	[sflag:s6] =	ssyncset.done $0x0  }
0xa0: {  	[sflag:s6] =	ssyncadd.s32 s4;
	_ =	sdelay $0x1  }
0xa1: {  	s23 =	simm.s32 $0x1B8B  }
0xa2: {  	_ =	swait.ge [sflag:s23], $0x1  }
0xa3: {  	[sflag:s23] =	ssyncset.done $0x0  }
0xa4: {  	[sflag:s23] =	ssyncadd.s32 $0xFFFFFFFF  }
0xa5: {  	s4 =	sld [smem:$0x0]  }
0xa6: {  	s5 =	sand.u32 $0xFFFFFFFE, s1  }
0xa7: {  	p0 =	sne.s32 s1, s5  }
0xa8: {  	s5 =	sshll.u32 @p0 s5, $0xE  }
0xa9: {  	s5 =	sadd.s32 @p0 $0x11B8D, s5;
	s6 =	sshll.u32 @p0 s4, $0x11  }
0xaa: {  	s5 =	sor.u32 @p0 s6, s5  }
0xab: {  	[sflag:s5] =	ssyncadd.remote.s32 @p0 $0x1;
	_ =	sdelay $0x1  }
0xac: {  	s5 =	simm.s32 @p0 $0x1B8D  }
0xad: {  	_ =	swait.eq @p0 [sflag:s5], $0x1  }
0xae: {  	[sflag:s5] =	ssyncadd.s32 @p0 $0xFFFFFFFF  }
0xaf: {  	s6 =	sshll.u32 @!p0 s1, $0xE  }
0xb0: {  	s6 =	sor.u32 @!p0 $0x4000, s6;
	s5 =	simm.s32 @!p0 $0x1B8D  }
0xb1: {  	s4 =	sshll.u32 @!p0 s4, $0x11;
	s6 =	sadd.s32 @!p0 $0x11B8D, s6;
	_ =	swait.eq @!p0 [sflag:s5], $0x1  }
0xb2: {  	s4 =	sor.u32 @!p0 s4, s6;
	[sflag:s5] =	ssyncadd.s32 @!p0 $0xFFFFFFFF  }
0xb3: {  	s25 =	simm.s32 $0x1B8E;
	s24 =	sld [smem:$0x3FFE];
	[sflag:s4] =	ssyncadd.remote.s32 @!p0 $0x1  }
0xb4: {  	s26 =	simm.s32 $execute0_lowered;
	[smem:$0x3FD2] =	sst s25  }
0xb5: {  	s5 =	sshll.u32 s26, $0x1;
	_ =	strace $0x80000049;
	[dreg:$0x1] =	wrdreg $0xFFFFFFFF  }
0xb6: {  	s28 =	simm.s32 $_size_execute0_lowered;
	s3 =	sadd.s32 s3, s5;
	[dreg:$0x0] =	wrdreg $0x0  }
0xb7: {  	s5 =	sshll.u32 s28, $0x1;
	[dreg:$0x2] =	wrdreg s3  }
0xb8: {  	[dreg:$0x3] =	wrdreg s5  }
0xb9: {  	[dreg:$0x4] =	wrdreg $0xC0  }
0xba: {  	_ =	task [dreg:s22], $0x5FFFF  }
0xbb: {  	[dreg:$0x1] =	wrdreg $0xFFFFFFFF  }
0xbc: {  	[dreg:$0x0] =	wrdreg $0x60  }
0xbd: {  	[dreg:$0x2] =	wrdreg s24  }
0xbe: {  	[dreg:$0x3] =	wrdreg $0xD  }
0xbf: {  	_ =	task.clear_ibuf [dreg:s22], $0x4FFFF;
	_ =	strace $0x90000049  }
0xc0: {  	s29 =	simm.s32 $0xD;
	_ =	strace $0x8000004B  }
0xc1: {  	_ =	swait.ge [sflag:s29], $0x1  }
0xc2: {  	[sflag:s29] =	ssyncadd.s32 $0xFFFFFFFF  }
0xc3: {  	_ =	strace $0x9000004B  }
0xc4: {  	_ =	sfence  }
0xc5: {  	s30 =	sld [smem:$0x0];
	_ =	sdelay $0x2  }
0xc6: {  	s31 =	sshll.u32 s1, $0xD;
	s1 =	sshrl.u32 s1, $0x2  }
0xc7: {  	s4 =	sand.u32 $0x4000, s31;
	s1 =	sadd.s32 s1, s30  }
0xc8: {  	s0 =	sor.u32 s4, s0;
	s1 =	sshll.u32 s1, $0x11  }
0xc9: {  	s0 =	sor.u32 s1, s0  }
0xca: {  	s0 =	sadd.s32 $0x8F2B, s0  }
0xcb: {  	[sflag:s0] =	ssyncadd.remote.s32 $0x1  }
0xcc: {  	_ =	sfence.sel $0xFFFF  }
0xcd: {  	[dreg:$0x0] =	wrdreg $0xFFFFFFFF;
	(pc) =	sbr.abs _section_cstart, $3  }
0xce: {  	[dreg:$0x1] =	wrdreg $0xFFFFFFFF  }
0xcf: {  	_ =	task.clear_ibuf [dreg:s22], $0x2FFFF;
	_ =	strace $0x9FFFFFFF  }
0xd0: {  	(tm) =	ssettm $0x7FFFFFFF  }
0xd1: {  	_ =	shalt  }
tec
execute0_lowered:
.L_overlay_start_1:
0x0: {  	(tag) =	ssettag $0x1  }
0x1: {  	s2 =	rddreg [dreg:$0x0]  }
0x2: {  	s0 =	rddreg [dreg:$0x1]  }
0x3: {  	s1 =	srdreg.scid;
	_ =	strace $0x8000004A;
	s4 =	simm.s32 $0x1  }
0x4: {  	s9 =	simm.s32 $0x3;
	s12 =	simm.s32 $0x0;
	s5 =	sshll.u32 s1, $0x4  }
.Ltmp0:
0x5: {  	s1 =	stileid.u32;
	s5 =	sand.u32 $0x10, s5;
	(pc) =	sbr.rel .LBB2_1-.Ltmp0, $4  }
0x6: {  	s10 =	simm.s32 $0x0;
	s3 =	sadd.s32 $0x1AE00, s2;
	s6 =	sor.u32 s1, s5  }
0x7: {  	[sflag:s4] =	ssyncpa.u1 $0x0;
	s5 =	simm.s32 $0x2;
	s6 =	sshll.u32 s6, $0x6  }
0x8: {  	s7 =	sadd.s32 $0x2AE00, s2;
	[sflag:s5] =	ssyncpa.u1 $0x0;
	s8 =	sadd.s32 $0x40, s6  }
0x9: {  	vm0 =	vmmov $0xff;
	vm1 =	vcmask $0x3F20;
	[sflag:s9] =	ssyncpa.u1 $0x0;
	s9 =	simm.s32 $0x40;
	s11 =	smov.u32 s6  }
.LBB2_9:
0xa: {  	p0 =	seq.s32 s10, $0x2  }
.Ltmp1:
0xb: {  	_ = 	snop;
	(pc) =	sbr.rel @p0 .LBB2_11-.Ltmp1, $1  }
0xc: {  	_ =	sdelay $0x3  }
.LBB2_10:
0xd: {  	s12 =	sadd.s32 $0x40, s11  }
0xe: {  	s13 =	smov.u32 s6;
	p0 =	slt.s32 s12, s8  }
0xf: {  	s13 =	smov.u32 @p0 s12  }
0x10: {  	s10 =	sadd.s32 $0x1, s10;
	s12 =	smov.u32 s11;
	s11 =	smov.u32 s13  }
.LBB2_1:
0x11: {  	p0 =	sne.s32 s10, $0x0  }
.Ltmp2:
0x12: {  	_ = 	snop;
	(pc) =	sbr.rel @!p0 .LBB2_2-.Ltmp2, $1  }
0x13: {  	_ =	sdelay $0x3  }
0x14: {  	s13 =	sand.u32 $0x1, s10  }
0x15: {  	p0 =	seq.s32 s13, $0x0  }
.Ltmp3:
0x16: {  	_ = 	snop;
	(pc) =	sbr.rel @p0 .LBB2_9-.Ltmp3, $1  }
0x17: {  	_ =	sdelay $0x3  }
0x18: {  	_ =	swait.ge [sflag:s5], $0x40  }
0x19: {  	[sflag:s5] =	ssyncset.done $0x0  }
0x1a: {  	s13 =	simm.s32 $0x0;
	[sflag:s5] =	ssyncadd.s32 $0xFFFFFFC0  }
0x1b: {  	v0 =	vld.msk [tilespmem:s13+$0x40 ss:$0x1], $0xffff;
	_ =	sdelay $0x4  }
0x1c: {  	vm2 =	vgt.s32 v0, $0x0  }
0x1d: {  	v0 =	vnsel vm2, $0x0, v0  }
0x1e: {  	v0 =	vmin.u32 v0, $0xFFF  }
0x1f: {  	v0 =	vshll.u32 v0, $0x4;
	_ =	sdelay $0x3  }
0x20: {  	s13 =	simm.s32 $0x2080  }
0x21: {  	[tilespmem:s13], [sflag:$0x1] =	stream.indirect_vreg.gather [hbm:s3], $0x80, v0, vm0, $0x38;
	[tilespmem:$0x4080] =	vst v63  }
0x22: {  	s14 =	simm.s32 $0x2480;
	s31 =	simm.s32 $0x10  }
0x23: {  	[tilespmem:s14], [sflag:$0x1] =	stream.indirect_vreg.gather [hbm:s3], $0x80, v0, vm1, $0x38;
	[tilespmem:$0x4080] =	vst v63  }
0x24: {  	s14 =	simm.s32 $0x80;
	v0 =	vld.msk [tilespmem:s31+$0x40 ss:$0x1], $0xffff  }
.LBB2_5:
0x25: {  	p0 =	sne.s32 s14, $0xC0;
	_ =	sdelay $0x4  }
0x26: {  	vm2 =	vgt.s32 v0, $0x0  }
0x27: {  	v0 =	vnsel vm2, $0x0, v0  }
0x28: {  	v0 =	vmin.u32 v0, $0xFFF  }
0x29: {  	v0 =	vshll.u32 v0, $0x4;
	_ =	sdelay $0x3  }
.Ltmp4:
0x2a: {  	s13 =	sadd.s32 $0x800, s13;
	(pc) =	sbr.rel @p0 .LBB2_5-.Ltmp4, $4  }
0x2b: {  	[tilespmem:s13], [sflag:$0x1] =	stream.indirect_vreg.gather [hbm:s3], $0x80, v0, vm0, $0x38;
	[tilespmem:$0x4080] =	vst v63  }
0x2c: {  	s15 =	sshra.s32 s14, $0x2;
	s16 =	sadd.s32 $0x400, s13  }
0x2d: {  	[tilespmem:s16], [sflag:$0x1] =	stream.indirect_vreg.gather [hbm:s3], $0x80, v0, vm1, $0x38;
	[tilespmem:$0x4080] =	vst v63  }
0x2e: {  	s14 =	sadd.s32 $0x40, s14;
	v0 =	vld.msk [tilespmem:s15+$0x40 ss:$0x1], $0xffff  }
0x2f: {  	_ =	sdelay $0x3  }
0x30: {  	vm2 =	vgt.s32 v0, $0x0  }
0x31: {  	v0 =	vnsel vm2, $0x0, v0  }
0x32: {  	v0 =	vmin.u32 v0, $0xFFF  }
0x33: {  	v0 =	vshll.u32 v0, $0x4;
	_ =	sdelay $0x3  }
0x34: {  	s13 =	sadd.s32 $0x800, s13  }
0x35: {  	[tilespmem:s13], [sflag:$0x1] =	stream.indirect_vreg.gather [hbm:s3], $0x80, v0, vm0, $0x38;
	[tilespmem:$0x4080] =	vst v63  }
0x36: {  	s13 =	sadd.s32 $0x400, s13  }
0x37: {  	[tilespmem:s13], [sflag:$0x1] =	stream.indirect_vreg.gather [hbm:s3], $0x80, v0, vm1, $0x38;
	[tilespmem:$0x4080] =	vst v63  }
0x38: {  	s12 =	sshll.u32 s12, $0x4;
	s14 =	simm.s32 $0x80;
	_ =	swait.ge [sflag:s4], $0x2000  }
0x39: {  	s15 =	simm.s32 $0x2480;
	s12 =	sadd.s32 s12, s7;
	[sflag:s4] =	ssyncset.done $0x0  }
0x3a: {  	s16 =	sadd.s32 $0x0, s12;
	s13 =	simm.s32 $0x2080;
	[sflag:s4] =	ssyncadd.s32 $0xFFFFE000  }
.LBB2_7:
0x3b: {  	[hbm:s16] =	stream.linear.scatter [tilespmem:s13], [sflag:$0x3], $0x400, $0x38;
	[tilespmem:$0x4080] =	vst v63  }
0x3c: {  	s16 =	smov.u32 s14;
	s13 =	smov.u32 s15;
	p0 =	sne.s32 s14, $0x380  }
.Ltmp5:
0x3d: {  	s14 =	sadd.s32 $0x80, s14;
	(pc) =	sbr.rel @p0 .LBB2_7-.Ltmp5, $2  }
0x3e: {  	_ =	sdelay $0x2  }
0x3f: {  	s15 =	sadd.s32 $0x400, s15;
	s16 =	sadd.s32 s16, s12  }
.Ltmp6:
0x40: {  	(pc) =	sbr.rel .LBB2_9-.Ltmp6, $2  }
0x41: {  	_ =	sdelay $0x2  }
0x42: {  	[hbm:s16] =	stream.linear.scatter [tilespmem:s13], [sflag:$0x3], $0x400, $0x38;
	[tilespmem:$0x4080] =	vst v63  }
.LBB2_2:
.Ltmp7:
0x43: {  	(pc) =	sbr.rel .LBB2_10-.Ltmp7, $4  }
0x44: {  	_ = 	snop  }
0x45: {  	s12 =	sshrl.u32 s11, $0x3  }
0x46: {  	s13 =	sand.u32 $0x7, s11;
	s12 =	sadd.s32 s2, s12  }
0x47: {  	[tilespmem:s9], [sflag:$0x2] =	stream.linear.gather [hbm4b:s12+s13], $0x40, $0x38;
	[tilespmem:$0x4080] =	vst v63  }
.LBB2_11:
0x48: {  	s2 =	simm.s32 $0x3  }
0x49: {  	_ =	swait.ge [sflag:s2], $0x2000  }
0x4a: {  	[sflag:s2] =	ssyncset.done $0x0  }
0x4b: {  	[sflag:s2] =	ssyncadd.s32 $0xFFFFE000  }
0x4c: {  	_ =	sfence.sel $0x180000  }
0x4d: {  	s3 =	simm.s32 $0x2;
	[bflag:$0x0] =	sbarrier.arrive $0xFFFF  }
0x4e: {  	[sflag:s3] =	ssyncpa.u1 $0x1  }
0x4f: {  	s31 =	simm.s32 $0x1;
	[sflag:s2] =	ssyncpa.u1 $0x1  }
0x50: {  	[sflag:s31] =	ssyncpa.u1 $0x1  }
0x51: {  	p0 =	sne.s32 s1, $0x0;
	_ =	strace $0x9000004A  }
0x52: {  	s0 =	sadd.s32 @!p0 $0x100000, s0;
	[bflag:$0x2] =	sbarrier.arrive $0xFFFF  }
0x53: {  	[sflag:s0] =	ssyncadd.tile.s32 @!p0 $0x1;
	_ =	shalt  }
.Lfunc_end2:
_tile_overlayer_lowered:
.L_overlay_start_2:
0x54: {  	(tag) =	ssettag $0x2  }
0x55: {  	s0 =	rddreg [dreg:$0x0];
	s2 =	stileid.u32  }
0x56: {  	s1 =	rddreg [dreg:$0x1];
	p0 =	sne.s32 s2, $0x0  }
0x57: {  	s3 =	rddreg [dreg:$0x2];
	[bflag:$0x3] =	sbarrier.arrive $0xFFFF;
	s2 =	simm.s32 @!p0 $0x1C01  }
0x58: {  	[timem:s3], [sflag:s2] =	dma.local @!p0 [hbm:s0], s1  }
0x59: {  	s0 =	simm.s32 @!p0 $0x1  }
0x5a: {  	_ =	swait.ge @!p0 [sflag:s0], s1  }
0x5b: {  	s1 =	ssub.s32 @!p0 $0x0, s1;
	[sflag:s0] =	ssyncset.done @!p0 $0x0  }
0x5c: {  	[sflag:s0] =	ssyncadd.s32 @!p0 s1  }
0x5d: {  	[bflag:$0x3] =	sbarrier.arrive $0xFFFF  }
0x5e: {  	_ =	shalt  }

// kernel: kernel.15.cloned.1.call-start
scs
__scs_entry_jumppad:
0x0: {  	(pc) =	sbr.rel $0x88, $3  }
0x1: {  	(tag) =	ssettag $0x0;
	lr =	simm.s32 $0x1  }
0x2: {  	[smem:$0x3F91] =	sst lr;
	_ =	strace $0xD0000000  }
0x3: {  	_ = 	snop  }
0x4: {  	_ = 	snop  }
0x5: {  	_ = 	snop  }
0x6: {  	_ = 	snop  }
0x7: {  	_ = 	snop  }
__scs_overlays_trampoline_lowered:
0x8: {  	[smem:$0x3FA0] =	sst s0  }
0x9: {  	[smem:$0x3FA1] =	sst s1  }
0xa: {  	[smem:$0x3FA2] =	sst s2  }
0xb: {  	[smem:$0x3FA3] =	sst s3  }
0xc: {  	[smem:$0x3FA4] =	sst s4  }
0xd: {  	[smem:$0x3FA5] =	sst s5  }
0xe: {  	[smem:$0x3FA6] =	sst s6  }
0xf: {  	[smem:$0x3FA7] =	sst s7  }
0x10: {  	[smem:$0x3FA8] =	sst s8  }
0x11: {  	[smem:$0x3FA9] =	sst s9;
	s0 =	simm.s32 @!p0 $0x0  }
0x12: {  	s1 =	sld [smem:$0x3F8F];
	s0 =	simm.s32 @p0 $0x1  }
0x13: {  	[smem:$0x3FAA] =	sst s0;
	s0 =	simm.s32 @!p1 $0x0  }
0x14: {  	s2 =	sld [smem:$0x3F8E];
	s0 =	simm.s32 @p1 $0x1  }
0x15: {  	[smem:$0x3FAB] =	sst s0;
	s0 =	simm.s32 @!p2 $0x0  }
0x16: {  	s3 =	sld [smem:$0x3FDB];
	s0 =	simm.s32 @p2 $0x1  }
0x17: {  	s4 =	simm.s32 $0x1BF5;
	[smem:$0x3FAD] =	sst s0  }
0x18: {  	s0 =	sld [smem:$0x3F90];
	_ =	swait.ge [sflag:s4], $0x0  }
0x19: {  	s7 =	sld [smem:$0x3F91]  }
0x1a: {  	s8 =	sadd.s32 $0xFFFFE003, lr  }
0x1b: {  	s9 =	sadd.s32 $0xFFFFFEF7, lr;
	s5 =	simm.s32 $0xFFFFFFFF;
	p2 =	slt.u32 s8, $0xFFFFF086  }
0x1c: {  	p1 =	slt.u32 s9, $0xF7A;
	s5 =	simm.s32 @!p2 $0x0  }
0x1d: {  	s5 =	simm.s32 @p1 $0x1;
	p0 =	seq.s32 s7, s2  }
0x1e: {  	s7 =	smul.u32 @!p0 $0xF7A, s2;
	p2 =	seq.s32 @!p0 s5, $0x0  }
0x1f: {  	s9 =	smul.u32 $0xF7A, s1;
	s8 =	simm.s32 @!p0 $0x1BF5;
	p2 =	por !p2, p0  }
0x20: {  	[sflag:s8] =	ssyncset.s32 @!p0 $0xFFFFF086;
	s6 =	sadd.s32 @!p0 s3, s7;
	s7 =	simm.s32 @!p0 $0x108  }
0x21: {  	s3 =	sadd.s32 s3, s9;
	s6 =	sadd.s32 @!p0 $0x88, s6;
	s7 =	simm.s32 @p2 $0x1082  }
0x22: {  	[simem:s7], [sflag:s8] =	dma.local @!p0 [hbm:s6], $0xF7A  }
0x23: {  	s9 =	sor.u32 $0xD0000000, s2;
	s6 =	simm.s32 $0x108;
	_ =	swait.ge @!p0 [sflag:s8], $0x0  }
0x24: {  	s3 =	sadd.s32 $0x88, s3;
	s6 =	simm.s32 @!p1 $0x1082;
	[sflag:s4] =	ssyncset.s32 $0xFFFFF086  }
0x25: {  	[simem:s6], [sflag:s4] =	dma.local [hbm:s3], $0xF7A  }
0x26: {  	[smem:$0x3F91] =	sst s1;
	(tag) =	ssettag s2;
	_ =	strace s9  }
0x27: {  	s1 =	sld [smem:$0x3FA1]  }
0x28: {  	s2 =	sld [smem:$0x3FA2]  }
0x29: {  	s4 =	sld [smem:$0x3FA4]  }
0x2a: {  	p0 =	seq.s32 s5, $0x0;
	s5 =	sld [smem:$0x3FA5]  }
0x2b: {  	s6 =	sld [smem:$0x3FA6]  }
0x2c: {  	s7 =	sld [smem:$0x3FA7]  }
0x2d: {  	s3 =	simm.s32 $0x108;
	s8 =	sld [smem:$0x3FA8]  }
0x2e: {  	s3 =	simm.s32 @!p0 $0x1082;
	s9 =	sld [smem:$0x3FA9]  }
0x2f: {  	lr =	sadd.s32 s0, s3;
	s0 =	sld [smem:$0x3FA0]  }
0x30: {  	s3 =	sld [smem:$0x3FA3]  }
0x31: {  	[smem:$0x3FAC] =	sst s10  }
0x32: {  	s10 =	sld [smem:$0x3FAA];
	_ =	sdelay $0x3  }
0x33: {  	p0 =	seq.s32 s10, $0x1;
	s10 =	sld [smem:$0x3FAC];
	_ =	sdelay $0x3  }
0x34: {  	[smem:$0x3FAC] =	sst s10  }
0x35: {  	s10 =	sld [smem:$0x3FAB];
	_ =	sdelay $0x3  }
0x36: {  	p1 =	seq.s32 s10, $0x1;
	s10 =	sld [smem:$0x3FAC];
	_ =	sdelay $0x3  }
0x37: {  	[smem:$0x3FAC] =	sst s10  }
0x38: {  	s10 =	sld [smem:$0x3FAD]  }
0x39: {  	_ = 	snop;
	(pc) =	sbr.ind lr, $3  }
0x3a: {  	_ = 	snop  }
0x3b: {  	_ = 	snop  }
0x3c: {  	p2 =	seq.s32 s10, $0x1;
	s10 =	sld [smem:$0x3FAC]  }
0x3d: {  	_ =	shalt  }
0x3e: {  	_ =	shalt  }
0x3f: {  	_ =	shalt  }
0x40: {  	_ =	shalt  }
0x41: {  	_ =	shalt  }
0x42: {  	_ =	shalt  }
0x43: {  	_ =	shalt  }
0x44: {  	_ =	shalt  }
0x45: {  	_ =	shalt  }
0x46: {  	_ =	shalt  }
0x47: {  	_ =	shalt  }
0x48: {  	_ =	shalt  }
0x49: {  	_ =	shalt  }
0x4a: {  	_ =	shalt  }
0x4b: {  	_ =	shalt  }
0x4c: {  	_ =	shalt  }
0x4d: {  	_ =	shalt  }
0x4e: {  	_ =	shalt  }
0x4f: {  	_ =	shalt  }
0x50: {  	_ =	shalt  }
0x51: {  	_ =	shalt  }
0x52: {  	_ =	shalt  }
0x53: {  	_ =	shalt  }
0x54: {  	_ =	shalt  }
0x55: {  	_ =	shalt  }
0x56: {  	_ =	shalt  }
0x57: {  	_ =	shalt  }
0x58: {  	_ =	shalt  }
0x59: {  	_ =	shalt  }
0x5a: {  	_ =	shalt  }
0x5b: {  	_ =	shalt  }
0x5c: {  	_ =	shalt  }
0x5d: {  	_ =	shalt  }
0x5e: {  	_ =	shalt  }
0x5f: {  	_ =	shalt  }
0x60: {  	_ =	shalt  }
0x61: {  	_ =	shalt  }
0x62: {  	_ =	shalt  }
0x63: {  	_ =	shalt  }
0x64: {  	_ =	shalt  }
0x65: {  	_ =	shalt  }
0x66: {  	_ =	shalt  }
0x67: {  	_ =	shalt  }
0x68: {  	_ =	shalt  }
0x69: {  	_ =	shalt  }
0x6a: {  	_ =	shalt  }
0x6b: {  	_ =	shalt  }
0x6c: {  	_ =	shalt  }
0x6d: {  	_ =	shalt  }
0x6e: {  	_ =	shalt  }
0x6f: {  	_ =	shalt  }
0x70: {  	_ =	shalt  }
0x71: {  	_ =	shalt  }
0x72: {  	_ =	shalt  }
0x73: {  	_ =	shalt  }
0x74: {  	_ =	shalt  }
0x75: {  	_ =	shalt  }
0x76: {  	_ =	shalt  }
0x77: {  	_ =	shalt  }
0x78: {  	_ =	shalt  }
0x79: {  	_ =	shalt  }
0x7a: {  	_ =	shalt  }
0x7b: {  	_ =	shalt  }
0x7c: {  	_ =	shalt  }
0x7d: {  	_ =	shalt  }
0x7e: {  	_ =	shalt  }
0x7f: {  	_ =	shalt  }
0x80: {  	_ =	shalt  }
0x81: {  	_ =	shalt  }
0x82: {  	_ =	shalt  }
0x83: {  	_ =	shalt  }
0x84: {  	_ =	shalt  }
0x85: {  	_ =	shalt  }
0x86: {  	_ =	shalt  }
0x87: {  	_ =	shalt  }
.Lfunc_end0:
.L_simem_size_0:
called_computation.8_lowered:
.L_overlay_start_0:
0x88: {  	s2 =	sld [smem:$0x3FD9]  }
0x89: {  	s3 =	sld [smem:$0x3FFE];
	_ =	sdelay $0x1  }
0x8a: {  	s1 =	srdreg.scid  }
0x8b: {  	s0 =	sand.u32 $0x1, s1  }
0x8c: {  	s17 =	sshll.u32 s0, $0xA;
	s2 =	sadd.s32 s3, s2  }
0x8d: {  	s2 =	sadd.s32 s2, s17  }
0x8e: {  	[smem:$0x3FB8] =	sst s2  }
0x8f: {  	_ = 	snop  }
0x90: {  	s18 =	sld [smem:$0x3FD0];
	(tm) =	ssettm $0x1  }
0x91: {  	s19 =	sld [smem:$0x3FFB];
	_ =	sdelay $0x3  }
0x92: {  	_ =	strace s19  }
0x93: {  	s2 =	sld [smem:$0x3FFC];
	_ =	sdelay $0x3  }
0x94: {  	_ =	strace s2  }
0x95: {  	s2 =	sld [smem:$0x3FFD];
	_ =	sdelay $0x3  }
0x96: {  	_ =	strace s2  }
0x97: {  	_ =	strace $0x8FFFFFFF  }
0x98: {  	s20 =	sld [smem:$0x3FDB];
	_ =	sdelay $0x1  }
0x99: {  	s4 =	simm.s32 $_scs_section_size  }
0x9a: {  	s5 =	simm.s32 $_size__tile_overlayer_lowered;
	s6 =	simm.s32 $_tile_overlayer_lowered  }
0x9b: {  	s7 =	simm.s32 $0x1BFF;
	s21 =	sshll.u32 s6, $0x1;
	s4 =	sadd.s32 s4, s20  }
0x9c: {  	s22 =	simm.s32 $0x0;
	s5 =	sshll.u32 s5, $0x1;
	s6 =	sadd.s32 s21, s4  }
0x9d: {  	[timem:s22], [sflag:s7] =	dma.local [hbm:s6], s5  }
0x9e: {  	_ =	swait.ge [sflag:s7], s5  }
0x9f: {  	s5 =	ssub.s32 $0x0, s5;
	[sflag:s7] =	ssyncset.done $0x0  }
0xa0: {  	[sflag:s7] =	ssyncadd.s32 s5;
	_ =	sdelay $0x1  }
0xa1: {  	s23 =	simm.s32 $0x1B8B  }
0xa2: {  	_ =	swait.ge [sflag:s23], $0x1  }
0xa3: {  	[sflag:s23] =	ssyncset.done $0x0  }
0xa4: {  	[sflag:s23] =	ssyncadd.s32 $0xFFFFFFFF  }
0xa5: {  	s5 =	sld [smem:$0x0]  }
0xa6: {  	s6 =	sand.u32 $0xFFFFFFFE, s1  }
0xa7: {  	p0 =	sne.s32 s1, s6  }
0xa8: {  	s6 =	sshll.u32 @p0 s6, $0xE  }
0xa9: {  	s6 =	sadd.s32 @p0 $0x11B8D, s6;
	s7 =	sshll.u32 @p0 s5, $0x11  }
0xaa: {  	s6 =	sor.u32 @p0 s7, s6  }
0xab: {  	[sflag:s6] =	ssyncadd.remote.s32 @p0 $0x1;
	_ =	sdelay $0x1  }
0xac: {  	s6 =	simm.s32 @p0 $0x1B8D  }
0xad: {  	_ =	swait.eq @p0 [sflag:s6], $0x1  }
0xae: {  	[sflag:s6] =	ssyncadd.s32 @p0 $0xFFFFFFFF  }
0xaf: {  	s7 =	sshll.u32 @!p0 s1, $0xE  }
0xb0: {  	s7 =	sor.u32 @!p0 $0x4000, s7;
	s6 =	simm.s32 @!p0 $0x1B8D  }
0xb1: {  	s5 =	sshll.u32 @!p0 s5, $0x11;
	s7 =	sadd.s32 @!p0 $0x11B8D, s7;
	_ =	swait.eq @!p0 [sflag:s6], $0x1  }
0xb2: {  	s5 =	sor.u32 @!p0 s5, s7;
	[sflag:s6] =	ssyncadd.s32 @!p0 $0xFFFFFFFF  }
0xb3: {  	s25 =	simm.s32 $0x1B8E;
	s24 =	sld [smem:$0x3FFE];
	[sflag:s5] =	ssyncadd.remote.s32 @!p0 $0x1  }
0xb4: {  	s26 =	simm.s32 $execute0_lowered;
	[smem:$0x3FD2] =	sst s25  }
0xb5: {  	s6 =	sshll.u32 s26, $0x1;
	_ =	strace $0x80000061;
	[dreg:$0x1] =	wrdreg $0xFFFFFFFF  }
0xb6: {  	s28 =	simm.s32 $_size_execute0_lowered;
	s4 =	sadd.s32 s4, s6;
	[dreg:$0x0] =	wrdreg $0x0  }
0xb7: {  	s6 =	sshll.u32 s28, $0x1;
	[dreg:$0x2] =	wrdreg s4  }
0xb8: {  	[dreg:$0x3] =	wrdreg s6  }
0xb9: {  	[dreg:$0x4] =	wrdreg $0xC0  }
0xba: {  	_ =	task [dreg:s22], $0x5FFFF  }
0xbb: {  	[dreg:$0x1] =	wrdreg $0xFFFFFFFF  }
0xbc: {  	[dreg:$0x0] =	wrdreg $0x60  }
0xbd: {  	[dreg:$0x2] =	wrdreg s24  }
0xbe: {  	[dreg:$0x3] =	wrdreg s18  }
0xbf: {  	[dreg:$0x4] =	wrdreg $0x9  }
0xc0: {  	_ =	task.clear_ibuf [dreg:s22], $0x5FFFF;
	_ =	strace $0x90000061  }
0xc1: {  	s29 =	simm.s32 $0x9;
	_ =	strace $0x80000063  }
0xc2: {  	_ =	swait.ge [sflag:s29], $0x1  }
0xc3: {  	[sflag:s29] =	ssyncadd.s32 $0xFFFFFFFF  }
0xc4: {  	_ =	strace $0x90000063  }
0xc5: {  	_ =	sfence  }
0xc6: {  	s30 =	sld [smem:$0x0];
	_ =	sdelay $0x2  }
0xc7: {  	s31 =	sshll.u32 s1, $0xD;
	s1 =	sshrl.u32 s1, $0x2  }
0xc8: {  	s4 =	sand.u32 $0x4000, s31;
	s1 =	sadd.s32 s1, s30  }
0xc9: {  	s0 =	sor.u32 s4, s0;
	s1 =	sshll.u32 s1, $0x11  }
0xca: {  	s0 =	sor.u32 s1, s0  }
0xcb: {  	s0 =	sadd.s32 $0x8F2B, s0  }
0xcc: {  	[sflag:s0] =	ssyncadd.remote.s32 $0x1  }
0xcd: {  	_ =	sfence.sel $0xFFFF  }
0xce: {  	[dreg:$0x0] =	wrdreg $0xFFFFFFFF;
	(pc) =	sbr.abs _section_cstart, $3  }
0xcf: {  	[dreg:$0x1] =	wrdreg $0xFFFFFFFF  }
0xd0: {  	_ =	task.clear_ibuf [dreg:s22], $0x2FFFF;
	_ =	strace $0x9FFFFFFF  }
0xd1: {  	(tm) =	ssettm $0x7FFFFFFF  }
tec
execute0_lowered:
.L_overlay_start_1:
0x0: {  	(tag) =	ssettag $0x1  }
0x1: {  	s4 =	rddreg [dreg:$0x0]  }
0x2: {  	s6 =	rddreg [dreg:$0x1]  }
0x3: {  	s0 =	rddreg [dreg:$0x2];
	s2 =	simm.s32 $0x0;
	s1 =	stileid.u32  }
0x4: {  	s3 =	srdreg.scid;
	[smem:$0x7FF] =	sst s2  }
0x5: {  	s5 =	sshll.u32 s1, $0x11;
	s7 =	sand.u32 $0x1, s3;
	s3 =	sadd.s32 $0x9B200, s4  }
0x6: {  	s9 =	sshll.u32 s1, $0xD;
	_ =	strace $0x80000062;
	s5 =	sadd.s32 s5, s4  }
0x7: {  	s29 =	ssub.s32 $0x2, s7;
	s10 =	sshll.u32 s7, $0xC;
	s7 =	sshll.u32 s7, $0x10  }
0x8: {  	s8 =	sshrl.u32 s29, $0x1;
	s30 =	sor.u32 s10, s9;
	s5 =	sadd.s32 s7, s5  }
0x9: {  	s7 =	simm.s32 $0x2;
	s9 =	simm.s32 $0x1;
	s10 =	simm.s32 $0x0  }
0xa: {  	s4 =	ssub.s32 s29, s8;
	s31 =	sshrl.u32 s30, $0x3;
	s5 =	sadd.s32 $0x31B200, s5  }
0xb: {  	s8 =	simm.s32 $0x80;
	s4 =	smax.u32 s4, $0x1;
	s6 =	sadd.s32 s31, s6  }
.LBB2_1:
0xc: {  	s11 =	sadd.s32 $0x0, s6  }
0xd: {  	[tilespmem:s2], [sflag:$0x2] =	stream.linear.gather [hbm4b:s11+s2], $0x80, $0x38;
	[tilespmem:$0x4080] =	vst v63  }
0xe: {  	_ =	swait.ge [sflag:s7], $0x80  }
0xf: {  	[sflag:s7] =	ssyncset.done $0x0  }
0x10: {  	[sflag:s7] =	ssyncadd.s32 $0xFFFFFF80  }
0x11: {  	[tilespmem:s8], [sflag:$0x1] =	stream.indirect.gather [hbm4b:s3+s8], $0x80, s2, s8, $0xb8;
	[tilespmem:$0x4080] =	vst v63  }
0x12: {  	_ =	swait.ge [sflag:s9], $0x4000  }
0x13: {  	[sflag:s9] =	ssyncset.done $0x0  }
0x14: {  	[sflag:s9] =	ssyncadd.s32 $0xFFFFC000  }
0x15: {  	[hbm4b:s5+s2] =	stream.linear.scatter [tilespmem:s8], [sflag:$0x2], $0x4000, $0x38;
	[tilespmem:$0x4080] =	vst v63  }
0x16: {  	s12 =	simm.s32 $0x10;
	_ =	swait.ge [sflag:s7], $0x4000  }
0x17: {  	s13 =	simm.s32 $0x20;
	s11 =	sadd.s32 $0x800, s5;
	[sflag:s7] =	ssyncset.done $0x0  }
.LBB2_2:
0x18: {  	s14 =	sadd.s32 s12, s6  }
0x19: {  	[sflag:s7] =	ssyncadd.s32 $0xFFFFC000;
	s12 =	smov.u32 s13;
	s15 =	sadd.s32 $0x10, s13  }
0x1a: {  	[tilespmem:s2], [sflag:$0x2] =	stream.linear.gather [hbm4b:s14+s2], $0x80, $0x38;
	[tilespmem:$0x4080] =	vst v63  }
0x1b: {  	p0 =	sne.s32 s13, $0x1F0;
	_ =	swait.ge [sflag:s7], $0x80  }
0x1c: {  	[sflag:s7] =	ssyncset.done $0x0  }
0x1d: {  	[sflag:s7] =	ssyncadd.s32 $0xFFFFFF80  }
0x1e: {  	[tilespmem:s8], [sflag:$0x1] =	stream.indirect.gather [hbm4b:s3+s8], $0x80, s2, s8, $0xb8;
	[tilespmem:$0x4080] =	vst v63  }
0x1f: {  	_ =	swait.ge [sflag:s9], $0x4000  }
.Ltmp0:
0x20: {  	[sflag:s9] =	ssyncset.done $0x0;
	(pc) =	sbr.rel @p0 .LBB2_2-.Ltmp0, $4  }
0x21: {  	[sflag:s9] =	ssyncadd.s32 $0xFFFFC000  }
0x22: {  	[hbm4b:s11+s2] =	stream.linear.scatter [tilespmem:s8], [sflag:$0x2], $0x4000, $0x38;
	[tilespmem:$0x4080] =	vst v63  }
0x23: {  	_ =	swait.ge [sflag:s7], $0x4000  }
0x24: {  	s13 =	smov.u32 s15;
	s11 =	sadd.s32 $0x800, s11;
	[sflag:s7] =	ssyncset.done $0x0  }
0x25: {  	s12 =	sadd.s32 s12, s6;
	[sflag:s7] =	ssyncadd.s32 $0xFFFFC000  }
0x26: {  	[tilespmem:s2], [sflag:$0x2] =	stream.linear.gather [hbm4b:s12+s2], $0x80, $0x38;
	[tilespmem:$0x4080] =	vst v63  }
0x27: {  	_ =	swait.ge [sflag:s7], $0x80  }
0x28: {  	[sflag:s7] =	ssyncset.done $0x0  }
0x29: {  	[sflag:s7] =	ssyncadd.s32 $0xFFFFFF80  }
0x2a: {  	[tilespmem:s8], [sflag:$0x1] =	stream.indirect.gather [hbm4b:s3+s8], $0x80, s2, s8, $0xb8;
	[tilespmem:$0x4080] =	vst v63  }
0x2b: {  	s10 =	sadd.s32 $0x1, s10;
	_ =	swait.ge [sflag:s9], $0x4000  }
0x2c: {  	p0 =	sne.s32 s10, s4;
	[sflag:s9] =	ssyncset.done $0x0  }
.Ltmp1:
0x2d: {  	[sflag:s9] =	ssyncadd.s32 $0xFFFFC000;
	(pc) =	sbr.rel @p0 .LBB2_1-.Ltmp1, $4  }
0x2e: {  	[hbm4b:s11+s2] =	stream.linear.scatter [tilespmem:s8], [sflag:$0x2], $0x4000, $0x38;
	[tilespmem:$0x4080] =	vst v63  }
0x2f: {  	_ =	swait.ge [sflag:s7], $0x4000  }
0x30: {  	[sflag:s7] =	ssyncset.done $0x0  }
0x31: {  	[sflag:s7] =	ssyncadd.s32 $0xFFFFC000  }
0x32: {  	_ =	sfence.sel $0x180000  }
0x33: {  	[bflag:$0x0] =	sbarrier.arrive $0xFFFF  }
0x34: {  	p0 =	sne.s32 s1, $0x0;
	_ =	strace $0x90000062  }
0x35: {  	s0 =	sadd.s32 @!p0 $0x100000, s0;
	[bflag:$0x2] =	sbarrier.arrive $0xFFFF  }
0x36: {  	[sflag:s0] =	ssyncadd.tile.s32 @!p0 $0x1;
	_ =	shalt  }
.Lfunc_end2:
_tile_overlayer_lowered:
.L_overlay_start_2:
0x37: {  	(tag) =	ssettag $0x2  }
0x38: {  	s0 =	rddreg [dreg:$0x0];
	s2 =	stileid.u32  }
0x39: {  	s1 =	rddreg [dreg:$0x1];
	p0 =	sne.s32 s2, $0x0  }
0x3a: {  	s3 =	rddreg [dreg:$0x2];
	[bflag:$0x3] =	sbarrier.arrive $0xFFFF;
	s2 =	simm.s32 @!p0 $0x1C02  }
0x3b: {  	[timem:s3], [sflag:s2] =	dma.local @!p0 [hbm:s0], s1  }
0x3c: {  	s0 =	simm.s32 @!p0 $0x2  }
0x3d: {  	_ =	swait.ge @!p0 [sflag:s0], s1  }
0x3e: {  	s1 =	ssub.s32 @!p0 $0x0, s1;
	[sflag:s0] =	ssyncset.done @!p0 $0x0  }
0x3f: {  	[sflag:s0] =	ssyncadd.s32 @!p0 s1  }
0x40: {  	[bflag:$0x3] =	sbarrier.arrive $0xFFFF  }
0x41: {  	_ =	shalt  }

// kernel: kernel.18.cloned.1.call-start
scs
__scs_entry_jumppad:
0x0: {  	(pc) =	sbr.rel $0x88, $3  }
0x1: {  	(tag) =	ssettag $0x0;
	lr =	simm.s32 $0x1  }
0x2: {  	[smem:$0x3F91] =	sst lr;
	_ =	strace $0xD0000000  }
0x3: {  	_ = 	snop  }
0x4: {  	_ = 	snop  }
0x5: {  	_ = 	snop  }
0x6: {  	_ = 	snop  }
0x7: {  	_ = 	snop  }
__scs_overlays_trampoline_lowered:
0x8: {  	[smem:$0x3FA0] =	sst s0  }
0x9: {  	[smem:$0x3FA1] =	sst s1  }
0xa: {  	[smem:$0x3FA2] =	sst s2  }
0xb: {  	[smem:$0x3FA3] =	sst s3  }
0xc: {  	[smem:$0x3FA4] =	sst s4  }
0xd: {  	[smem:$0x3FA5] =	sst s5  }
0xe: {  	[smem:$0x3FA6] =	sst s6  }
0xf: {  	[smem:$0x3FA7] =	sst s7  }
0x10: {  	[smem:$0x3FA8] =	sst s8  }
0x11: {  	[smem:$0x3FA9] =	sst s9;
	s0 =	simm.s32 @!p0 $0x0  }
0x12: {  	s1 =	sld [smem:$0x3F8F];
	s0 =	simm.s32 @p0 $0x1  }
0x13: {  	[smem:$0x3FAA] =	sst s0;
	s0 =	simm.s32 @!p1 $0x0  }
0x14: {  	s2 =	sld [smem:$0x3F8E];
	s0 =	simm.s32 @p1 $0x1  }
0x15: {  	[smem:$0x3FAB] =	sst s0;
	s0 =	simm.s32 @!p2 $0x0  }
0x16: {  	s3 =	sld [smem:$0x3FDB];
	s0 =	simm.s32 @p2 $0x1  }
0x17: {  	s4 =	simm.s32 $0x1BF5;
	[smem:$0x3FAD] =	sst s0  }
0x18: {  	s0 =	sld [smem:$0x3F90];
	_ =	swait.ge [sflag:s4], $0x0  }
0x19: {  	s7 =	sld [smem:$0x3F91]  }
0x1a: {  	s8 =	sadd.s32 $0xFFFFE003, lr  }
0x1b: {  	s9 =	sadd.s32 $0xFFFFFEF7, lr;
	s5 =	simm.s32 $0xFFFFFFFF;
	p2 =	slt.u32 s8, $0xFFFFF086  }
0x1c: {  	p1 =	slt.u32 s9, $0xF7A;
	s5 =	simm.s32 @!p2 $0x0  }
0x1d: {  	s5 =	simm.s32 @p1 $0x1;
	p0 =	seq.s32 s7, s2  }
0x1e: {  	s7 =	smul.u32 @!p0 $0xF7A, s2;
	p2 =	seq.s32 @!p0 s5, $0x0  }
0x1f: {  	s9 =	smul.u32 $0xF7A, s1;
	s8 =	simm.s32 @!p0 $0x1BF5;
	p2 =	por !p2, p0  }
0x20: {  	[sflag:s8] =	ssyncset.s32 @!p0 $0xFFFFF086;
	s6 =	sadd.s32 @!p0 s3, s7;
	s7 =	simm.s32 @!p0 $0x108  }
0x21: {  	s3 =	sadd.s32 s3, s9;
	s6 =	sadd.s32 @!p0 $0x88, s6;
	s7 =	simm.s32 @p2 $0x1082  }
0x22: {  	[simem:s7], [sflag:s8] =	dma.local @!p0 [hbm:s6], $0xF7A  }
0x23: {  	s9 =	sor.u32 $0xD0000000, s2;
	s6 =	simm.s32 $0x108;
	_ =	swait.ge @!p0 [sflag:s8], $0x0  }
0x24: {  	s3 =	sadd.s32 $0x88, s3;
	s6 =	simm.s32 @!p1 $0x1082;
	[sflag:s4] =	ssyncset.s32 $0xFFFFF086  }
0x25: {  	[simem:s6], [sflag:s4] =	dma.local [hbm:s3], $0xF7A  }
0x26: {  	[smem:$0x3F91] =	sst s1;
	(tag) =	ssettag s2;
	_ =	strace s9  }
0x27: {  	s1 =	sld [smem:$0x3FA1]  }
0x28: {  	s2 =	sld [smem:$0x3FA2]  }
0x29: {  	s4 =	sld [smem:$0x3FA4]  }
0x2a: {  	p0 =	seq.s32 s5, $0x0;
	s5 =	sld [smem:$0x3FA5]  }
0x2b: {  	s6 =	sld [smem:$0x3FA6]  }
0x2c: {  	s7 =	sld [smem:$0x3FA7]  }
0x2d: {  	s3 =	simm.s32 $0x108;
	s8 =	sld [smem:$0x3FA8]  }
0x2e: {  	s3 =	simm.s32 @!p0 $0x1082;
	s9 =	sld [smem:$0x3FA9]  }
0x2f: {  	lr =	sadd.s32 s0, s3;
	s0 =	sld [smem:$0x3FA0]  }
0x30: {  	s3 =	sld [smem:$0x3FA3]  }
0x31: {  	[smem:$0x3FAC] =	sst s10  }
0x32: {  	s10 =	sld [smem:$0x3FAA];
	_ =	sdelay $0x3  }
0x33: {  	p0 =	seq.s32 s10, $0x1;
	s10 =	sld [smem:$0x3FAC];
	_ =	sdelay $0x3  }
0x34: {  	[smem:$0x3FAC] =	sst s10  }
0x35: {  	s10 =	sld [smem:$0x3FAB];
	_ =	sdelay $0x3  }
0x36: {  	p1 =	seq.s32 s10, $0x1;
	s10 =	sld [smem:$0x3FAC];
	_ =	sdelay $0x3  }
0x37: {  	[smem:$0x3FAC] =	sst s10  }
0x38: {  	s10 =	sld [smem:$0x3FAD]  }
0x39: {  	_ = 	snop;
	(pc) =	sbr.ind lr, $3  }
0x3a: {  	_ = 	snop  }
0x3b: {  	_ = 	snop  }
0x3c: {  	p2 =	seq.s32 s10, $0x1;
	s10 =	sld [smem:$0x3FAC]  }
0x3d: {  	_ =	shalt  }
0x3e: {  	_ =	shalt  }
0x3f: {  	_ =	shalt  }
0x40: {  	_ =	shalt  }
0x41: {  	_ =	shalt  }
0x42: {  	_ =	shalt  }
0x43: {  	_ =	shalt  }
0x44: {  	_ =	shalt  }
0x45: {  	_ =	shalt  }
0x46: {  	_ =	shalt  }
0x47: {  	_ =	shalt  }
0x48: {  	_ =	shalt  }
0x49: {  	_ =	shalt  }
0x4a: {  	_ =	shalt  }
0x4b: {  	_ =	shalt  }
0x4c: {  	_ =	shalt  }
0x4d: {  	_ =	shalt  }
0x4e: {  	_ =	shalt  }
0x4f: {  	_ =	shalt  }
0x50: {  	_ =	shalt  }
0x51: {  	_ =	shalt  }
0x52: {  	_ =	shalt  }
0x53: {  	_ =	shalt  }
0x54: {  	_ =	shalt  }
0x55: {  	_ =	shalt  }
0x56: {  	_ =	shalt  }
0x57: {  	_ =	shalt  }
0x58: {  	_ =	shalt  }
0x59: {  	_ =	shalt  }
0x5a: {  	_ =	shalt  }
0x5b: {  	_ =	shalt  }
0x5c: {  	_ =	shalt  }
0x5d: {  	_ =	shalt  }
0x5e: {  	_ =	shalt  }
0x5f: {  	_ =	shalt  }
0x60: {  	_ =	shalt  }
0x61: {  	_ =	shalt  }
0x62: {  	_ =	shalt  }
0x63: {  	_ =	shalt  }
0x64: {  	_ =	shalt  }
0x65: {  	_ =	shalt  }
0x66: {  	_ =	shalt  }
0x67: {  	_ =	shalt  }
0x68: {  	_ =	shalt  }
0x69: {  	_ =	shalt  }
0x6a: {  	_ =	shalt  }
0x6b: {  	_ =	shalt  }
0x6c: {  	_ =	shalt  }
0x6d: {  	_ =	shalt  }
0x6e: {  	_ =	shalt  }
0x6f: {  	_ =	shalt  }
0x70: {  	_ =	shalt  }
0x71: {  	_ =	shalt  }
0x72: {  	_ =	shalt  }
0x73: {  	_ =	shalt  }
0x74: {  	_ =	shalt  }
0x75: {  	_ =	shalt  }
0x76: {  	_ =	shalt  }
0x77: {  	_ =	shalt  }
0x78: {  	_ =	shalt  }
0x79: {  	_ =	shalt  }
0x7a: {  	_ =	shalt  }
0x7b: {  	_ =	shalt  }
0x7c: {  	_ =	shalt  }
0x7d: {  	_ =	shalt  }
0x7e: {  	_ =	shalt  }
0x7f: {  	_ =	shalt  }
0x80: {  	_ =	shalt  }
0x81: {  	_ =	shalt  }
0x82: {  	_ =	shalt  }
0x83: {  	_ =	shalt  }
0x84: {  	_ =	shalt  }
0x85: {  	_ =	shalt  }
0x86: {  	_ =	shalt  }
0x87: {  	_ =	shalt  }
.Lfunc_end0:
.L_simem_size_0:
called_computation.9_lowered:
.L_overlay_start_0:
0x88: {  	s2 =	sld [smem:$0x3FD9]  }
0x89: {  	s3 =	sld [smem:$0x3FFE];
	_ =	sdelay $0x1  }
0x8a: {  	s1 =	srdreg.scid  }
0x8b: {  	s0 =	sand.u32 $0x1, s1  }
0x8c: {  	s16 =	sshll.u32 s0, $0xA;
	s2 =	sadd.s32 s3, s2  }
0x8d: {  	s2 =	sadd.s32 s2, s16  }
0x8e: {  	[smem:$0x3FB8] =	sst s2  }
0x8f: {  	_ = 	snop  }
0x90: {  	(tm) =	ssettm $0x1  }
0x91: {  	s17 =	sld [smem:$0x3FFB];
	_ =	sdelay $0x3  }
0x92: {  	_ =	strace s17  }
0x93: {  	s2 =	sld [smem:$0x3FFC];
	_ =	sdelay $0x3  }
0x94: {  	_ =	strace s2  }
0x95: {  	s2 =	sld [smem:$0x3FFD];
	_ =	sdelay $0x3  }
0x96: {  	_ =	strace s2  }
0x97: {  	_ =	strace $0x8FFFFFFF  }
0x98: {  	s18 =	sld [smem:$0x3FDB];
	_ =	sdelay $0x1  }
0x99: {  	s19 =	simm.s32 $_scs_section_size  }
0x9a: {  	s4 =	simm.s32 $_size__tile_overlayer_lowered;
	s5 =	simm.s32 $_tile_overlayer_lowered  }
0x9b: {  	s22 =	simm.s32 $0x1BFF;
	s21 =	sshll.u32 s5, $0x1;
	s2 =	sadd.s32 s19, s18  }
0x9c: {  	s6 =	simm.s32 $0x0;
	s20 =	sshll.u32 s4, $0x1;
	s4 =	sadd.s32 s21, s2  }
0x9d: {  	[timem:s6], [sflag:s22] =	dma.local [hbm:s4], s20  }
0x9e: {  	_ =	swait.ge [sflag:s22], s20  }
0x9f: {  	s3 =	ssub.s32 $0x0, s20;
	[sflag:s22] =	ssyncset.done $0x0  }
0xa0: {  	[sflag:s22] =	ssyncadd.s32 s3;
	_ =	sdelay $0x1  }
0xa1: {  	s23 =	simm.s32 $0x1B8B  }
0xa2: {  	_ =	swait.ge [sflag:s23], $0x1  }
0xa3: {  	[sflag:s23] =	ssyncset.done $0x0  }
0xa4: {  	s25 =	simm.s32 $0x1B8E;
	s24 =	sld [smem:$0x3FFE];
	[sflag:s23] =	ssyncadd.s32 $0xFFFFFFFF  }
0xa5: {  	s26 =	simm.s32 $execute0_lowered;
	[smem:$0x3FD2] =	sst s25  }
0xa6: {  	s4 =	sshll.u32 s26, $0x1;
	_ =	strace $0x8000005E;
	[dreg:$0x1] =	wrdreg $0xFFFFFFFF  }
0xa7: {  	s28 =	simm.s32 $_size_execute0_lowered;
	s2 =	sadd.s32 s2, s4;
	[dreg:$0x0] =	wrdreg $0x0  }
0xa8: {  	s4 =	sshll.u32 s28, $0x1;
	[dreg:$0x2] =	wrdreg s2  }
0xa9: {  	[dreg:$0x3] =	wrdreg s4  }
0xaa: {  	[dreg:$0x4] =	wrdreg $0xC0  }
0xab: {  	_ =	task [dreg:s6], $0x5FFFF  }
0xac: {  	[dreg:$0x1] =	wrdreg $0xFFFFFFFF  }
0xad: {  	[dreg:$0x0] =	wrdreg $0x60  }
0xae: {  	[dreg:$0x2] =	wrdreg s24  }
0xaf: {  	[dreg:$0x3] =	wrdreg $0xA  }
0xb0: {  	_ =	task.clear_ibuf [dreg:s6], $0x4FFFF;
	_ =	strace $0x9000005E  }
0xb1: {  	s29 =	simm.s32 $0xA;
	_ =	strace $0x80000060  }
0xb2: {  	_ =	swait.ge [sflag:s29], $0x1  }
0xb3: {  	[sflag:s29] =	ssyncadd.s32 $0xFFFFFFFF  }
0xb4: {  	_ =	strace $0x90000060  }
0xb5: {  	_ =	sfence  }
0xb6: {  	s30 =	sld [smem:$0x0];
	_ =	sdelay $0x2  }
0xb7: {  	s31 =	sshll.u32 s1, $0xD;
	s1 =	sshrl.u32 s1, $0x2  }
0xb8: {  	s3 =	sand.u32 $0x4000, s31;
	s1 =	sadd.s32 s1, s30  }
0xb9: {  	s0 =	sor.u32 s3, s0;
	s1 =	sshll.u32 s1, $0x11  }
0xba: {  	s0 =	sor.u32 s1, s0  }
0xbb: {  	s0 =	sadd.s32 $0x8F2B, s0  }
0xbc: {  	[sflag:s0] =	ssyncadd.remote.s32 $0x1  }
0xbd: {  	_ =	sfence.sel $0xFFFF  }
0xbe: {  	[dreg:$0x0] =	wrdreg $0xFFFFFFFF;
	(pc) =	sbr.abs _section_cstart, $3  }
0xbf: {  	[dreg:$0x1] =	wrdreg $0xFFFFFFFF  }
0xc0: {  	_ =	task.clear_ibuf [dreg:s6], $0x2FFFF;
	_ =	strace $0x9FFFFFFF  }
0xc1: {  	(tm) =	ssettm $0x7FFFFFFF  }
tec
execute0_lowered:
.L_overlay_start_1:
0x0: {  	(tag) =	ssettag $0x1  }
0x1: {  	s4 =	rddreg [dreg:$0x0]  }
0x2: {  	s0 =	rddreg [dreg:$0x1];
	s2 =	simm.s32 $0x0;
	s3 =	srdreg.scid  }
0x3: {  	s1 =	stileid.u32;
	s10 =	simm.s32 $0x0;
	[smem:$0x7FF] =	sst s2  }
0x4: {  	s5 =	sand.u32 $0x1, s3;
	s6 =	sshll.u32 s1, $0xD;
	s3 =	sadd.s32 $0x9B200, s4  }
0x5: {  	s8 =	sshll.u32 s1, $0x11;
	_ =	strace $0x8000005F;
	s7 =	sshll.u32 s5, $0xC  }
0x6: {  	s31 =	ssub.s32 $0x2, s5;
	s8 =	sadd.s32 s8, s4;
	s5 =	sshll.u32 s5, $0x10  }
0x7: {  	s6 =	sor.u32 s7, s6;
	s9 =	sshrl.u32 s31, $0x1;
	s5 =	sadd.s32 s5, s8  }
0x8: {  	s8 =	simm.s32 $0x80;
	s6 =	sshrl.u32 s6, $0x3;
	s7 =	ssub.s32 s31, s9  }
0x9: {  	s5 =	sadd.s32 $0x11B200, s5;
	s9 =	simm.s32 $0x1;
	s6 =	sadd.s32 s6, s4  }
0xa: {  	s4 =	smax.u32 s7, $0x1;
	s7 =	simm.s32 $0x2;
	s6 =	sadd.s32 $0x2E00, s6  }
.LBB2_1:
0xb: {  	s11 =	sadd.s32 $0x0, s6  }
0xc: {  	[tilespmem:s2], [sflag:$0x2] =	stream.linear.gather [hbm4b:s11+s2], $0x80, $0x38;
	[tilespmem:$0x4080] =	vst v63  }
0xd: {  	_ =	swait.ge [sflag:s7], $0x80  }
0xe: {  	[sflag:s7] =	ssyncset.done $0x0  }
0xf: {  	[sflag:s7] =	ssyncadd.s32 $0xFFFFFF80  }
0x10: {  	[tilespmem:s8], [sflag:$0x1] =	stream.indirect.gather [hbm4b:s3+s8], $0x80, s2, s8, $0xb8;
	[tilespmem:$0x4080] =	vst v63  }
0x11: {  	_ =	swait.ge [sflag:s9], $0x4000  }
0x12: {  	[sflag:s9] =	ssyncset.done $0x0  }
0x13: {  	[sflag:s9] =	ssyncadd.s32 $0xFFFFC000  }
0x14: {  	[hbm4b:s5+s2] =	stream.linear.scatter [tilespmem:s8], [sflag:$0x2], $0x4000, $0x38;
	[tilespmem:$0x4080] =	vst v63  }
0x15: {  	s12 =	simm.s32 $0x10;
	_ =	swait.ge [sflag:s7], $0x4000  }
0x16: {  	s13 =	simm.s32 $0x20;
	s11 =	sadd.s32 $0x800, s5;
	[sflag:s7] =	ssyncset.done $0x0  }
.LBB2_2:
0x17: {  	s14 =	sadd.s32 s12, s6  }
0x18: {  	[sflag:s7] =	ssyncadd.s32 $0xFFFFC000;
	s12 =	smov.u32 s13;
	s15 =	sadd.s32 $0x10, s13  }
0x19: {  	[tilespmem:s2], [sflag:$0x2] =	stream.linear.gather [hbm4b:s14+s2], $0x80, $0x38;
	[tilespmem:$0x4080] =	vst v63  }
0x1a: {  	p0 =	sne.s32 s13, $0x1F0;
	_ =	swait.ge [sflag:s7], $0x80  }
0x1b: {  	[sflag:s7] =	ssyncset.done $0x0  }
0x1c: {  	[sflag:s7] =	ssyncadd.s32 $0xFFFFFF80  }
0x1d: {  	[tilespmem:s8], [sflag:$0x1] =	stream.indirect.gather [hbm4b:s3+s8], $0x80, s2, s8, $0xb8;
	[tilespmem:$0x4080] =	vst v63  }
0x1e: {  	_ =	swait.ge [sflag:s9], $0x4000  }
.Ltmp0:
0x1f: {  	[sflag:s9] =	ssyncset.done $0x0;
	(pc) =	sbr.rel @p0 .LBB2_2-.Ltmp0, $4  }
0x20: {  	[sflag:s9] =	ssyncadd.s32 $0xFFFFC000  }
0x21: {  	[hbm4b:s11+s2] =	stream.linear.scatter [tilespmem:s8], [sflag:$0x2], $0x4000, $0x38;
	[tilespmem:$0x4080] =	vst v63  }
0x22: {  	_ =	swait.ge [sflag:s7], $0x4000  }
0x23: {  	s13 =	smov.u32 s15;
	s11 =	sadd.s32 $0x800, s11;
	[sflag:s7] =	ssyncset.done $0x0  }
0x24: {  	s12 =	sadd.s32 s12, s6;
	[sflag:s7] =	ssyncadd.s32 $0xFFFFC000  }
0x25: {  	[tilespmem:s2], [sflag:$0x2] =	stream.linear.gather [hbm4b:s12+s2], $0x80, $0x38;
	[tilespmem:$0x4080] =	vst v63  }
0x26: {  	_ =	swait.ge [sflag:s7], $0x80  }
0x27: {  	[sflag:s7] =	ssyncset.done $0x0  }
0x28: {  	[sflag:s7] =	ssyncadd.s32 $0xFFFFFF80  }
0x29: {  	[tilespmem:s8], [sflag:$0x1] =	stream.indirect.gather [hbm4b:s3+s8], $0x80, s2, s8, $0xb8;
	[tilespmem:$0x4080] =	vst v63  }
0x2a: {  	s10 =	sadd.s32 $0x1, s10;
	_ =	swait.ge [sflag:s9], $0x4000  }
0x2b: {  	p0 =	sne.s32 s10, s4;
	[sflag:s9] =	ssyncset.done $0x0  }
.Ltmp1:
0x2c: {  	[sflag:s9] =	ssyncadd.s32 $0xFFFFC000;
	(pc) =	sbr.rel @p0 .LBB2_1-.Ltmp1, $4  }
0x2d: {  	[hbm4b:s11+s2] =	stream.linear.scatter [tilespmem:s8], [sflag:$0x2], $0x4000, $0x38;
	[tilespmem:$0x4080] =	vst v63  }
0x2e: {  	_ =	swait.ge [sflag:s7], $0x4000  }
0x2f: {  	[sflag:s7] =	ssyncset.done $0x0  }
0x30: {  	[sflag:s7] =	ssyncadd.s32 $0xFFFFC000  }
0x31: {  	_ =	sfence.sel $0x180000  }
0x32: {  	[bflag:$0x0] =	sbarrier.arrive $0xFFFF  }
0x33: {  	p0 =	sne.s32 s1, $0x0;
	_ =	strace $0x9000005F  }
0x34: {  	s0 =	sadd.s32 @!p0 $0x100000, s0;
	[bflag:$0x2] =	sbarrier.arrive $0xFFFF  }
0x35: {  	[sflag:s0] =	ssyncadd.tile.s32 @!p0 $0x1;
	_ =	shalt  }
.Lfunc_end2:
_tile_overlayer_lowered:
.L_overlay_start_2:
0x36: {  	(tag) =	ssettag $0x2  }
0x37: {  	s0 =	rddreg [dreg:$0x0];
	s2 =	stileid.u32  }
0x38: {  	s1 =	rddreg [dreg:$0x1];
	p0 =	sne.s32 s2, $0x0  }
0x39: {  	s3 =	rddreg [dreg:$0x2];
	[bflag:$0x3] =	sbarrier.arrive $0xFFFF;
	s2 =	simm.s32 @!p0 $0x1C02  }
0x3a: {  	[timem:s3], [sflag:s2] =	dma.local @!p0 [hbm:s0], s1  }
0x3b: {  	s0 =	simm.s32 @!p0 $0x2  }
0x3c: {  	_ =	swait.ge @!p0 [sflag:s0], s1  }
0x3d: {  	s1 =	ssub.s32 @!p0 $0x0, s1;
	[sflag:s0] =	ssyncset.done @!p0 $0x0  }
0x3e: {  	[sflag:s0] =	ssyncadd.s32 @!p0 s1  }
0x3f: {  	[bflag:$0x3] =	sbarrier.arrive $0xFFFF  }
0x40: {  	_ =	shalt  }

</sc_bundles>
